<compile_context>
chip_gen: v7x
topology: tpu7x:2x2x1
jax: 0.10.2.dev20260603
libtpu: 0.0.44.dev20260713+nightly
codegen_flags: <defaults>
</compile_context>

<pallas_src>
import functools

import jax
import jax.numpy as jnp
from jax import lax
from jax.experimental import pallas as pl
from jax.experimental.pallas import tpu as pltpu
from jax.experimental.pallas import tpu_sc as plsc

N = 10000
F = 128
H = 64
G = 64
E = 320000

NC = 2
NS = 16
NW = NC * NS

CH = 128
EPAD = 327680
CPW = EPAD // (NW * CH)
NPAD = 10240
RPT = NPAD // NS
DW = 8

BN = 1024
NBLK = NPAD // BN

_mesh = plsc.VectorSubcoreMesh(
    core_axis_name="c", subcore_axis_name="s", num_cores=NC, num_subcores=NS)



@functools.partial(
    pl.kernel,
    out_type=jax.ShapeDtypeStruct((NC, NPAD, DW), jnp.float32),
    mesh=_mesh,
    compiler_params=pltpu.CompilerParams(use_tc_tiling_on_sc=False),
    scratch_types=[
        pltpu.VMEM((CPW, CH), jnp.int32),
        pltpu.VMEM((CH, DW), jnp.float32),
        pltpu.VMEM((CH, DW), jnp.float32),
        pltpu.VMEM_SHARED((NPAD, DW), jnp.float32),
    ],
)
def _sc_degree(dst_hbm, ones_hbm, zeros_hbm, out_hbm, dstb, onesb, zerob, acc):
    c = lax.axis_index("c")
    s = lax.axis_index("s")
    w = s * NC + c
    pltpu.sync_copy(dst_hbm.at[pl.ds(w * CPW, CPW)], dstb)
    pltpu.sync_copy(ones_hbm, onesb)
    pltpu.sync_copy(zeros_hbm, zerob)
    for k in range(RPT // CH):
        pltpu.sync_copy(zerob, acc.at[pl.ds(s * RPT + k * CH, CH)])
    plsc.subcore_barrier()

    @pl.loop(0, CPW)
    def _(j):
        pltpu.sync_copy(onesb, acc.at[dstb.at[j]], add=True)

    plsc.subcore_barrier()
    for k in range(RPT // CH):
        r0 = s * RPT + k * CH
        pltpu.sync_copy(acc.at[pl.ds(r0, CH)], out_hbm.at[c, pl.ds(r0, CH)])


@functools.partial(
    pl.kernel,
    out_type=jax.ShapeDtypeStruct((NC, NPAD, H), jnp.float32),
    mesh=_mesh,
    compiler_params=pltpu.CompilerParams(use_tc_tiling_on_sc=False),
    scratch_types=[
        pltpu.VMEM((CPW, CH), jnp.int32),
        pltpu.VMEM((CPW, CH), jnp.int32),
        pltpu.VMEM((2, CH, H), jnp.float32),
        pltpu.VMEM((CH, H), jnp.float32),
        pltpu.VMEM_SHARED((NPAD, H), jnp.float32),
        pltpu.SemaphoreType.DMA,
        pltpu.SemaphoreType.DMA,
    ],
)
def _sc_scatter(hs_hbm, src_hbm, dst_hbm, zeros_hbm, out_hbm,
                srcb, dstb, rows, zerob, acc, gsem, ssem):
    c = lax.axis_index("c")
    s = lax.axis_index("s")
    w = s * NC + c
    pltpu.sync_copy(src_hbm.at[pl.ds(w * CPW, CPW)], srcb)
    pltpu.sync_copy(dst_hbm.at[pl.ds(w * CPW, CPW)], dstb)
    pltpu.sync_copy(zeros_hbm, zerob)
    for k in range(RPT // CH):
        pltpu.sync_copy(zerob, acc.at[pl.ds(s * RPT + k * CH, CH)])
    plsc.subcore_barrier()

    @pl.loop(0, CPW, step=2)
    def _(j):
        g0 = pltpu.async_copy(hs_hbm.at[srcb.at[j]], rows.at[0], gsem)
        g1 = pltpu.async_copy(hs_hbm.at[srcb.at[j + 1]], rows.at[1], gsem)
        g0.wait()
        s0 = pltpu.async_copy(rows.at[0], acc.at[dstb.at[j]], ssem, add=True)
        g1.wait()
        s1 = pltpu.async_copy(rows.at[1], acc.at[dstb.at[j + 1]], ssem, add=True)
        s0.wait()
        s1.wait()

    plsc.subcore_barrier()
    for k in range(RPT // CH):
        r0 = s * RPT + k * CH
        pltpu.sync_copy(acc.at[pl.ds(r0, CH)], out_hbm.at[c, pl.ds(r0, CH)])



def _tc_first_body(x_ref, w_ref, degp_ref, hs_ref, d_ref):
    deg = degp_ref[0, :, 0:1] + degp_ref[1, :, 0:1] + 1.0
    dinv = lax.rsqrt(deg)
    h = jnp.dot(x_ref[...], w_ref[...], preferred_element_type=jnp.float32)
    hs_ref[...] = h * dinv
    d_ref[...] = jnp.broadcast_to(dinv, (BN, H))


_tc_first = pl.pallas_call(
    _tc_first_body,
    grid=(NBLK,),
    in_specs=[
        pl.BlockSpec((BN, F), lambda i: (i, 0)),
        pl.BlockSpec((F, H), lambda i: (0, 0)),
        pl.BlockSpec((NC, BN, DW), lambda i: (0, i, 0)),
    ],
    out_specs=[
        pl.BlockSpec((BN, H), lambda i: (i, 0)),
        pl.BlockSpec((BN, H), lambda i: (i, 0)),
    ],
    out_shape=[
        jax.ShapeDtypeStruct((NPAD, H), jnp.float32),
        jax.ShapeDtypeStruct((NPAD, H), jnp.float32),
    ],
)


def _tc_mid_body(accp_ref, hs_ref, d_ref, b_ref, w_ref, out_ref):
    a = accp_ref[0] + accp_ref[1] + hs_ref[...]
    t = jnp.maximum(d_ref[...] * a + b_ref[...], 0.0)
    h = jnp.dot(t, w_ref[...], preferred_element_type=jnp.float32)
    out_ref[...] = h * d_ref[...]


_tc_mid = pl.pallas_call(
    _tc_mid_body,
    grid=(NBLK,),
    in_specs=[
        pl.BlockSpec((NC, BN, H), lambda i: (0, i, 0)),
        pl.BlockSpec((BN, H), lambda i: (i, 0)),
        pl.BlockSpec((BN, H), lambda i: (i, 0)),
        pl.BlockSpec((1, H), lambda i: (0, 0)),
        pl.BlockSpec((H, H), lambda i: (0, 0)),
    ],
    out_specs=pl.BlockSpec((BN, H), lambda i: (i, 0)),
    out_shape=jax.ShapeDtypeStruct((NPAD, H), jnp.float32),
)


def _tc_final_body(accp_ref, hs_ref, d_ref, b_ref, batch_ref,
                   wc1_ref, bc1_ref, wc2_ref, bc2_ref, out_ref,
                   sums_ref, cnt_ref):
    i = pl.program_id(0)

    @pl.when(i == 0)
    def _():
        sums_ref[...] = jnp.zeros_like(sums_ref)
        cnt_ref[...] = jnp.zeros_like(cnt_ref)

    t3 = d_ref[...] * (accp_ref[0] + accp_ref[1] + hs_ref[...]) + b_ref[...]
    bt = batch_ref[0, 0, :].reshape(BN, 1)
    oh = (bt == lax.broadcasted_iota(jnp.int32, (1, G), 1)).astype(jnp.float32)
    sums_ref[...] += lax.dot_general(
        oh, t3, (((0,), (0,)), ((), ())), preferred_element_type=jnp.float32)
    cnt_ref[...] += lax.dot_general(
        oh, jnp.ones((BN, 1), jnp.float32), (((0,), (0,)), ((), ())),
        preferred_element_type=jnp.float32)

    @pl.when(i == NBLK - 1)
    def _():
        pooled = sums_ref[...] / jnp.maximum(cnt_ref[...], 1.0)
        z = jnp.dot(pooled, wc1_ref[...], preferred_element_type=jnp.float32)
        z = jnp.maximum(z + bc1_ref[...], 0.0)
        z2 = jnp.dot(z, wc2_ref[...], preferred_element_type=jnp.float32)
        z2 = z2 + bc2_ref[...]
        out_ref[...] = 1.0 / (1.0 + jnp.exp(-z2))


_tc_final = pl.pallas_call(
    _tc_final_body,
    grid=(NBLK,),
    in_specs=[
        pl.BlockSpec((NC, BN, H), lambda i: (0, i, 0)),
        pl.BlockSpec((BN, H), lambda i: (i, 0)),
        pl.BlockSpec((BN, H), lambda i: (i, 0)),
        pl.BlockSpec((1, H), lambda i: (0, 0)),
        pl.BlockSpec((1, 1, BN), lambda i: (i, 0, 0)),
        pl.BlockSpec((H, 32), lambda i: (0, 0)),
        pl.BlockSpec((1, 32), lambda i: (0, 0)),
        pl.BlockSpec((32, 1), lambda i: (0, 0)),
        pl.BlockSpec((1, 1), lambda i: (0, 0)),
    ],
    out_specs=pl.BlockSpec((G, 1), lambda i: (0, 0)),
    out_shape=jax.ShapeDtypeStruct((G, 1), jnp.float32),
    scratch_shapes=[
        pltpu.VMEM((G, H), jnp.float32),
        pltpu.VMEM((G, 1), jnp.float32),
    ],
)



def kernel(x, edge_index, batch, W1, b1, W2, b2, W3, b3, Wc1, bc1, Wc2, bc2):
    src, dst = edge_index[0], edge_index[1]
    pad_e = jnp.full((EPAD - E,), N, jnp.int32)
    src_p = jnp.concatenate([src, pad_e]).reshape(NW * CPW, CH)
    dst_p = jnp.concatenate([dst, pad_e]).reshape(NW * CPW, CH)
    x_p = jnp.pad(x, ((0, NPAD - N), (0, 0)))
    batch_p = jnp.concatenate(
        [batch, jnp.full((NPAD - N,), G, jnp.int32)]).reshape(NBLK, 1, BN)

    ones_dw = jnp.ones((CH, DW), jnp.float32)
    zeros_dw = jnp.zeros((CH, DW), jnp.float32)
    zeros_h = jnp.zeros((CH, H), jnp.float32)

    degp = _sc_degree(dst_p, ones_dw, zeros_dw)
    hs1, d = _tc_first(x_p, W1, degp)
    p1 = _sc_scatter(hs1, src_p, dst_p, zeros_h)
    hs2 = _tc_mid(p1, hs1, d, b1.reshape(1, H), W2)
    p2 = _sc_scatter(hs2, src_p, dst_p, zeros_h)
    hs3 = _tc_mid(p2, hs2, d, b2.reshape(1, H), W3)
    p3 = _sc_scatter(hs3, src_p, dst_p, zeros_h)
    out = _tc_final(p3, hs3, d, b3.reshape(1, H), batch_p,
                    Wc1, bc1.reshape(1, 32), Wc2, bc2.reshape(1, 1))
    return out

# --- scband reference (transcript-rebuilt; emitter-appended) ---
"""Pipeline reference for scband-competitive-gnnmodel-41111426957444 (READ-ONLY COPY).

The authoritative reference and input builder live on the scoring server;
editing this copy changes nothing except your own understanding.
"""

import jax, jax.numpy as jnp
import numpy as np

N = 10000
E = 320000
F = 128
H = 64
G = 64


def gcn_conv(x, src, dst, W, b):
    # PyG-style GCNConv: add self-loops, symmetric normalization, linear, scatter-add
    n = x.shape[0]
    loop = jnp.arange(n, dtype=src.dtype)
    s = jnp.concatenate([src, loop])
    d = jnp.concatenate([dst, loop])
    deg = jax.ops.segment_sum(jnp.ones_like(d, dtype=x.dtype), d, num_segments=n)
    dinv = jnp.where(deg > 0, deg ** -0.5, 0.0)
    norm = dinv[s] * dinv[d]
    h = x @ W
    msg = h[s] * norm[:, None]
    out = jax.ops.segment_sum(msg, d, num_segments=n)
    return out + b


def setup_inputs(seed: int = 0):
    key = jax.random.key(seed)
    ks = jax.random.split(key, 10)
    inp = {}
    inp["x"] = jax.random.normal(ks[0], (N, F), jnp.float32)
    inp["edge_index"] = jax.random.randint(ks[1], (2, E), 0, N, dtype=jnp.int32)
    inp["batch"] = jnp.sort(jax.random.randint(ks[2], (N,), 0, G, dtype=jnp.int32))
    inp["W1"] = jax.random.normal(ks[3], (F, H), jnp.float32) * (1.0 / np.sqrt(F))
    inp["b1"] = jnp.zeros((H,), jnp.float32)
    inp["W2"] = jax.random.normal(ks[4], (H, H), jnp.float32) * (1.0 / np.sqrt(H))
    inp["b2"] = jnp.zeros((H,), jnp.float32)
    inp["W3"] = jax.random.normal(ks[5], (H, H), jnp.float32) * (1.0 / np.sqrt(H))
    inp["b3"] = jnp.zeros((H,), jnp.float32)
    inp["Wc1"] = jax.random.normal(ks[6], (H, 32), jnp.float32) * (1.0 / np.sqrt(H))
    inp["bc1"] = jnp.zeros((32,), jnp.float32)
    inp["Wc2"] = jax.random.normal(ks[7], (32, 1), jnp.float32) * (1.0 / np.sqrt(32))
    inp["bc2"] = jnp.zeros((1,), jnp.float32)
    return inp


def reference(x, edge_index, batch, W1, b1, W2, b2, W3, b3, Wc1, bc1, Wc2, bc2):
    src, dst = edge_index[0], edge_index[1]
    h = jax.nn.relu(gcn_conv(x, src, dst, W1, b1))
    h = jax.nn.relu(gcn_conv(h, src, dst, W2, b2))
    h = gcn_conv(h, src, dst, W3, b3)
    # global_mean_pool over batch segment ids
    sums = jax.ops.segment_sum(h, batch, num_segments=G)
    cnt = jax.ops.segment_sum(jnp.ones((h.shape[0],), h.dtype), batch, num_segments=G)
    pooled = sums / jnp.maximum(cnt, 1.0)[:, None]
    # classifier (dropout is identity in eval mode)
    z = jax.nn.relu(pooled @ Wc1 + bc1)
    z = z @ Wc2 + bc2
    return jax.nn.sigmoid(z)

if __name__ == "__main__":
    import jax
    _d = setup_inputs()
    print(jax.jit(kernel)(*tuple(_d.values())))

</pallas_src>

<mosaic_0001>
#map = affine_map<(d0, d1) -> (0, 0)>
#map1 = affine_map<(d0, d1) -> (0, 0, 0)>
module attributes {stable_mosaic.version = 14 : i64} {
  func.func @_sc_degree(%arg0: i32, %arg1: i32, %arg2: memref<2560x128xi32, #tpu.memory_space<hbm>>, %arg3: memref<128x8xf32, #tpu.memory_space<hbm>>, %arg4: memref<128x8xf32, #tpu.memory_space<hbm>>, %arg5: memref<2x10240x8xf32, #tpu.memory_space<hbm>>, %arg6: memref<80x128xi32, #tpu.memory_space<vmem>>, %arg7: memref<128x8xf32, #tpu.memory_space<vmem>>, %arg8: memref<128x8xf32, #tpu.memory_space<vmem>>, %arg9: memref<10240x8xf32, #tpu.memory_space<vmem_shared>>) attributes {dimension_semantics = [#tpu.dimension_semantics<core_parallel>, #tpu.dimension_semantics<subcore_parallel>], iteration_bounds = array<i64: 2, 16>, scalar_prefetch = 0 : i64, scratch_operands = 4 : i64, tpu.core_type = #tpu.core_type<sc_vector_subcore>, window_params = [{transform_indices = #map}, {transform_indices = #map}, {transform_indices = #map}, {transform_indices = #map1}]} {
    %mul3A = arith.constant 2 : i32
    %mul3A_0 = arith.muli %arg1, %mul3A : i32
    %add3A = arith.addi %mul3A_0, %arg0 : i32
    %mul3A_1 = arith.constant 80 : i32
    %mul3A_2 = arith.muli %add3A, %mul3A_1 : i32
    "tpu.region"() ({
      %run_scoped3A = tpu.sem_alloc : memref<!tpu.dma_semaphore, #tpu.memory_space<semaphore_mem>>
      %dma_start3A = arith.constant 0 : i32
      %dma_start3A_48 = tpu.memref_slice %arg2[%mul3A_2, %dma_start3A] : memref<2560x128xi32, #tpu.memory_space<hbm>> -> memref<80x128xi32, #tpu.memory_space<hbm>>
      %dma_start3A_49 = arith.constant 0 : i32
      %dma_start3A_50 = tpu.memref_slice %arg2[%mul3A_2, %dma_start3A_49] : memref<2560x128xi32, #tpu.memory_space<hbm>> -> memref<80x128xi32, #tpu.memory_space<hbm>>
      tpu.enqueue_dma source(%dma_start3A_50 : memref<80x128xi32, #tpu.memory_space<hbm>>) target(%arg6 : memref<80x128xi32, #tpu.memory_space<vmem>>) target_semaphore(%run_scoped3A : memref<!tpu.dma_semaphore, #tpu.memory_space<semaphore_mem>>)
      %dma_wait3A = arith.constant 0 : i32
      %dma_wait3A_51 = tpu.memref_slice %arg2[%mul3A_2, %dma_wait3A] : memref<2560x128xi32, #tpu.memory_space<hbm>> -> memref<80x128xi32, #tpu.memory_space<hbm>>
      %dma_wait3A_52 = arith.constant 0 : i32
      %dma_wait3A_53 = tpu.memref_slice %arg2[%mul3A_2, %dma_wait3A_52] : memref<2560x128xi32, #tpu.memory_space<hbm>> -> memref<80x128xi32, #tpu.memory_space<hbm>>
      tpu.wait_dma2 semaphore(%run_scoped3A : memref<!tpu.dma_semaphore, #tpu.memory_space<semaphore_mem>>) src(%dma_wait3A_53 : memref<80x128xi32, #tpu.memory_space<hbm>>) dst(%arg6 : memref<80x128xi32, #tpu.memory_space<vmem>>)
      tpu.yield
    }) : () -> ()
    "tpu.region"() ({
      %run_scoped3A = tpu.sem_alloc : memref<!tpu.dma_semaphore, #tpu.memory_space<semaphore_mem>>
      tpu.enqueue_dma source(%arg3 : memref<128x8xf32, #tpu.memory_space<hbm>>) target(%arg7 : memref<128x8xf32, #tpu.memory_space<vmem>>) target_semaphore(%run_scoped3A : memref<!tpu.dma_semaphore, #tpu.memory_space<semaphore_mem>>)
      tpu.wait_dma2 semaphore(%run_scoped3A : memref<!tpu.dma_semaphore, #tpu.memory_space<semaphore_mem>>) src(%arg3 : memref<128x8xf32, #tpu.memory_space<hbm>>) dst(%arg7 : memref<128x8xf32, #tpu.memory_space<vmem>>)
      tpu.yield
    }) : () -> ()
    "tpu.region"() ({
      %run_scoped3A = tpu.sem_alloc : memref<!tpu.dma_semaphore, #tpu.memory_space<semaphore_mem>>
      tpu.enqueue_dma source(%arg4 : memref<128x8xf32, #tpu.memory_space<hbm>>) target(%arg8 : memref<128x8xf32, #tpu.memory_space<vmem>>) target_semaphore(%run_scoped3A : memref<!tpu.dma_semaphore, #tpu.memory_space<semaphore_mem>>)
      tpu.wait_dma2 semaphore(%run_scoped3A : memref<!tpu.dma_semaphore, #tpu.memory_space<semaphore_mem>>) src(%arg4 : memref<128x8xf32, #tpu.memory_space<hbm>>) dst(%arg8 : memref<128x8xf32, #tpu.memory_space<vmem>>)
      tpu.yield
    }) : () -> ()
    %mul3A_3 = arith.constant 640 : i32
    %mul3A_4 = arith.muli %arg1, %mul3A_3 : i32
    %add3A_5 = arith.constant 0 : i32
    %add3A_6 = arith.addi %mul3A_4, %add3A_5 : i32
    "tpu.region"() ({
      %run_scoped3A = tpu.sem_alloc : memref<!tpu.dma_semaphore, #tpu.memory_space<semaphore_mem>>
      %dma_start3A = arith.constant 0 : i32
      %dma_start3A_48 = tpu.memref_slice %arg9[%add3A_6, %dma_start3A] : memref<10240x8xf32, #tpu.memory_space<vmem_shared>> -> memref<128x8xf32, #tpu.memory_space<vmem_shared>>
      %dma_start3A_49 = arith.constant 0 : i32
      %dma_start3A_50 = tpu.memref_slice %arg9[%add3A_6, %dma_start3A_49] : memref<10240x8xf32, #tpu.memory_space<vmem_shared>> -> memref<128x8xf32, #tpu.memory_space<vmem_shared>>
      tpu.enqueue_dma source(%arg8 : memref<128x8xf32, #tpu.memory_space<vmem>>) target(%dma_start3A_50 : memref<128x8xf32, #tpu.memory_space<vmem_shared>>) target_semaphore(%run_scoped3A : memref<!tpu.dma_semaphore, #tpu.memory_space<semaphore_mem>>)
      %dma_wait3A = arith.constant 0 : i32
      %dma_wait3A_51 = tpu.memref_slice %arg9[%add3A_6, %dma_wait3A] : memref<10240x8xf32, #tpu.memory_space<vmem_shared>> -> memref<128x8xf32, #tpu.memory_space<vmem_shared>>
      %dma_wait3A_52 = arith.constant 0 : i32
      %dma_wait3A_53 = tpu.memref_slice %arg9[%add3A_6, %dma_wait3A_52] : memref<10240x8xf32, #tpu.memory_space<vmem_shared>> -> memref<128x8xf32, #tpu.memory_space<vmem_shared>>
      tpu.wait_dma2 semaphore(%run_scoped3A : memref<!tpu.dma_semaphore, #tpu.memory_space<semaphore_mem>>) src(%arg8 : memref<128x8xf32, #tpu.memory_space<vmem>>) dst(%dma_wait3A_53 : memref<128x8xf32, #tpu.memory_space<vmem_shared>>)
      tpu.yield
    }) : () -> ()
    %mul3A_7 = arith.constant 640 : i32
    %mul3A_8 = arith.muli %arg1, %mul3A_7 : i32
    %add3A_9 = arith.constant 128 : i32
    %add3A_10 = arith.addi %mul3A_8, %add3A_9 : i32
    "tpu.region"() ({
      %run_scoped3A = tpu.sem_alloc : memref<!tpu.dma_semaphore, #tpu.memory_space<semaphore_mem>>
      %dma_start3A = arith.constant 0 : i32
      %dma_start3A_48 = tpu.memref_slice %arg9[%add3A_10, %dma_start3A] : memref<10240x8xf32, #tpu.memory_space<vmem_shared>> -> memref<128x8xf32, #tpu.memory_space<vmem_shared>>
      %dma_start3A_49 = arith.constant 0 : i32
      %dma_start3A_50 = tpu.memref_slice %arg9[%add3A_10, %dma_start3A_49] : memref<10240x8xf32, #tpu.memory_space<vmem_shared>> -> memref<128x8xf32, #tpu.memory_space<vmem_shared>>
      tpu.enqueue_dma source(%arg8 : memref<128x8xf32, #tpu.memory_space<vmem>>) target(%dma_start3A_50 : memref<128x8xf32, #tpu.memory_space<vmem_shared>>) target_semaphore(%run_scoped3A : memref<!tpu.dma_semaphore, #tpu.memory_space<semaphore_mem>>)
      %dma_wait3A = arith.constant 0 : i32
      %dma_wait3A_51 = tpu.memref_slice %arg9[%add3A_10, %dma_wait3A] : memref<10240x8xf32, #tpu.memory_space<vmem_shared>> -> memref<128x8xf32, #tpu.memory_space<vmem_shared>>
      %dma_wait3A_52 = arith.constant 0 : i32
      %dma_wait3A_53 = tpu.memref_slice %arg9[%add3A_10, %dma_wait3A_52] : memref<10240x8xf32, #tpu.memory_space<vmem_shared>> -> memref<128x8xf32, #tpu.memory_space<vmem_shared>>
      tpu.wait_dma2 semaphore(%run_scoped3A : memref<!tpu.dma_semaphore, #tpu.memory_space<semaphore_mem>>) src(%arg8 : memref<128x8xf32, #tpu.memory_space<vmem>>) dst(%dma_wait3A_53 : memref<128x8xf32, #tpu.memory_space<vmem_shared>>)
      tpu.yield
    }) : () -> ()
    %mul3A_11 = arith.constant 640 : i32
    %mul3A_12 = arith.muli %arg1, %mul3A_11 : i32
    %add3A_13 = arith.constant 256 : i32
    %add3A_14 = arith.addi %mul3A_12, %add3A_13 : i32
    "tpu.region"() ({
      %run_scoped3A = tpu.sem_alloc : memref<!tpu.dma_semaphore, #tpu.memory_space<semaphore_mem>>
      %dma_start3A = arith.constant 0 : i32
      %dma_start3A_48 = tpu.memref_slice %arg9[%add3A_14, %dma_start3A] : memref<10240x8xf32, #tpu.memory_space<vmem_shared>> -> memref<128x8xf32, #tpu.memory_space<vmem_shared>>
      %dma_start3A_49 = arith.constant 0 : i32
      %dma_start3A_50 = tpu.memref_slice %arg9[%add3A_14, %dma_start3A_49] : memref<10240x8xf32, #tpu.memory_space<vmem_shared>> -> memref<128x8xf32, #tpu.memory_space<vmem_shared>>
      tpu.enqueue_dma source(%arg8 : memref<128x8xf32, #tpu.memory_space<vmem>>) target(%dma_start3A_50 : memref<128x8xf32, #tpu.memory_space<vmem_shared>>) target_semaphore(%run_scoped3A : memref<!tpu.dma_semaphore, #tpu.memory_space<semaphore_mem>>)
      %dma_wait3A = arith.constant 0 : i32
      %dma_wait3A_51 = tpu.memref_slice %arg9[%add3A_14, %dma_wait3A] : memref<10240x8xf32, #tpu.memory_space<vmem_shared>> -> memref<128x8xf32, #tpu.memory_space<vmem_shared>>
      %dma_wait3A_52 = arith.constant 0 : i32
      %dma_wait3A_53 = tpu.memref_slice %arg9[%add3A_14, %dma_wait3A_52] : memref<10240x8xf32, #tpu.memory_space<vmem_shared>> -> memref<128x8xf32, #tpu.memory_space<vmem_shared>>
      tpu.wait_dma2 semaphore(%run_scoped3A : memref<!tpu.dma_semaphore, #tpu.memory_space<semaphore_mem>>) src(%arg8 : memref<128x8xf32, #tpu.memory_space<vmem>>) dst(%dma_wait3A_53 : memref<128x8xf32, #tpu.memory_space<vmem_shared>>)
      tpu.yield
    }) : () -> ()
    %mul3A_15 = arith.constant 640 : i32
    %mul3A_16 = arith.muli %arg1, %mul3A_15 : i32
    %add3A_17 = arith.constant 384 : i32
    %add3A_18 = arith.addi %mul3A_16, %add3A_17 : i32
    "tpu.region"() ({
      %run_scoped3A = tpu.sem_alloc : memref<!tpu.dma_semaphore, #tpu.memory_space<semaphore_mem>>
      %dma_start3A = arith.constant 0 : i32
      %dma_start3A_48 = tpu.memref_slice %arg9[%add3A_18, %dma_start3A] : memref<10240x8xf32, #tpu.memory_space<vmem_shared>> -> memref<128x8xf32, #tpu.memory_space<vmem_shared>>
      %dma_start3A_49 = arith.constant 0 : i32
      %dma_start3A_50 = tpu.memref_slice %arg9[%add3A_18, %dma_start3A_49] : memref<10240x8xf32, #tpu.memory_space<vmem_shared>> -> memref<128x8xf32, #tpu.memory_space<vmem_shared>>
      tpu.enqueue_dma source(%arg8 : memref<128x8xf32, #tpu.memory_space<vmem>>) target(%dma_start3A_50 : memref<128x8xf32, #tpu.memory_space<vmem_shared>>) target_semaphore(%run_scoped3A : memref<!tpu.dma_semaphore, #tpu.memory_space<semaphore_mem>>)
      %dma_wait3A = arith.constant 0 : i32
      %dma_wait3A_51 = tpu.memref_slice %arg9[%add3A_18, %dma_wait3A] : memref<10240x8xf32, #tpu.memory_space<vmem_shared>> -> memref<128x8xf32, #tpu.memory_space<vmem_shared>>
      %dma_wait3A_52 = arith.constant 0 : i32
      %dma_wait3A_53 = tpu.memref_slice %arg9[%add3A_18, %dma_wait3A_52] : memref<10240x8xf32, #tpu.memory_space<vmem_shared>> -> memref<128x8xf32, #tpu.memory_space<vmem_shared>>
      tpu.wait_dma2 semaphore(%run_scoped3A : memref<!tpu.dma_semaphore, #tpu.memory_space<semaphore_mem>>) src(%arg8 : memref<128x8xf32, #tpu.memory_space<vmem>>) dst(%dma_wait3A_53 : memref<128x8xf32, #tpu.memory_space<vmem_shared>>)
      tpu.yield
    }) : () -> ()
    %mul3A_19 = arith.constant 640 : i32
    %mul3A_20 = arith.muli %arg1, %mul3A_19 : i32
    %add3A_21 = arith.constant 512 : i32
    %add3A_22 = arith.addi %mul3A_20, %add3A_21 : i32
    "tpu.region"() ({
      %run_scoped3A = tpu.sem_alloc : memref<!tpu.dma_semaphore, #tpu.memory_space<semaphore_mem>>
      %dma_start3A = arith.constant 0 : i32
      %dma_start3A_48 = tpu.memref_slice %arg9[%add3A_22, %dma_start3A] : memref<10240x8xf32, #tpu.memory_space<vmem_shared>> -> memref<128x8xf32, #tpu.memory_space<vmem_shared>>
      %dma_start3A_49 = arith.constant 0 : i32
      %dma_start3A_50 = tpu.memref_slice %arg9[%add3A_22, %dma_start3A_49] : memref<10240x8xf32, #tpu.memory_space<vmem_shared>> -> memref<128x8xf32, #tpu.memory_space<vmem_shared>>
      tpu.enqueue_dma source(%arg8 : memref<128x8xf32, #tpu.memory_space<vmem>>) target(%dma_start3A_50 : memref<128x8xf32, #tpu.memory_space<vmem_shared>>) target_semaphore(%run_scoped3A : memref<!tpu.dma_semaphore, #tpu.memory_space<semaphore_mem>>)
      %dma_wait3A = arith.constant 0 : i32
      %dma_wait3A_51 = tpu.memref_slice %arg9[%add3A_22, %dma_wait3A] : memref<10240x8xf32, #tpu.memory_space<vmem_shared>> -> memref<128x8xf32, #tpu.memory_space<vmem_shared>>
      %dma_wait3A_52 = arith.constant 0 : i32
      %dma_wait3A_53 = tpu.memref_slice %arg9[%add3A_22, %dma_wait3A_52] : memref<10240x8xf32, #tpu.memory_space<vmem_shared>> -> memref<128x8xf32, #tpu.memory_space<vmem_shared>>
      tpu.wait_dma2 semaphore(%run_scoped3A : memref<!tpu.dma_semaphore, #tpu.memory_space<semaphore_mem>>) src(%arg8 : memref<128x8xf32, #tpu.memory_space<vmem>>) dst(%dma_wait3A_53 : memref<128x8xf32, #tpu.memory_space<vmem_shared>>)
      tpu.yield
    }) : () -> ()
    %barrier3A = arith.constant 0 : index
    tpu.barrier barrier_id(%barrier3A)
    %scan3A = arith.constant 0 : i32
    %scan3A_23 = arith.constant 80 : i32
    %scan3A_24 = arith.addi %scan3A, %scan3A_23 : i32
    %scan3A_25 = arith.constant 1 : i32
    scf.for %scan3A_48 = %scan3A to %scan3A_24 step %scan3A_25  : i32 {
      %mul3A_49 = arith.constant 1 : i32
      %mul3A_50 = arith.muli %scan3A_48, %mul3A_49 : i32
      %add3A_51 = arith.constant 0 : i32
      %add3A_52 = arith.addi %add3A_51, %mul3A_50 : i32
      "tpu.region"() ({
        %run_scoped3A = tpu.sem_alloc : memref<!tpu.dma_semaphore, #tpu.memory_space<semaphore_mem>>
        %dma_start3A = arith.constant 0 : i32
        %dma_start3A_53 = tpu.memref_slice %arg6[%add3A_52, %dma_start3A] : memref<80x128xi32, #tpu.memory_space<vmem>> -> memref<1x128xi32, #tpu.memory_space<vmem>>
        %dma_start3A_54 = tpu.memref_squeeze %dma_start3A_53 : memref<1x128xi32, #tpu.memory_space<vmem>> -> memref<128xi32, #tpu.memory_space<vmem>>
        %dma_start3A_55 = arith.constant 0 : i32
        %dma_start3A_56 = arith.constant 0 : i32
        %dma_start3A_57 = tpu.memref_slice %arg9[%dma_start3A_55, %dma_start3A_56] : memref<10240x8xf32, #tpu.memory_space<vmem_shared>> -> memref<10240x8xf32, #tpu.memory_space<vmem_shared>>
        tpu.enqueue_indirect_dma source(%arg7 : memref<128x8xf32, #tpu.memory_space<vmem>>) target(%dma_start3A_57 : memref<10240x8xf32, #tpu.memory_space<vmem_shared>>) offsets(%dma_start3A_54 : memref<128xi32, #tpu.memory_space<vmem>>) semaphore(%run_scoped3A : memref<!tpu.dma_semaphore, #tpu.memory_space<semaphore_mem>>) {add = true}
        %dma_wait3A = arith.constant 0 : i32
        %dma_wait3A_58 = tpu.memref_slice %arg6[%add3A_52, %dma_wait3A] : memref<80x128xi32, #tpu.memory_space<vmem>> -> memref<1x128xi32, #tpu.memory_space<vmem>>
        %dma_wait3A_59 = tpu.memref_squeeze %dma_wait3A_58 : memref<1x128xi32, #tpu.memory_space<vmem>> -> memref<128xi32, #tpu.memory_space<vmem>>
        %dma_wait3A_60 = arith.constant 0 : i32
        %dma_wait3A_61 = arith.constant 0 : i32
        %dma_wait3A_62 = tpu.memref_slice %arg9[%dma_wait3A_60, %dma_wait3A_61] : memref<10240x8xf32, #tpu.memory_space<vmem_shared>> -> memref<10240x8xf32, #tpu.memory_space<vmem_shared>>
        tpu.wait_indirect_dma semaphore(%run_scoped3A : memref<!tpu.dma_semaphore, #tpu.memory_space<semaphore_mem>>) src(%arg7 : memref<128x8xf32, #tpu.memory_space<vmem>>) dst(%dma_wait3A_62 : memref<10240x8xf32, #tpu.memory_space<vmem_shared>>)
        tpu.yield
      }) : () -> ()
    }
    %scan3A_26 = arith.constant 80 : i32
    %barrier3A_27 = arith.constant 0 : index
    tpu.barrier barrier_id(%barrier3A_27)
    %mul3A_28 = arith.constant 640 : i32
    %mul3A_29 = arith.muli %arg1, %mul3A_28 : i32
    %add3A_30 = arith.constant 0 : i32
    %add3A_31 = arith.addi %mul3A_29, %add3A_30 : i32
    "tpu.region"() ({
      %run_scoped3A = tpu.sem_alloc : memref<!tpu.dma_semaphore, #tpu.memory_space<semaphore_mem>>
      %dma_start3A = arith.constant 0 : i32
      %dma_start3A_48 = tpu.memref_slice %arg5[%arg0, %add3A_31, %dma_start3A] : memref<2x10240x8xf32, #tpu.memory_space<hbm>> -> memref<1x128x8xf32, #tpu.memory_space<hbm>>
      %dma_start3A_49 = tpu.memref_squeeze %dma_start3A_48 : memref<1x128x8xf32, #tpu.memory_space<hbm>> -> memref<128x8xf32, #tpu.memory_space<hbm>>
      %dma_start3A_50 = arith.constant 0 : i32
      %dma_start3A_51 = tpu.memref_slice %arg9[%add3A_31, %dma_start3A_50] : memref<10240x8xf32, #tpu.memory_space<vmem_shared>> -> memref<128x8xf32, #tpu.memory_space<vmem_shared>>
      tpu.enqueue_dma source(%dma_start3A_51 : memref<128x8xf32, #tpu.memory_space<vmem_shared>>) target(%dma_start3A_49 : memref<128x8xf32, #tpu.memory_space<hbm>>) target_semaphore(%run_scoped3A : memref<!tpu.dma_semaphore, #tpu.memory_space<semaphore_mem>>)
      %dma_wait3A = arith.constant 0 : i32
      %dma_wait3A_52 = tpu.memref_slice %arg5[%arg0, %add3A_31, %dma_wait3A] : memref<2x10240x8xf32, #tpu.memory_space<hbm>> -> memref<1x128x8xf32, #tpu.memory_space<hbm>>
      %dma_wait3A_53 = tpu.memref_squeeze %dma_wait3A_52 : memref<1x128x8xf32, #tpu.memory_space<hbm>> -> memref<128x8xf32, #tpu.memory_space<hbm>>
      %dma_wait3A_54 = arith.constant 0 : i32
      %dma_wait3A_55 = tpu.memref_slice %arg9[%add3A_31, %dma_wait3A_54] : memref<10240x8xf32, #tpu.memory_space<vmem_shared>> -> memref<128x8xf32, #tpu.memory_space<vmem_shared>>
      tpu.wait_dma2 semaphore(%run_scoped3A : memref<!tpu.dma_semaphore, #tpu.memory_space<semaphore_mem>>) src(%dma_wait3A_55 : memref<128x8xf32, #tpu.memory_space<vmem_shared>>) dst(%dma_wait3A_53 : memref<128x8xf32, #tpu.memory_space<hbm>>)
      tpu.yield
    }) : () -> ()
    %mul3A_32 = arith.constant 640 : i32
    %mul3A_33 = arith.muli %arg1, %mul3A_32 : i32
    %add3A_34 = arith.constant 128 : i32
    %add3A_35 = arith.addi %mul3A_33, %add3A_34 : i32
    "tpu.region"() ({
      %run_scoped3A = tpu.sem_alloc : memref<!tpu.dma_semaphore, #tpu.memory_space<semaphore_mem>>
      %dma_start3A = arith.constant 0 : i32
      %dma_start3A_48 = tpu.memref_slice %arg5[%arg0, %add3A_35, %dma_start3A] : memref<2x10240x8xf32, #tpu.memory_space<hbm>> -> memref<1x128x8xf32, #tpu.memory_space<hbm>>
      %dma_start3A_49 = tpu.memref_squeeze %dma_start3A_48 : memref<1x128x8xf32, #tpu.memory_space<hbm>> -> memref<128x8xf32, #tpu.memory_space<hbm>>
      %dma_start3A_50 = arith.constant 0 : i32
      %dma_start3A_51 = tpu.memref_slice %arg9[%add3A_35, %dma_start3A_50] : memref<10240x8xf32, #tpu.memory_space<vmem_shared>> -> memref<128x8xf32, #tpu.memory_space<vmem_shared>>
      tpu.enqueue_dma source(%dma_start3A_51 : memref<128x8xf32, #tpu.memory_space<vmem_shared>>) target(%dma_start3A_49 : memref<128x8xf32, #tpu.memory_space<hbm>>) target_semaphore(%run_scoped3A : memref<!tpu.dma_semaphore, #tpu.memory_space<semaphore_mem>>)
      %dma_wait3A = arith.constant 0 : i32
      %dma_wait3A_52 = tpu.memref_slice %arg5[%arg0, %add3A_35, %dma_wait3A] : memref<2x10240x8xf32, #tpu.memory_space<hbm>> -> memref<1x128x8xf32, #tpu.memory_space<hbm>>
      %dma_wait3A_53 = tpu.memref_squeeze %dma_wait3A_52 : memref<1x128x8xf32, #tpu.memory_space<hbm>> -> memref<128x8xf32, #tpu.memory_space<hbm>>
      %dma_wait3A_54 = arith.constant 0 : i32
      %dma_wait3A_55 = tpu.memref_slice %arg9[%add3A_35, %dma_wait3A_54] : memref<10240x8xf32, #tpu.memory_space<vmem_shared>> -> memref<128x8xf32, #tpu.memory_space<vmem_shared>>
      tpu.wait_dma2 semaphore(%run_scoped3A : memref<!tpu.dma_semaphore, #tpu.memory_space<semaphore_mem>>) src(%dma_wait3A_55 : memref<128x8xf32, #tpu.memory_space<vmem_shared>>) dst(%dma_wait3A_53 : memref<128x8xf32, #tpu.memory_space<hbm>>)
      tpu.yield
    }) : () -> ()
    %mul3A_36 = arith.constant 640 : i32
    %mul3A_37 = arith.muli %arg1, %mul3A_36 : i32
    %add3A_38 = arith.constant 256 : i32
    %add3A_39 = arith.addi %mul3A_37, %add3A_38 : i32
    "tpu.region"() ({
      %run_scoped3A = tpu.sem_alloc : memref<!tpu.dma_semaphore, #tpu.memory_space<semaphore_mem>>
      %dma_start3A = arith.constant 0 : i32
      %dma_start3A_48 = tpu.memref_slice %arg5[%arg0, %add3A_39, %dma_start3A] : memref<2x10240x8xf32, #tpu.memory_space<hbm>> -> memref<1x128x8xf32, #tpu.memory_space<hbm>>
      %dma_start3A_49 = tpu.memref_squeeze %dma_start3A_48 : memref<1x128x8xf32, #tpu.memory_space<hbm>> -> memref<128x8xf32, #tpu.memory_space<hbm>>
      %dma_start3A_50 = arith.constant 0 : i32
      %dma_start3A_51 = tpu.memref_slice %arg9[%add3A_39, %dma_start3A_50] : memref<10240x8xf32, #tpu.memory_space<vmem_shared>> -> memref<128x8xf32, #tpu.memory_space<vmem_shared>>
      tpu.enqueue_dma source(%dma_start3A_51 : memref<128x8xf32, #tpu.memory_space<vmem_shared>>) target(%dma_start3A_49 : memref<128x8xf32, #tpu.memory_space<hbm>>) target_semaphore(%run_scoped3A : memref<!tpu.dma_semaphore, #tpu.memory_space<semaphore_mem>>)
      %dma_wait3A = arith.constant 0 : i32
      %dma_wait3A_52 = tpu.memref_slice %arg5[%arg0, %add3A_39, %dma_wait3A] : memref<2x10240x8xf32, #tpu.memory_space<hbm>> -> memref<1x128x8xf32, #tpu.memory_space<hbm>>
      %dma_wait3A_53 = tpu.memref_squeeze %dma_wait3A_52 : memref<1x128x8xf32, #tpu.memory_space<hbm>> -> memref<128x8xf32, #tpu.memory_space<hbm>>
      %dma_wait3A_54 = arith.constant 0 : i32
      %dma_wait3A_55 = tpu.memref_slice %arg9[%add3A_39, %dma_wait3A_54] : memref<10240x8xf32, #tpu.memory_space<vmem_shared>> -> memref<128x8xf32, #tpu.memory_space<vmem_shared>>
      tpu.wait_dma2 semaphore(%run_scoped3A : memref<!tpu.dma_semaphore, #tpu.memory_space<semaphore_mem>>) src(%dma_wait3A_55 : memref<128x8xf32, #tpu.memory_space<vmem_shared>>) dst(%dma_wait3A_53 : memref<128x8xf32, #tpu.memory_space<hbm>>)
      tpu.yield
    }) : () -> ()
    %mul3A_40 = arith.constant 640 : i32
    %mul3A_41 = arith.muli %arg1, %mul3A_40 : i32
    %add3A_42 = arith.constant 384 : i32
    %add3A_43 = arith.addi %mul3A_41, %add3A_42 : i32
    "tpu.region"() ({
      %run_scoped3A = tpu.sem_alloc : memref<!tpu.dma_semaphore, #tpu.memory_space<semaphore_mem>>
      %dma_start3A = arith.constant 0 : i32
      %dma_start3A_48 = tpu.memref_slice %arg5[%arg0, %add3A_43, %dma_start3A] : memref<2x10240x8xf32, #tpu.memory_space<hbm>> -> memref<1x128x8xf32, #tpu.memory_space<hbm>>
      %dma_start3A_49 = tpu.memref_squeeze %dma_start3A_48 : memref<1x128x8xf32, #tpu.memory_space<hbm>> -> memref<128x8xf32, #tpu.memory_space<hbm>>
      %dma_start3A_50 = arith.constant 0 : i32
      %dma_start3A_51 = tpu.memref_slice %arg9[%add3A_43, %dma_start3A_50] : memref<10240x8xf32, #tpu.memory_space<vmem_shared>> -> memref<128x8xf32, #tpu.memory_space<vmem_shared>>
      tpu.enqueue_dma source(%dma_start3A_51 : memref<128x8xf32, #tpu.memory_space<vmem_shared>>) target(%dma_start3A_49 : memref<128x8xf32, #tpu.memory_space<hbm>>) target_semaphore(%run_scoped3A : memref<!tpu.dma_semaphore, #tpu.memory_space<semaphore_mem>>)
      %dma_wait3A = arith.constant 0 : i32
      %dma_wait3A_52 = tpu.memref_slice %arg5[%arg0, %add3A_43, %dma_wait3A] : memref<2x10240x8xf32, #tpu.memory_space<hbm>> -> memref<1x128x8xf32, #tpu.memory_space<hbm>>
      %dma_wait3A_53 = tpu.memref_squeeze %dma_wait3A_52 : memref<1x128x8xf32, #tpu.memory_space<hbm>> -> memref<128x8xf32, #tpu.memory_space<hbm>>
      %dma_wait3A_54 = arith.constant 0 : i32
      %dma_wait3A_55 = tpu.memref_slice %arg9[%add3A_43, %dma_wait3A_54] : memref<10240x8xf32, #tpu.memory_space<vmem_shared>> -> memref<128x8xf32, #tpu.memory_space<vmem_shared>>
      tpu.wait_dma2 semaphore(%run_scoped3A : memref<!tpu.dma_semaphore, #tpu.memory_space<semaphore_mem>>) src(%dma_wait3A_55 : memref<128x8xf32, #tpu.memory_space<vmem_shared>>) dst(%dma_wait3A_53 : memref<128x8xf32, #tpu.memory_space<hbm>>)
      tpu.yield
    }) : () -> ()
    %mul3A_44 = arith.constant 640 : i32
    %mul3A_45 = arith.muli %arg1, %mul3A_44 : i32
    %add3A_46 = arith.constant 512 : i32
    %add3A_47 = arith.addi %mul3A_45, %add3A_46 : i32
    "tpu.region"() ({
      %run_scoped3A = tpu.sem_alloc : memref<!tpu.dma_semaphore, #tpu.memory_space<semaphore_mem>>
      %dma_start3A = arith.constant 0 : i32
      %dma_start3A_48 = tpu.memref_slice %arg5[%arg0, %add3A_47, %dma_start3A] : memref<2x10240x8xf32, #tpu.memory_space<hbm>> -> memref<1x128x8xf32, #tpu.memory_space<hbm>>
      %dma_start3A_49 = tpu.memref_squeeze %dma_start3A_48 : memref<1x128x8xf32, #tpu.memory_space<hbm>> -> memref<128x8xf32, #tpu.memory_space<hbm>>
      %dma_start3A_50 = arith.constant 0 : i32
      %dma_start3A_51 = tpu.memref_slice %arg9[%add3A_47, %dma_start3A_50] : memref<10240x8xf32, #tpu.memory_space<vmem_shared>> -> memref<128x8xf32, #tpu.memory_space<vmem_shared>>
      tpu.enqueue_dma source(%dma_start3A_51 : memref<128x8xf32, #tpu.memory_space<vmem_shared>>) target(%dma_start3A_49 : memref<128x8xf32, #tpu.memory_space<hbm>>) target_semaphore(%run_scoped3A : memref<!tpu.dma_semaphore, #tpu.memory_space<semaphore_mem>>)
      %dma_wait3A = arith.constant 0 : i32
      %dma_wait3A_52 = tpu.memref_slice %arg5[%arg0, %add3A_47, %dma_wait3A] : memref<2x10240x8xf32, #tpu.memory_space<hbm>> -> memref<1x128x8xf32, #tpu.memory_space<hbm>>
      %dma_wait3A_53 = tpu.memref_squeeze %dma_wait3A_52 : memref<1x128x8xf32, #tpu.memory_space<hbm>> -> memref<128x8xf32, #tpu.memory_space<hbm>>
      %dma_wait3A_54 = arith.constant 0 : i32
      %dma_wait3A_55 = tpu.memref_slice %arg9[%add3A_47, %dma_wait3A_54] : memref<10240x8xf32, #tpu.memory_space<vmem_shared>> -> memref<128x8xf32, #tpu.memory_space<vmem_shared>>
      tpu.wait_dma2 semaphore(%run_scoped3A : memref<!tpu.dma_semaphore, #tpu.memory_space<semaphore_mem>>) src(%dma_wait3A_55 : memref<128x8xf32, #tpu.memory_space<vmem_shared>>) dst(%dma_wait3A_53 : memref<128x8xf32, #tpu.memory_space<hbm>>)
      tpu.yield
    }) : () -> ()
    return
  }
}

#map = affine_map<(d0, d1) -> (0, 0)>
#map1 = affine_map<(d0, d1) -> (0, 0, 0)>
module attributes {stable_mosaic.version = 14 : i64} {
  func.func @_sc_scatter(%arg0: i32, %arg1: i32, %arg2: memref<10240x64xf32, #tpu.memory_space<hbm>>, %arg3: memref<2560x128xi32, #tpu.memory_space<hbm>>, %arg4: memref<2560x128xi32, #tpu.memory_space<hbm>>, %arg5: memref<128x64xf32, #tpu.memory_space<hbm>>, %arg6: memref<2x10240x64xf32, #tpu.memory_space<hbm>>, %arg7: memref<80x128xi32, #tpu.memory_space<vmem>>, %arg8: memref<80x128xi32, #tpu.memory_space<vmem>>, %arg9: memref<2x128x64xf32, #tpu.memory_space<vmem>>, %arg10: memref<128x64xf32, #tpu.memory_space<vmem>>, %arg11: memref<10240x64xf32, #tpu.memory_space<vmem_shared>>, %arg12: memref<!tpu.dma_semaphore, #tpu.memory_space<semaphore_mem>>, %arg13: memref<!tpu.dma_semaphore, #tpu.memory_space<semaphore_mem>>) attributes {dimension_semantics = [#tpu.dimension_semantics<core_parallel>, #tpu.dimension_semantics<subcore_parallel>], iteration_bounds = array<i64: 2, 16>, scalar_prefetch = 0 : i64, scratch_operands = 7 : i64, tpu.core_type = #tpu.core_type<sc_vector_subcore>, window_params = [{transform_indices = #map}, {transform_indices = #map}, {transform_indices = #map}, {transform_indices = #map}, {transform_indices = #map1}]} {
    %mul3A = arith.constant 2 : i32
    %mul3A_0 = arith.muli %arg1, %mul3A : i32
    %add3A = arith.addi %mul3A_0, %arg0 : i32
    %mul3A_1 = arith.constant 80 : i32
    %mul3A_2 = arith.muli %add3A, %mul3A_1 : i32
    "tpu.region"() ({
      %run_scoped3A = tpu.sem_alloc : memref<!tpu.dma_semaphore, #tpu.memory_space<semaphore_mem>>
      %dma_start3A = arith.constant 0 : i32
      %dma_start3A_50 = tpu.memref_slice %arg3[%mul3A_2, %dma_start3A] : memref<2560x128xi32, #tpu.memory_space<hbm>> -> memref<80x128xi32, #tpu.memory_space<hbm>>
      %dma_start3A_51 = arith.constant 0 : i32
      %dma_start3A_52 = tpu.memref_slice %arg3[%mul3A_2, %dma_start3A_51] : memref<2560x128xi32, #tpu.memory_space<hbm>> -> memref<80x128xi32, #tpu.memory_space<hbm>>
      tpu.enqueue_dma source(%dma_start3A_52 : memref<80x128xi32, #tpu.memory_space<hbm>>) target(%arg7 : memref<80x128xi32, #tpu.memory_space<vmem>>) target_semaphore(%run_scoped3A : memref<!tpu.dma_semaphore, #tpu.memory_space<semaphore_mem>>)
      %dma_wait3A = arith.constant 0 : i32
      %dma_wait3A_53 = tpu.memref_slice %arg3[%mul3A_2, %dma_wait3A] : memref<2560x128xi32, #tpu.memory_space<hbm>> -> memref<80x128xi32, #tpu.memory_space<hbm>>
      %dma_wait3A_54 = arith.constant 0 : i32
      %dma_wait3A_55 = tpu.memref_slice %arg3[%mul3A_2, %dma_wait3A_54] : memref<2560x128xi32, #tpu.memory_space<hbm>> -> memref<80x128xi32, #tpu.memory_space<hbm>>
      tpu.wait_dma2 semaphore(%run_scoped3A : memref<!tpu.dma_semaphore, #tpu.memory_space<semaphore_mem>>) src(%dma_wait3A_55 : memref<80x128xi32, #tpu.memory_space<hbm>>) dst(%arg7 : memref<80x128xi32, #tpu.memory_space<vmem>>)
      tpu.yield
    }) : () -> ()
    %mul3A_3 = arith.constant 80 : i32
    %mul3A_4 = arith.muli %add3A, %mul3A_3 : i32
    "tpu.region"() ({
      %run_scoped3A = tpu.sem_alloc : memref<!tpu.dma_semaphore, #tpu.memory_space<semaphore_mem>>
      %dma_start3A = arith.constant 0 : i32
      %dma_start3A_50 = tpu.memref_slice %arg4[%mul3A_4, %dma_start3A] : memref<2560x128xi32, #tpu.memory_space<hbm>> -> memref<80x128xi32, #tpu.memory_space<hbm>>
      %dma_start3A_51 = arith.constant 0 : i32
      %dma_start3A_52 = tpu.memref_slice %arg4[%mul3A_4, %dma_start3A_51] : memref<2560x128xi32, #tpu.memory_space<hbm>> -> memref<80x128xi32, #tpu.memory_space<hbm>>
      tpu.enqueue_dma source(%dma_start3A_52 : memref<80x128xi32, #tpu.memory_space<hbm>>) target(%arg8 : memref<80x128xi32, #tpu.memory_space<vmem>>) target_semaphore(%run_scoped3A : memref<!tpu.dma_semaphore, #tpu.memory_space<semaphore_mem>>)
      %dma_wait3A = arith.constant 0 : i32
      %dma_wait3A_53 = tpu.memref_slice %arg4[%mul3A_4, %dma_wait3A] : memref<2560x128xi32, #tpu.memory_space<hbm>> -> memref<80x128xi32, #tpu.memory_space<hbm>>
      %dma_wait3A_54 = arith.constant 0 : i32
      %dma_wait3A_55 = tpu.memref_slice %arg4[%mul3A_4, %dma_wait3A_54] : memref<2560x128xi32, #tpu.memory_space<hbm>> -> memref<80x128xi32, #tpu.memory_space<hbm>>
      tpu.wait_dma2 semaphore(%run_scoped3A : memref<!tpu.dma_semaphore, #tpu.memory_space<semaphore_mem>>) src(%dma_wait3A_55 : memref<80x128xi32, #tpu.memory_space<hbm>>) dst(%arg8 : memref<80x128xi32, #tpu.memory_space<vmem>>)
      tpu.yield
    }) : () -> ()
    "tpu.region"() ({
      %run_scoped3A = tpu.sem_alloc : memref<!tpu.dma_semaphore, #tpu.memory_space<semaphore_mem>>
      tpu.enqueue_dma source(%arg5 : memref<128x64xf32, #tpu.memory_space<hbm>>) target(%arg10 : memref<128x64xf32, #tpu.memory_space<vmem>>) target_semaphore(%run_scoped3A : memref<!tpu.dma_semaphore, #tpu.memory_space<semaphore_mem>>)
      tpu.wait_dma2 semaphore(%run_scoped3A : memref<!tpu.dma_semaphore, #tpu.memory_space<semaphore_mem>>) src(%arg5 : memref<128x64xf32, #tpu.memory_space<hbm>>) dst(%arg10 : memref<128x64xf32, #tpu.memory_space<vmem>>)
      tpu.yield
    }) : () -> ()
    %mul3A_5 = arith.constant 640 : i32
    %mul3A_6 = arith.muli %arg1, %mul3A_5 : i32
    %add3A_7 = arith.constant 0 : i32
    %add3A_8 = arith.addi %mul3A_6, %add3A_7 : i32
    "tpu.region"() ({
      %run_scoped3A = tpu.sem_alloc : memref<!tpu.dma_semaphore, #tpu.memory_space<semaphore_mem>>
      %dma_start3A = arith.constant 0 : i32
      %dma_start3A_50 = tpu.memref_slice %arg11[%add3A_8, %dma_start3A] : memref<10240x64xf32, #tpu.memory_space<vmem_shared>> -> memref<128x64xf32, #tpu.memory_space<vmem_shared>>
      %dma_start3A_51 = arith.constant 0 : i32
      %dma_start3A_52 = tpu.memref_slice %arg11[%add3A_8, %dma_start3A_51] : memref<10240x64xf32, #tpu.memory_space<vmem_shared>> -> memref<128x64xf32, #tpu.memory_space<vmem_shared>>
      tpu.enqueue_dma source(%arg10 : memref<128x64xf32, #tpu.memory_space<vmem>>) target(%dma_start3A_52 : memref<128x64xf32, #tpu.memory_space<vmem_shared>>) target_semaphore(%run_scoped3A : memref<!tpu.dma_semaphore, #tpu.memory_space<semaphore_mem>>)
      %dma_wait3A = arith.constant 0 : i32
      %dma_wait3A_53 = tpu.memref_slice %arg11[%add3A_8, %dma_wait3A] : memref<10240x64xf32, #tpu.memory_space<vmem_shared>> -> memref<128x64xf32, #tpu.memory_space<vmem_shared>>
      %dma_wait3A_54 = arith.constant 0 : i32
      %dma_wait3A_55 = tpu.memref_slice %arg11[%add3A_8, %dma_wait3A_54] : memref<10240x64xf32, #tpu.memory_space<vmem_shared>> -> memref<128x64xf32, #tpu.memory_space<vmem_shared>>
      tpu.wait_dma2 semaphore(%run_scoped3A : memref<!tpu.dma_semaphore, #tpu.memory_space<semaphore_mem>>) src(%arg10 : memref<128x64xf32, #tpu.memory_space<vmem>>) dst(%dma_wait3A_55 : memref<128x64xf32, #tpu.memory_space<vmem_shared>>)
      tpu.yield
    }) : () -> ()
    %mul3A_9 = arith.constant 640 : i32
    %mul3A_10 = arith.muli %arg1, %mul3A_9 : i32
    %add3A_11 = arith.constant 128 : i32
    %add3A_12 = arith.addi %mul3A_10, %add3A_11 : i32
    "tpu.region"() ({
      %run_scoped3A = tpu.sem_alloc : memref<!tpu.dma_semaphore, #tpu.memory_space<semaphore_mem>>
      %dma_start3A = arith.constant 0 : i32
      %dma_start3A_50 = tpu.memref_slice %arg11[%add3A_12, %dma_start3A] : memref<10240x64xf32, #tpu.memory_space<vmem_shared>> -> memref<128x64xf32, #tpu.memory_space<vmem_shared>>
      %dma_start3A_51 = arith.constant 0 : i32
      %dma_start3A_52 = tpu.memref_slice %arg11[%add3A_12, %dma_start3A_51] : memref<10240x64xf32, #tpu.memory_space<vmem_shared>> -> memref<128x64xf32, #tpu.memory_space<vmem_shared>>
      tpu.enqueue_dma source(%arg10 : memref<128x64xf32, #tpu.memory_space<vmem>>) target(%dma_start3A_52 : memref<128x64xf32, #tpu.memory_space<vmem_shared>>) target_semaphore(%run_scoped3A : memref<!tpu.dma_semaphore, #tpu.memory_space<semaphore_mem>>)
      %dma_wait3A = arith.constant 0 : i32
      %dma_wait3A_53 = tpu.memref_slice %arg11[%add3A_12, %dma_wait3A] : memref<10240x64xf32, #tpu.memory_space<vmem_shared>> -> memref<128x64xf32, #tpu.memory_space<vmem_shared>>
      %dma_wait3A_54 = arith.constant 0 : i32
      %dma_wait3A_55 = tpu.memref_slice %arg11[%add3A_12, %dma_wait3A_54] : memref<10240x64xf32, #tpu.memory_space<vmem_shared>> -> memref<128x64xf32, #tpu.memory_space<vmem_shared>>
      tpu.wait_dma2 semaphore(%run_scoped3A : memref<!tpu.dma_semaphore, #tpu.memory_space<semaphore_mem>>) src(%arg10 : memref<128x64xf32, #tpu.memory_space<vmem>>) dst(%dma_wait3A_55 : memref<128x64xf32, #tpu.memory_space<vmem_shared>>)
      tpu.yield
    }) : () -> ()
    %mul3A_13 = arith.constant 640 : i32
    %mul3A_14 = arith.muli %arg1, %mul3A_13 : i32
    %add3A_15 = arith.constant 256 : i32
    %add3A_16 = arith.addi %mul3A_14, %add3A_15 : i32
    "tpu.region"() ({
      %run_scoped3A = tpu.sem_alloc : memref<!tpu.dma_semaphore, #tpu.memory_space<semaphore_mem>>
      %dma_start3A = arith.constant 0 : i32
      %dma_start3A_50 = tpu.memref_slice %arg11[%add3A_16, %dma_start3A] : memref<10240x64xf32, #tpu.memory_space<vmem_shared>> -> memref<128x64xf32, #tpu.memory_space<vmem_shared>>
      %dma_start3A_51 = arith.constant 0 : i32
      %dma_start3A_52 = tpu.memref_slice %arg11[%add3A_16, %dma_start3A_51] : memref<10240x64xf32, #tpu.memory_space<vmem_shared>> -> memref<128x64xf32, #tpu.memory_space<vmem_shared>>
      tpu.enqueue_dma source(%arg10 : memref<128x64xf32, #tpu.memory_space<vmem>>) target(%dma_start3A_52 : memref<128x64xf32, #tpu.memory_space<vmem_shared>>) target_semaphore(%run_scoped3A : memref<!tpu.dma_semaphore, #tpu.memory_space<semaphore_mem>>)
      %dma_wait3A = arith.constant 0 : i32
      %dma_wait3A_53 = tpu.memref_slice %arg11[%add3A_16, %dma_wait3A] : memref<10240x64xf32, #tpu.memory_space<vmem_shared>> -> memref<128x64xf32, #tpu.memory_space<vmem_shared>>
      %dma_wait3A_54 = arith.constant 0 : i32
      %dma_wait3A_55 = tpu.memref_slice %arg11[%add3A_16, %dma_wait3A_54] : memref<10240x64xf32, #tpu.memory_space<vmem_shared>> -> memref<128x64xf32, #tpu.memory_space<vmem_shared>>
      tpu.wait_dma2 semaphore(%run_scoped3A : memref<!tpu.dma_semaphore, #tpu.memory_space<semaphore_mem>>) src(%arg10 : memref<128x64xf32, #tpu.memory_space<vmem>>) dst(%dma_wait3A_55 : memref<128x64xf32, #tpu.memory_space<vmem_shared>>)
      tpu.yield
    }) : () -> ()
    %mul3A_17 = arith.constant 640 : i32
    %mul3A_18 = arith.muli %arg1, %mul3A_17 : i32
    %add3A_19 = arith.constant 384 : i32
    %add3A_20 = arith.addi %mul3A_18, %add3A_19 : i32
    "tpu.region"() ({
      %run_scoped3A = tpu.sem_alloc : memref<!tpu.dma_semaphore, #tpu.memory_space<semaphore_mem>>
      %dma_start3A = arith.constant 0 : i32
      %dma_start3A_50 = tpu.memref_slice %arg11[%add3A_20, %dma_start3A] : memref<10240x64xf32, #tpu.memory_space<vmem_shared>> -> memref<128x64xf32, #tpu.memory_space<vmem_shared>>
      %dma_start3A_51 = arith.constant 0 : i32
      %dma_start3A_52 = tpu.memref_slice %arg11[%add3A_20, %dma_start3A_51] : memref<10240x64xf32, #tpu.memory_space<vmem_shared>> -> memref<128x64xf32, #tpu.memory_space<vmem_shared>>
      tpu.enqueue_dma source(%arg10 : memref<128x64xf32, #tpu.memory_space<vmem>>) target(%dma_start3A_52 : memref<128x64xf32, #tpu.memory_space<vmem_shared>>) target_semaphore(%run_scoped3A : memref<!tpu.dma_semaphore, #tpu.memory_space<semaphore_mem>>)
      %dma_wait3A = arith.constant 0 : i32
      %dma_wait3A_53 = tpu.memref_slice %arg11[%add3A_20, %dma_wait3A] : memref<10240x64xf32, #tpu.memory_space<vmem_shared>> -> memref<128x64xf32, #tpu.memory_space<vmem_shared>>
      %dma_wait3A_54 = arith.constant 0 : i32
      %dma_wait3A_55 = tpu.memref_slice %arg11[%add3A_20, %dma_wait3A_54] : memref<10240x64xf32, #tpu.memory_space<vmem_shared>> -> memref<128x64xf32, #tpu.memory_space<vmem_shared>>
      tpu.wait_dma2 semaphore(%run_scoped3A : memref<!tpu.dma_semaphore, #tpu.memory_space<semaphore_mem>>) src(%arg10 : memref<128x64xf32, #tpu.memory_space<vmem>>) dst(%dma_wait3A_55 : memref<128x64xf32, #tpu.memory_space<vmem_shared>>)
      tpu.yield
    }) : () -> ()
    %mul3A_21 = arith.constant 640 : i32
    %mul3A_22 = arith.muli %arg1, %mul3A_21 : i32
    %add3A_23 = arith.constant 512 : i32
    %add3A_24 = arith.addi %mul3A_22, %add3A_23 : i32
    "tpu.region"() ({
      %run_scoped3A = tpu.sem_alloc : memref<!tpu.dma_semaphore, #tpu.memory_space<semaphore_mem>>
      %dma_start3A = arith.constant 0 : i32
      %dma_start3A_50 = tpu.memref_slice %arg11[%add3A_24, %dma_start3A] : memref<10240x64xf32, #tpu.memory_space<vmem_shared>> -> memref<128x64xf32, #tpu.memory_space<vmem_shared>>
      %dma_start3A_51 = arith.constant 0 : i32
      %dma_start3A_52 = tpu.memref_slice %arg11[%add3A_24, %dma_start3A_51] : memref<10240x64xf32, #tpu.memory_space<vmem_shared>> -> memref<128x64xf32, #tpu.memory_space<vmem_shared>>
      tpu.enqueue_dma source(%arg10 : memref<128x64xf32, #tpu.memory_space<vmem>>) target(%dma_start3A_52 : memref<128x64xf32, #tpu.memory_space<vmem_shared>>) target_semaphore(%run_scoped3A : memref<!tpu.dma_semaphore, #tpu.memory_space<semaphore_mem>>)
      %dma_wait3A = arith.constant 0 : i32
      %dma_wait3A_53 = tpu.memref_slice %arg11[%add3A_24, %dma_wait3A] : memref<10240x64xf32, #tpu.memory_space<vmem_shared>> -> memref<128x64xf32, #tpu.memory_space<vmem_shared>>
      %dma_wait3A_54 = arith.constant 0 : i32
      %dma_wait3A_55 = tpu.memref_slice %arg11[%add3A_24, %dma_wait3A_54] : memref<10240x64xf32, #tpu.memory_space<vmem_shared>> -> memref<128x64xf32, #tpu.memory_space<vmem_shared>>
      tpu.wait_dma2 semaphore(%run_scoped3A : memref<!tpu.dma_semaphore, #tpu.memory_space<semaphore_mem>>) src(%arg10 : memref<128x64xf32, #tpu.memory_space<vmem>>) dst(%dma_wait3A_55 : memref<128x64xf32, #tpu.memory_space<vmem_shared>>)
      tpu.yield
    }) : () -> ()
    %barrier3A = arith.constant 0 : index
    tpu.barrier barrier_id(%barrier3A)
    %scan3A = arith.constant 0 : i32
    %scan3A_25 = arith.constant 40 : i32
    %scan3A_26 = arith.addi %scan3A, %scan3A_25 : i32
    %scan3A_27 = arith.constant 1 : i32
    scf.for %scan3A_50 = %scan3A to %scan3A_26 step %scan3A_27  : i32 {
      %mul3A_51 = arith.constant 2 : i32
      %mul3A_52 = arith.muli %scan3A_50, %mul3A_51 : i32
      %add3A_53 = arith.constant 0 : i32
      %add3A_54 = arith.addi %add3A_53, %mul3A_52 : i32
      %dma_start3A = arith.constant 0 : i32
      %dma_start3A_55 = arith.constant 0 : i32
      %dma_start3A_56 = arith.constant 0 : i32
      %dma_start3A_57 = tpu.memref_slice %arg9[%dma_start3A, %dma_start3A_55, %dma_start3A_56] : memref<2x128x64xf32, #tpu.memory_space<vmem>> -> memref<1x128x64xf32, #tpu.memory_space<vmem>>
      %dma_start3A_58 = tpu.memref_squeeze %dma_start3A_57 : memref<1x128x64xf32, #tpu.memory_space<vmem>> -> memref<128x64xf32, #tpu.memory_space<vmem>>
      %dma_start3A_59 = arith.constant 0 : i32
      %dma_start3A_60 = tpu.memref_slice %arg7[%add3A_54, %dma_start3A_59] : memref<80x128xi32, #tpu.memory_space<vmem>> -> memref<1x128xi32, #tpu.memory_space<vmem>>
      %dma_start3A_61 = tpu.memref_squeeze %dma_start3A_60 : memref<1x128xi32, #tpu.memory_space<vmem>> -> memref<128xi32, #tpu.memory_space<vmem>>
      %dma_start3A_62 = arith.constant 0 : i32
      %dma_start3A_63 = arith.constant 0 : i32
      %dma_start3A_64 = tpu.memref_slice %arg2[%dma_start3A_62, %dma_start3A_63] : memref<10240x64xf32, #tpu.memory_space<hbm>> -> memref<10240x64xf32, #tpu.memory_space<hbm>>
      tpu.enqueue_indirect_dma source(%dma_start3A_64 : memref<10240x64xf32, #tpu.memory_space<hbm>>) target(%dma_start3A_58 : memref<128x64xf32, #tpu.memory_space<vmem>>) offsets(%dma_start3A_61 : memref<128xi32, #tpu.memory_space<vmem>>) semaphore(%arg12 : memref<!tpu.dma_semaphore, #tpu.memory_space<semaphore_mem>>)
      %add3A_65 = arith.constant 1 : i32
      %add3A_66 = arith.addi %add3A_54, %add3A_65 : i32
      %dma_start3A_67 = arith.constant 1 : i32
      %dma_start3A_68 = arith.constant 0 : i32
      %dma_start3A_69 = arith.constant 0 : i32
      %dma_start3A_70 = tpu.memref_slice %arg9[%dma_start3A_67, %dma_start3A_68, %dma_start3A_69] : memref<2x128x64xf32, #tpu.memory_space<vmem>> -> memref<1x128x64xf32, #tpu.memory_space<vmem>>
      %dma_start3A_71 = tpu.memref_squeeze %dma_start3A_70 : memref<1x128x64xf32, #tpu.memory_space<vmem>> -> memref<128x64xf32, #tpu.memory_space<vmem>>
      %dma_start3A_72 = arith.constant 0 : i32
      %dma_start3A_73 = tpu.memref_slice %arg7[%add3A_66, %dma_start3A_72] : memref<80x128xi32, #tpu.memory_space<vmem>> -> memref<1x128xi32, #tpu.memory_space<vmem>>
      %dma_start3A_74 = tpu.memref_squeeze %dma_start3A_73 : memref<1x128xi32, #tpu.memory_space<vmem>> -> memref<128xi32, #tpu.memory_space<vmem>>
      %dma_start3A_75 = arith.constant 0 : i32
      %dma_start3A_76 = arith.constant 0 : i32
      %dma_start3A_77 = tpu.memref_slice %arg2[%dma_start3A_75, %dma_start3A_76] : memref<10240x64xf32, #tpu.memory_space<hbm>> -> memref<10240x64xf32, #tpu.memory_space<hbm>>
      tpu.enqueue_indirect_dma source(%dma_start3A_77 : memref<10240x64xf32, #tpu.memory_space<hbm>>) target(%dma_start3A_71 : memref<128x64xf32, #tpu.memory_space<vmem>>) offsets(%dma_start3A_74 : memref<128xi32, #tpu.memory_space<vmem>>) semaphore(%arg12 : memref<!tpu.dma_semaphore, #tpu.memory_space<semaphore_mem>>)
      %dma_wait3A = arith.constant 0 : i32
      %dma_wait3A_78 = arith.constant 0 : i32
      %dma_wait3A_79 = arith.constant 0 : i32
      %dma_wait3A_80 = tpu.memref_slice %arg9[%dma_wait3A, %dma_wait3A_78, %dma_wait3A_79] : memref<2x128x64xf32, #tpu.memory_space<vmem>> -> memref<1x128x64xf32, #tpu.memory_space<vmem>>
      %dma_wait3A_81 = tpu.memref_squeeze %dma_wait3A_80 : memref<1x128x64xf32, #tpu.memory_space<vmem>> -> memref<128x64xf32, #tpu.memory_space<vmem>>
      %dma_wait3A_82 = arith.constant 0 : i32
      %dma_wait3A_83 = tpu.memref_slice %arg7[%add3A_54, %dma_wait3A_82] : memref<80x128xi32, #tpu.memory_space<vmem>> -> memref<1x128xi32, #tpu.memory_space<vmem>>
      %dma_wait3A_84 = tpu.memref_squeeze %dma_wait3A_83 : memref<1x128xi32, #tpu.memory_space<vmem>> -> memref<128xi32, #tpu.memory_space<vmem>>
      %dma_wait3A_85 = arith.constant 0 : i32
      %dma_wait3A_86 = arith.constant 0 : i32
      %dma_wait3A_87 = tpu.memref_slice %arg2[%dma_wait3A_85, %dma_wait3A_86] : memref<10240x64xf32, #tpu.memory_space<hbm>> -> memref<10240x64xf32, #tpu.memory_space<hbm>>
      tpu.wait_indirect_dma semaphore(%arg12 : memref<!tpu.dma_semaphore, #tpu.memory_space<semaphore_mem>>) src(%dma_wait3A_87 : memref<10240x64xf32, #tpu.memory_space<hbm>>) dst(%dma_wait3A_81 : memref<128x64xf32, #tpu.memory_space<vmem>>)
      %dma_start3A_88 = arith.constant 0 : i32
      %dma_start3A_89 = arith.constant 0 : i32
      %dma_start3A_90 = arith.constant 0 : i32
      %dma_start3A_91 = tpu.memref_slice %arg9[%dma_start3A_88, %dma_start3A_89, %dma_start3A_90] : memref<2x128x64xf32, #tpu.memory_space<vmem>> -> memref<1x128x64xf32, #tpu.memory_space<vmem>>
      %dma_start3A_92 = tpu.memref_squeeze %dma_start3A_91 : memref<1x128x64xf32, #tpu.memory_space<vmem>> -> memref<128x64xf32, #tpu.memory_space<vmem>>
      %dma_start3A_93 = arith.constant 0 : i32
      %dma_start3A_94 = tpu.memref_slice %arg8[%add3A_54, %dma_start3A_93] : memref<80x128xi32, #tpu.memory_space<vmem>> -> memref<1x128xi32, #tpu.memory_space<vmem>>
      %dma_start3A_95 = tpu.memref_squeeze %dma_start3A_94 : memref<1x128xi32, #tpu.memory_space<vmem>> -> memref<128xi32, #tpu.memory_space<vmem>>
      %dma_start3A_96 = arith.constant 0 : i32
      %dma_start3A_97 = arith.constant 0 : i32
      %dma_start3A_98 = tpu.memref_slice %arg11[%dma_start3A_96, %dma_start3A_97] : memref<10240x64xf32, #tpu.memory_space<vmem_shared>> -> memref<10240x64xf32, #tpu.memory_space<vmem_shared>>
      tpu.enqueue_indirect_dma source(%dma_start3A_92 : memref<128x64xf32, #tpu.memory_space<vmem>>) target(%dma_start3A_98 : memref<10240x64xf32, #tpu.memory_space<vmem_shared>>) offsets(%dma_start3A_95 : memref<128xi32, #tpu.memory_space<vmem>>) semaphore(%arg13 : memref<!tpu.dma_semaphore, #tpu.memory_space<semaphore_mem>>) {add = true}
      %dma_wait3A_99 = arith.constant 1 : i32
      %dma_wait3A_100 = arith.constant 0 : i32
      %dma_wait3A_101 = arith.constant 0 : i32
      %dma_wait3A_102 = tpu.memref_slice %arg9[%dma_wait3A_99, %dma_wait3A_100, %dma_wait3A_101] : memref<2x128x64xf32, #tpu.memory_space<vmem>> -> memref<1x128x64xf32, #tpu.memory_space<vmem>>
      %dma_wait3A_103 = tpu.memref_squeeze %dma_wait3A_102 : memref<1x128x64xf32, #tpu.memory_space<vmem>> -> memref<128x64xf32, #tpu.memory_space<vmem>>
      %dma_wait3A_104 = arith.constant 0 : i32
      %dma_wait3A_105 = tpu.memref_slice %arg7[%add3A_66, %dma_wait3A_104] : memref<80x128xi32, #tpu.memory_space<vmem>> -> memref<1x128xi32, #tpu.memory_space<vmem>>
      %dma_wait3A_106 = tpu.memref_squeeze %dma_wait3A_105 : memref<1x128xi32, #tpu.memory_space<vmem>> -> memref<128xi32, #tpu.memory_space<vmem>>
      %dma_wait3A_107 = arith.constant 0 : i32
      %dma_wait3A_108 = arith.constant 0 : i32
      %dma_wait3A_109 = tpu.memref_slice %arg2[%dma_wait3A_107, %dma_wait3A_108] : memref<10240x64xf32, #tpu.memory_space<hbm>> -> memref<10240x64xf32, #tpu.memory_space<hbm>>
      tpu.wait_indirect_dma semaphore(%arg12 : memref<!tpu.dma_semaphore, #tpu.memory_space<semaphore_mem>>) src(%dma_wait3A_109 : memref<10240x64xf32, #tpu.memory_space<hbm>>) dst(%dma_wait3A_103 : memref<128x64xf32, #tpu.memory_space<vmem>>)
      %add3A_110 = arith.constant 1 : i32
      %add3A_111 = arith.addi %add3A_54, %add3A_110 : i32
      %dma_start3A_112 = arith.constant 1 : i32
      %dma_start3A_113 = arith.constant 0 : i32
      %dma_start3A_114 = arith.constant 0 : i32
      %dma_start3A_115 = tpu.memref_slice %arg9[%dma_start3A_112, %dma_start3A_113, %dma_start3A_114] : memref<2x128x64xf32, #tpu.memory_space<vmem>> -> memref<1x128x64xf32, #tpu.memory_space<vmem>>
      %dma_start3A_116 = tpu.memref_squeeze %dma_start3A_115 : memref<1x128x64xf32, #tpu.memory_space<vmem>> -> memref<128x64xf32, #tpu.memory_space<vmem>>
      %dma_start3A_117 = arith.constant 0 : i32
      %dma_start3A_118 = tpu.memref_slice %arg8[%add3A_111, %dma_start3A_117] : memref<80x128xi32, #tpu.memory_space<vmem>> -> memref<1x128xi32, #tpu.memory_space<vmem>>
      %dma_start3A_119 = tpu.memref_squeeze %dma_start3A_118 : memref<1x128xi32, #tpu.memory_space<vmem>> -> memref<128xi32, #tpu.memory_space<vmem>>
      %dma_start3A_120 = arith.constant 0 : i32
      %dma_start3A_121 = arith.constant 0 : i32
      %dma_start3A_122 = tpu.memref_slice %arg11[%dma_start3A_120, %dma_start3A_121] : memref<10240x64xf32, #tpu.memory_space<vmem_shared>> -> memref<10240x64xf32, #tpu.memory_space<vmem_shared>>
      tpu.enqueue_indirect_dma source(%dma_start3A_116 : memref<128x64xf32, #tpu.memory_space<vmem>>) target(%dma_start3A_122 : memref<10240x64xf32, #tpu.memory_space<vmem_shared>>) offsets(%dma_start3A_119 : memref<128xi32, #tpu.memory_space<vmem>>) semaphore(%arg13 : memref<!tpu.dma_semaphore, #tpu.memory_space<semaphore_mem>>) {add = true}
      %dma_wait3A_123 = arith.constant 0 : i32
      %dma_wait3A_124 = arith.constant 0 : i32
      %dma_wait3A_125 = arith.constant 0 : i32
      %dma_wait3A_126 = tpu.memref_slice %arg9[%dma_wait3A_123, %dma_wait3A_124, %dma_wait3A_125] : memref<2x128x64xf32, #tpu.memory_space<vmem>> -> memref<1x128x64xf32, #tpu.memory_space<vmem>>
      %dma_wait3A_127 = tpu.memref_squeeze %dma_wait3A_126 : memref<1x128x64xf32, #tpu.memory_space<vmem>> -> memref<128x64xf32, #tpu.memory_space<vmem>>
      %dma_wait3A_128 = arith.constant 0 : i32
      %dma_wait3A_129 = tpu.memref_slice %arg8[%add3A_54, %dma_wait3A_128] : memref<80x128xi32, #tpu.memory_space<vmem>> -> memref<1x128xi32, #tpu.memory_space<vmem>>
      %dma_wait3A_130 = tpu.memref_squeeze %dma_wait3A_129 : memref<1x128xi32, #tpu.memory_space<vmem>> -> memref<128xi32, #tpu.memory_space<vmem>>
      %dma_wait3A_131 = arith.constant 0 : i32
      %dma_wait3A_132 = arith.constant 0 : i32
      %dma_wait3A_133 = tpu.memref_slice %arg11[%dma_wait3A_131, %dma_wait3A_132] : memref<10240x64xf32, #tpu.memory_space<vmem_shared>> -> memref<10240x64xf32, #tpu.memory_space<vmem_shared>>
      tpu.wait_indirect_dma semaphore(%arg13 : memref<!tpu.dma_semaphore, #tpu.memory_space<semaphore_mem>>) src(%dma_wait3A_127 : memref<128x64xf32, #tpu.memory_space<vmem>>) dst(%dma_wait3A_133 : memref<10240x64xf32, #tpu.memory_space<vmem_shared>>)
      %dma_wait3A_134 = arith.constant 1 : i32
      %dma_wait3A_135 = arith.constant 0 : i32
      %dma_wait3A_136 = arith.constant 0 : i32
      %dma_wait3A_137 = tpu.memref_slice %arg9[%dma_wait3A_134, %dma_wait3A_135, %dma_wait3A_136] : memref<2x128x64xf32, #tpu.memory_space<vmem>> -> memref<1x128x64xf32, #tpu.memory_space<vmem>>
      %dma_wait3A_138 = tpu.memref_squeeze %dma_wait3A_137 : memref<1x128x64xf32, #tpu.memory_space<vmem>> -> memref<128x64xf32, #tpu.memory_space<vmem>>
      %dma_wait3A_139 = arith.constant 0 : i32
      %dma_wait3A_140 = tpu.memref_slice %arg8[%add3A_111, %dma_wait3A_139] : memref<80x128xi32, #tpu.memory_space<vmem>> -> memref<1x128xi32, #tpu.memory_space<vmem>>
      %dma_wait3A_141 = tpu.memref_squeeze %dma_wait3A_140 : memref<1x128xi32, #tpu.memory_space<vmem>> -> memref<128xi32, #tpu.memory_space<vmem>>
      %dma_wait3A_142 = arith.constant 0 : i32
      %dma_wait3A_143 = arith.constant 0 : i32
      %dma_wait3A_144 = tpu.memref_slice %arg11[%dma_wait3A_142, %dma_wait3A_143] : memref<10240x64xf32, #tpu.memory_space<vmem_shared>> -> memref<10240x64xf32, #tpu.memory_space<vmem_shared>>
      tpu.wait_indirect_dma semaphore(%arg13 : memref<!tpu.dma_semaphore, #tpu.memory_space<semaphore_mem>>) src(%dma_wait3A_138 : memref<128x64xf32, #tpu.memory_space<vmem>>) dst(%dma_wait3A_144 : memref<10240x64xf32, #tpu.memory_space<vmem_shared>>)
    }
    %scan3A_28 = arith.constant 40 : i32
    %barrier3A_29 = arith.constant 0 : index
    tpu.barrier barrier_id(%barrier3A_29)
    %mul3A_30 = arith.constant 640 : i32
    %mul3A_31 = arith.muli %arg1, %mul3A_30 : i32
    %add3A_32 = arith.constant 0 : i32
    %add3A_33 = arith.addi %mul3A_31, %add3A_32 : i32
    "tpu.region"() ({
      %run_scoped3A = tpu.sem_alloc : memref<!tpu.dma_semaphore, #tpu.memory_space<semaphore_mem>>
      %dma_start3A = arith.constant 0 : i32
      %dma_start3A_50 = tpu.memref_slice %arg6[%arg0, %add3A_33, %dma_start3A] : memref<2x10240x64xf32, #tpu.memory_space<hbm>> -> memref<1x128x64xf32, #tpu.memory_space<hbm>>
      %dma_start3A_51 = tpu.memref_squeeze %dma_start3A_50 : memref<1x128x64xf32, #tpu.memory_space<hbm>> -> memref<128x64xf32, #tpu.memory_space<hbm>>
      %dma_start3A_52 = arith.constant 0 : i32
      %dma_start3A_53 = tpu.memref_slice %arg11[%add3A_33, %dma_start3A_52] : memref<10240x64xf32, #tpu.memory_space<vmem_shared>> -> memref<128x64xf32, #tpu.memory_space<vmem_shared>>
      tpu.enqueue_dma source(%dma_start3A_53 : memref<128x64xf32, #tpu.memory_space<vmem_shared>>) target(%dma_start3A_51 : memref<128x64xf32, #tpu.memory_space<hbm>>) target_semaphore(%run_scoped3A : memref<!tpu.dma_semaphore, #tpu.memory_space<semaphore_mem>>)
      %dma_wait3A = arith.constant 0 : i32
      %dma_wait3A_54 = tpu.memref_slice %arg6[%arg0, %add3A_33, %dma_wait3A] : memref<2x10240x64xf32, #tpu.memory_space<hbm>> -> memref<1x128x64xf32, #tpu.memory_space<hbm>>
      %dma_wait3A_55 = tpu.memref_squeeze %dma_wait3A_54 : memref<1x128x64xf32, #tpu.memory_space<hbm>> -> memref<128x64xf32, #tpu.memory_space<hbm>>
      %dma_wait3A_56 = arith.constant 0 : i32
      %dma_wait3A_57 = tpu.memref_slice %arg11[%add3A_33, %dma_wait3A_56] : memref<10240x64xf32, #tpu.memory_space<vmem_shared>> -> memref<128x64xf32, #tpu.memory_space<vmem_shared>>
      tpu.wait_dma2 semaphore(%run_scoped3A : memref<!tpu.dma_semaphore, #tpu.memory_space<semaphore_mem>>) src(%dma_wait3A_57 : memref<128x64xf32, #tpu.memory_space<vmem_shared>>) dst(%dma_wait3A_55 : memref<128x64xf32, #tpu.memory_space<hbm>>)
      tpu.yield
    }) : () -> ()
    %mul3A_34 = arith.constant 640 : i32
    %mul3A_35 = arith.muli %arg1, %mul3A_34 : i32
    %add3A_36 = arith.constant 128 : i32
    %add3A_37 = arith.addi %mul3A_35, %add3A_36 : i32
    "tpu.region"() ({
      %run_scoped3A = tpu.sem_alloc : memref<!tpu.dma_semaphore, #tpu.memory_space<semaphore_mem>>
      %dma_start3A = arith.constant 0 : i32
      %dma_start3A_50 = tpu.memref_slice %arg6[%arg0, %add3A_37, %dma_start3A] : memref<2x10240x64xf32, #tpu.memory_space<hbm>> -> memref<1x128x64xf32, #tpu.memory_space<hbm>>
      %dma_start3A_51 = tpu.memref_squeeze %dma_start3A_50 : memref<1x128x64xf32, #tpu.memory_space<hbm>> -> memref<128x64xf32, #tpu.memory_space<hbm>>
      %dma_start3A_52 = arith.constant 0 : i32
      %dma_start3A_53 = tpu.memref_slice %arg11[%add3A_37, %dma_start3A_52] : memref<10240x64xf32, #tpu.memory_space<vmem_shared>> -> memref<128x64xf32, #tpu.memory_space<vmem_shared>>
      tpu.enqueue_dma source(%dma_start3A_53 : memref<128x64xf32, #tpu.memory_space<vmem_shared>>) target(%dma_start3A_51 : memref<128x64xf32, #tpu.memory_space<hbm>>) target_semaphore(%run_scoped3A : memref<!tpu.dma_semaphore, #tpu.memory_space<semaphore_mem>>)
      %dma_wait3A = arith.constant 0 : i32
      %dma_wait3A_54 = tpu.memref_slice %arg6[%arg0, %add3A_37, %dma_wait3A] : memref<2x10240x64xf32, #tpu.memory_space<hbm>> -> memref<1x128x64xf32, #tpu.memory_space<hbm>>
      %dma_wait3A_55 = tpu.memref_squeeze %dma_wait3A_54 : memref<1x128x64xf32, #tpu.memory_space<hbm>> -> memref<128x64xf32, #tpu.memory_space<hbm>>
      %dma_wait3A_56 = arith.constant 0 : i32
      %dma_wait3A_57 = tpu.memref_slice %arg11[%add3A_37, %dma_wait3A_56] : memref<10240x64xf32, #tpu.memory_space<vmem_shared>> -> memref<128x64xf32, #tpu.memory_space<vmem_shared>>
      tpu.wait_dma2 semaphore(%run_scoped3A : memref<!tpu.dma_semaphore, #tpu.memory_space<semaphore_mem>>) src(%dma_wait3A_57 : memref<128x64xf32, #tpu.memory_space<vmem_shared>>) dst(%dma_wait3A_55 : memref<128x64xf32, #tpu.memory_space<hbm>>)
      tpu.yield
    }) : () -> ()
    %mul3A_38 = arith.constant 640 : i32
    %mul3A_39 = arith.muli %arg1, %mul3A_38 : i32
    %add3A_40 = arith.constant 256 : i32
    %add3A_41 = arith.addi %mul3A_39, %add3A_40 : i32
    "tpu.region"() ({
      %run_scoped3A = tpu.sem_alloc : memref<!tpu.dma_semaphore, #tpu.memory_space<semaphore_mem>>
      %dma_start3A = arith.constant 0 : i32
      %dma_start3A_50 = tpu.memref_slice %arg6[%arg0, %add3A_41, %dma_start3A] : memref<2x10240x64xf32, #tpu.memory_space<hbm>> -> memref<1x128x64xf32, #tpu.memory_space<hbm>>
      %dma_start3A_51 = tpu.memref_squeeze %dma_start3A_50 : memref<1x128x64xf32, #tpu.memory_space<hbm>> -> memref<128x64xf32, #tpu.memory_space<hbm>>
      %dma_start3A_52 = arith.constant 0 : i32
      %dma_start3A_53 = tpu.memref_slice %arg11[%add3A_41, %dma_start3A_52] : memref<10240x64xf32, #tpu.memory_space<vmem_shared>> -> memref<128x64xf32, #tpu.memory_space<vmem_shared>>
      tpu.enqueue_dma source(%dma_start3A_53 : memref<128x64xf32, #tpu.memory_space<vmem_shared>>) target(%dma_start3A_51 : memref<128x64xf32, #tpu.memory_space<hbm>>) target_semaphore(%run_scoped3A : memref<!tpu.dma_semaphore, #tpu.memory_space<semaphore_mem>>)
      %dma_wait3A = arith.constant 0 : i32
      %dma_wait3A_54 = tpu.memref_slice %arg6[%arg0, %add3A_41, %dma_wait3A] : memref<2x10240x64xf32, #tpu.memory_space<hbm>> -> memref<1x128x64xf32, #tpu.memory_space<hbm>>
      %dma_wait3A_55 = tpu.memref_squeeze %dma_wait3A_54 : memref<1x128x64xf32, #tpu.memory_space<hbm>> -> memref<128x64xf32, #tpu.memory_space<hbm>>
      %dma_wait3A_56 = arith.constant 0 : i32
      %dma_wait3A_57 = tpu.memref_slice %arg11[%add3A_41, %dma_wait3A_56] : memref<10240x64xf32, #tpu.memory_space<vmem_shared>> -> memref<128x64xf32, #tpu.memory_space<vmem_shared>>
      tpu.wait_dma2 semaphore(%run_scoped3A : memref<!tpu.dma_semaphore, #tpu.memory_space<semaphore_mem>>) src(%dma_wait3A_57 : memref<128x64xf32, #tpu.memory_space<vmem_shared>>) dst(%dma_wait3A_55 : memref<128x64xf32, #tpu.memory_space<hbm>>)
      tpu.yield
    }) : () -> ()
    %mul3A_42 = arith.constant 640 : i32
    %mul3A_43 = arith.muli %arg1, %mul3A_42 : i32
    %add3A_44 = arith.constant 384 : i32
    %add3A_45 = arith.addi %mul3A_43, %add3A_44 : i32
    "tpu.region"() ({
      %run_scoped3A = tpu.sem_alloc : memref<!tpu.dma_semaphore, #tpu.memory_space<semaphore_mem>>
      %dma_start3A = arith.constant 0 : i32
      %dma_start3A_50 = tpu.memref_slice %arg6[%arg0, %add3A_45, %dma_start3A] : memref<2x10240x64xf32, #tpu.memory_space<hbm>> -> memref<1x128x64xf32, #tpu.memory_space<hbm>>
      %dma_start3A_51 = tpu.memref_squeeze %dma_start3A_50 : memref<1x128x64xf32, #tpu.memory_space<hbm>> -> memref<128x64xf32, #tpu.memory_space<hbm>>
      %dma_start3A_52 = arith.constant 0 : i32
      %dma_start3A_53 = tpu.memref_slice %arg11[%add3A_45, %dma_start3A_52] : memref<10240x64xf32, #tpu.memory_space<vmem_shared>> -> memref<128x64xf32, #tpu.memory_space<vmem_shared>>
      tpu.enqueue_dma source(%dma_start3A_53 : memref<128x64xf32, #tpu.memory_space<vmem_shared>>) target(%dma_start3A_51 : memref<128x64xf32, #tpu.memory_space<hbm>>) target_semaphore(%run_scoped3A : memref<!tpu.dma_semaphore, #tpu.memory_space<semaphore_mem>>)
      %dma_wait3A = arith.constant 0 : i32
      %dma_wait3A_54 = tpu.memref_slice %arg6[%arg0, %add3A_45, %dma_wait3A] : memref<2x10240x64xf32, #tpu.memory_space<hbm>> -> memref<1x128x64xf32, #tpu.memory_space<hbm>>
      %dma_wait3A_55 = tpu.memref_squeeze %dma_wait3A_54 : memref<1x128x64xf32, #tpu.memory_space<hbm>> -> memref<128x64xf32, #tpu.memory_space<hbm>>
      %dma_wait3A_56 = arith.constant 0 : i32
      %dma_wait3A_57 = tpu.memref_slice %arg11[%add3A_45, %dma_wait3A_56] : memref<10240x64xf32, #tpu.memory_space<vmem_shared>> -> memref<128x64xf32, #tpu.memory_space<vmem_shared>>
      tpu.wait_dma2 semaphore(%run_scoped3A : memref<!tpu.dma_semaphore, #tpu.memory_space<semaphore_mem>>) src(%dma_wait3A_57 : memref<128x64xf32, #tpu.memory_space<vmem_shared>>) dst(%dma_wait3A_55 : memref<128x64xf32, #tpu.memory_space<hbm>>)
      tpu.yield
    }) : () -> ()
    %mul3A_46 = arith.constant 640 : i32
    %mul3A_47 = arith.muli %arg1, %mul3A_46 : i32
    %add3A_48 = arith.constant 512 : i32
    %add3A_49 = arith.addi %mul3A_47, %add3A_48 : i32
    "tpu.region"() ({
      %run_scoped3A = tpu.sem_alloc : memref<!tpu.dma_semaphore, #tpu.memory_space<semaphore_mem>>
      %dma_start3A = arith.constant 0 : i32
      %dma_start3A_50 = tpu.memref_slice %arg6[%arg0, %add3A_49, %dma_start3A] : memref<2x10240x64xf32, #tpu.memory_space<hbm>> -> memref<1x128x64xf32, #tpu.memory_space<hbm>>
      %dma_start3A_51 = tpu.memref_squeeze %dma_start3A_50 : memref<1x128x64xf32, #tpu.memory_space<hbm>> -> memref<128x64xf32, #tpu.memory_space<hbm>>
      %dma_start3A_52 = arith.constant 0 : i32
      %dma_start3A_53 = tpu.memref_slice %arg11[%add3A_49, %dma_start3A_52] : memref<10240x64xf32, #tpu.memory_space<vmem_shared>> -> memref<128x64xf32, #tpu.memory_space<vmem_shared>>
      tpu.enqueue_dma source(%dma_start3A_53 : memref<128x64xf32, #tpu.memory_space<vmem_shared>>) target(%dma_start3A_51 : memref<128x64xf32, #tpu.memory_space<hbm>>) target_semaphore(%run_scoped3A : memref<!tpu.dma_semaphore, #tpu.memory_space<semaphore_mem>>)
      %dma_wait3A = arith.constant 0 : i32
      %dma_wait3A_54 = tpu.memref_slice %arg6[%arg0, %add3A_49, %dma_wait3A] : memref<2x10240x64xf32, #tpu.memory_space<hbm>> -> memref<1x128x64xf32, #tpu.memory_space<hbm>>
      %dma_wait3A_55 = tpu.memref_squeeze %dma_wait3A_54 : memref<1x128x64xf32, #tpu.memory_space<hbm>> -> memref<128x64xf32, #tpu.memory_space<hbm>>
      %dma_wait3A_56 = arith.constant 0 : i32
      %dma_wait3A_57 = tpu.memref_slice %arg11[%add3A_49, %dma_wait3A_56] : memref<10240x64xf32, #tpu.memory_space<vmem_shared>> -> memref<128x64xf32, #tpu.memory_space<vmem_shared>>
      tpu.wait_dma2 semaphore(%run_scoped3A : memref<!tpu.dma_semaphore, #tpu.memory_space<semaphore_mem>>) src(%dma_wait3A_57 : memref<128x64xf32, #tpu.memory_space<vmem_shared>>) dst(%dma_wait3A_55 : memref<128x64xf32, #tpu.memory_space<hbm>>)
      tpu.yield
    }) : () -> ()
    return
  }
}

#map = affine_map<(d0, d1) -> (0, 0)>
#map1 = affine_map<(d0, d1) -> (0, 0, 0)>
module attributes {stable_mosaic.version = 14 : i64} {
  func.func @_sc_scatter(%arg0: i32, %arg1: i32, %arg2: memref<10240x64xf32, #tpu.memory_space<hbm>>, %arg3: memref<2560x128xi32, #tpu.memory_space<hbm>>, %arg4: memref<2560x128xi32, #tpu.memory_space<hbm>>, %arg5: memref<128x64xf32, #tpu.memory_space<hbm>>, %arg6: memref<2x10240x64xf32, #tpu.memory_space<hbm>>, %arg7: memref<80x128xi32, #tpu.memory_space<vmem>>, %arg8: memref<80x128xi32, #tpu.memory_space<vmem>>, %arg9: memref<2x128x64xf32, #tpu.memory_space<vmem>>, %arg10: memref<128x64xf32, #tpu.memory_space<vmem>>, %arg11: memref<10240x64xf32, #tpu.memory_space<vmem_shared>>, %arg12: memref<!tpu.dma_semaphore, #tpu.memory_space<semaphore_mem>>, %arg13: memref<!tpu.dma_semaphore, #tpu.memory_space<semaphore_mem>>) attributes {dimension_semantics = [#tpu.dimension_semantics<core_parallel>, #tpu.dimension_semantics<subcore_parallel>], iteration_bounds = array<i64: 2, 16>, scalar_prefetch = 0 : i64, scratch_operands = 7 : i64, tpu.core_type = #tpu.core_type<sc_vector_subcore>, window_params = [{transform_indices = #map}, {transform_indices = #map}, {transform_indices = #map}, {transform_indices = #map}, {transform_indices = #map1}]} {
    %mul3A = arith.constant 2 : i32
    %mul3A_0 = arith.muli %arg1, %mul3A : i32
    %add3A = arith.addi %mul3A_0, %arg0 : i32
    %mul3A_1 = arith.constant 80 : i32
    %mul3A_2 = arith.muli %add3A, %mul3A_1 : i32
    "tpu.region"() ({
      %run_scoped3A = tpu.sem_alloc : memref<!tpu.dma_semaphore, #tpu.memory_space<semaphore_mem>>
      %dma_start3A = arith.constant 0 : i32
      %dma_start3A_50 = tpu.memref_slice %arg3[%mul3A_2, %dma_start3A] : memref<2560x128xi32, #tpu.memory_space<hbm>> -> memref<80x128xi32, #tpu.memory_space<hbm>>
      %dma_start3A_51 = arith.constant 0 : i32
      %dma_start3A_52 = tpu.memref_slice %arg3[%mul3A_2, %dma_start3A_51] : memref<2560x128xi32, #tpu.memory_space<hbm>> -> memref<80x128xi32, #tpu.memory_space<hbm>>
      tpu.enqueue_dma source(%dma_start3A_52 : memref<80x128xi32, #tpu.memory_space<hbm>>) target(%arg7 : memref<80x128xi32, #tpu.memory_space<vmem>>) target_semaphore(%run_scoped3A : memref<!tpu.dma_semaphore, #tpu.memory_space<semaphore_mem>>)
      %dma_wait3A = arith.constant 0 : i32
      %dma_wait3A_53 = tpu.memref_slice %arg3[%mul3A_2, %dma_wait3A] : memref<2560x128xi32, #tpu.memory_space<hbm>> -> memref<80x128xi32, #tpu.memory_space<hbm>>
      %dma_wait3A_54 = arith.constant 0 : i32
      %dma_wait3A_55 = tpu.memref_slice %arg3[%mul3A_2, %dma_wait3A_54] : memref<2560x128xi32, #tpu.memory_space<hbm>> -> memref<80x128xi32, #tpu.memory_space<hbm>>
      tpu.wait_dma2 semaphore(%run_scoped3A : memref<!tpu.dma_semaphore, #tpu.memory_space<semaphore_mem>>) src(%dma_wait3A_55 : memref<80x128xi32, #tpu.memory_space<hbm>>) dst(%arg7 : memref<80x128xi32, #tpu.memory_space<vmem>>)
      tpu.yield
    }) : () -> ()
    %mul3A_3 = arith.constant 80 : i32
    %mul3A_4 = arith.muli %add3A, %mul3A_3 : i32
    "tpu.region"() ({
      %run_scoped3A = tpu.sem_alloc : memref<!tpu.dma_semaphore, #tpu.memory_space<semaphore_mem>>
      %dma_start3A = arith.constant 0 : i32
      %dma_start3A_50 = tpu.memref_slice %arg4[%mul3A_4, %dma_start3A] : memref<2560x128xi32, #tpu.memory_space<hbm>> -> memref<80x128xi32, #tpu.memory_space<hbm>>
      %dma_start3A_51 = arith.constant 0 : i32
      %dma_start3A_52 = tpu.memref_slice %arg4[%mul3A_4, %dma_start3A_51] : memref<2560x128xi32, #tpu.memory_space<hbm>> -> memref<80x128xi32, #tpu.memory_space<hbm>>
      tpu.enqueue_dma source(%dma_start3A_52 : memref<80x128xi32, #tpu.memory_space<hbm>>) target(%arg8 : memref<80x128xi32, #tpu.memory_space<vmem>>) target_semaphore(%run_scoped3A : memref<!tpu.dma_semaphore, #tpu.memory_space<semaphore_mem>>)
      %dma_wait3A = arith.constant 0 : i32
      %dma_wait3A_53 = tpu.memref_slice %arg4[%mul3A_4, %dma_wait3A] : memref<2560x128xi32, #tpu.memory_space<hbm>> -> memref<80x128xi32, #tpu.memory_space<hbm>>
      %dma_wait3A_54 = arith.constant 0 : i32
      %dma_wait3A_55 = tpu.memref_slice %arg4[%mul3A_4, %dma_wait3A_54] : memref<2560x128xi32, #tpu.memory_space<hbm>> -> memref<80x128xi32, #tpu.memory_space<hbm>>
      tpu.wait_dma2 semaphore(%run_scoped3A : memref<!tpu.dma_semaphore, #tpu.memory_space<semaphore_mem>>) src(%dma_wait3A_55 : memref<80x128xi32, #tpu.memory_space<hbm>>) dst(%arg8 : memref<80x128xi32, #tpu.memory_space<vmem>>)
      tpu.yield
    }) : () -> ()
    "tpu.region"() ({
      %run_scoped3A = tpu.sem_alloc : memref<!tpu.dma_semaphore, #tpu.memory_space<semaphore_mem>>
      tpu.enqueue_dma source(%arg5 : memref<128x64xf32, #tpu.memory_space<hbm>>) target(%arg10 : memref<128x64xf32, #tpu.memory_space<vmem>>) target_semaphore(%run_scoped3A : memref<!tpu.dma_semaphore, #tpu.memory_space<semaphore_mem>>)
      tpu.wait_dma2 semaphore(%run_scoped3A : memref<!tpu.dma_semaphore, #tpu.memory_space<semaphore_mem>>) src(%arg5 : memref<128x64xf32, #tpu.memory_space<hbm>>) dst(%arg10 : memref<128x64xf32, #tpu.memory_space<vmem>>)
      tpu.yield
    }) : () -> ()
    %mul3A_5 = arith.constant 640 : i32
    %mul3A_6 = arith.muli %arg1, %mul3A_5 : i32
    %add3A_7 = arith.constant 0 : i32
    %add3A_8 = arith.addi %mul3A_6, %add3A_7 : i32
    "tpu.region"() ({
      %run_scoped3A = tpu.sem_alloc : memref<!tpu.dma_semaphore, #tpu.memory_space<semaphore_mem>>
      %dma_start3A = arith.constant 0 : i32
      %dma_start3A_50 = tpu.memref_slice %arg11[%add3A_8, %dma_start3A] : memref<10240x64xf32, #tpu.memory_space<vmem_shared>> -> memref<128x64xf32, #tpu.memory_space<vmem_shared>>
      %dma_start3A_51 = arith.constant 0 : i32
      %dma_start3A_52 = tpu.memref_slice %arg11[%add3A_8, %dma_start3A_51] : memref<10240x64xf32, #tpu.memory_space<vmem_shared>> -> memref<128x64xf32, #tpu.memory_space<vmem_shared>>
      tpu.enqueue_dma source(%arg10 : memref<128x64xf32, #tpu.memory_space<vmem>>) target(%dma_start3A_52 : memref<128x64xf32, #tpu.memory_space<vmem_shared>>) target_semaphore(%run_scoped3A : memref<!tpu.dma_semaphore, #tpu.memory_space<semaphore_mem>>)
      %dma_wait3A = arith.constant 0 : i32
      %dma_wait3A_53 = tpu.memref_slice %arg11[%add3A_8, %dma_wait3A] : memref<10240x64xf32, #tpu.memory_space<vmem_shared>> -> memref<128x64xf32, #tpu.memory_space<vmem_shared>>
      %dma_wait3A_54 = arith.constant 0 : i32
      %dma_wait3A_55 = tpu.memref_slice %arg11[%add3A_8, %dma_wait3A_54] : memref<10240x64xf32, #tpu.memory_space<vmem_shared>> -> memref<128x64xf32, #tpu.memory_space<vmem_shared>>
      tpu.wait_dma2 semaphore(%run_scoped3A : memref<!tpu.dma_semaphore, #tpu.memory_space<semaphore_mem>>) src(%arg10 : memref<128x64xf32, #tpu.memory_space<vmem>>) dst(%dma_wait3A_55 : memref<128x64xf32, #tpu.memory_space<vmem_shared>>)
      tpu.yield
    }) : () -> ()
    %mul3A_9 = arith.constant 640 : i32
    %mul3A_10 = arith.muli %arg1, %mul3A_9 : i32
    %add3A_11 = arith.constant 128 : i32
    %add3A_12 = arith.addi %mul3A_10, %add3A_11 : i32
    "tpu.region"() ({
      %run_scoped3A = tpu.sem_alloc : memref<!tpu.dma_semaphore, #tpu.memory_space<semaphore_mem>>
      %dma_start3A = arith.constant 0 : i32
      %dma_start3A_50 = tpu.memref_slice %arg11[%add3A_12, %dma_start3A] : memref<10240x64xf32, #tpu.memory_space<vmem_shared>> -> memref<128x64xf32, #tpu.memory_space<vmem_shared>>
      %dma_start3A_51 = arith.constant 0 : i32
      %dma_start3A_52 = tpu.memref_slice %arg11[%add3A_12, %dma_start3A_51] : memref<10240x64xf32, #tpu.memory_space<vmem_shared>> -> memref<128x64xf32, #tpu.memory_space<vmem_shared>>
      tpu.enqueue_dma source(%arg10 : memref<128x64xf32, #tpu.memory_space<vmem>>) target(%dma_start3A_52 : memref<128x64xf32, #tpu.memory_space<vmem_shared>>) target_semaphore(%run_scoped3A : memref<!tpu.dma_semaphore, #tpu.memory_space<semaphore_mem>>)
      %dma_wait3A = arith.constant 0 : i32
      %dma_wait3A_53 = tpu.memref_slice %arg11[%add3A_12, %dma_wait3A] : memref<10240x64xf32, #tpu.memory_space<vmem_shared>> -> memref<128x64xf32, #tpu.memory_space<vmem_shared>>
      %dma_wait3A_54 = arith.constant 0 : i32
      %dma_wait3A_55 = tpu.memref_slice %arg11[%add3A_12, %dma_wait3A_54] : memref<10240x64xf32, #tpu.memory_space<vmem_shared>> -> memref<128x64xf32, #tpu.memory_space<vmem_shared>>
      tpu.wait_dma2 semaphore(%run_scoped3A : memref<!tpu.dma_semaphore, #tpu.memory_space<semaphore_mem>>) src(%arg10 : memref<128x64xf32, #tpu.memory_space<vmem>>) dst(%dma_wait3A_55 : memref<128x64xf32, #tpu.memory_space<vmem_shared>>)
      tpu.yield
    }) : () -> ()
    %mul3A_13 = arith.constant 640 : i32
    %mul3A_14 = arith.muli %arg1, %mul3A_13 : i32
    %add3A_15 = arith.constant 256 : i32
    %add3A_16 = arith.addi %mul3A_14, %add3A_15 : i32
    "tpu.region"() ({
      %run_scoped3A = tpu.sem_alloc : memref<!tpu.dma_semaphore, #tpu.memory_space<semaphore_mem>>
      %dma_start3A = arith.constant 0 : i32
      %dma_start3A_50 = tpu.memref_slice %arg11[%add3A_16, %dma_start3A] : memref<10240x64xf32, #tpu.memory_space<vmem_shared>> -> memref<128x64xf32, #tpu.memory_space<vmem_shared>>
      %dma_start3A_51 = arith.constant 0 : i32
      %dma_start3A_52 = tpu.memref_slice %arg11[%add3A_16, %dma_start3A_51] : memref<10240x64xf32, #tpu.memory_space<vmem_shared>> -> memref<128x64xf32, #tpu.memory_space<vmem_shared>>
      tpu.enqueue_dma source(%arg10 : memref<128x64xf32, #tpu.memory_space<vmem>>) target(%dma_start3A_52 : memref<128x64xf32, #tpu.memory_space<vmem_shared>>) target_semaphore(%run_scoped3A : memref<!tpu.dma_semaphore, #tpu.memory_space<semaphore_mem>>)
      %dma_wait3A = arith.constant 0 : i32
      %dma_wait3A_53 = tpu.memref_slice %arg11[%add3A_16, %dma_wait3A] : memref<10240x64xf32, #tpu.memory_space<vmem_shared>> -> memref<128x64xf32, #tpu.memory_space<vmem_shared>>
      %dma_wait3A_54 = arith.constant 0 : i32
      %dma_wait3A_55 = tpu.memref_slice %arg11[%add3A_16, %dma_wait3A_54] : memref<10240x64xf32, #tpu.memory_space<vmem_shared>> -> memref<128x64xf32, #tpu.memory_space<vmem_shared>>
      tpu.wait_dma2 semaphore(%run_scoped3A : memref<!tpu.dma_semaphore, #tpu.memory_space<semaphore_mem>>) src(%arg10 : memref<128x64xf32, #tpu.memory_space<vmem>>) dst(%dma_wait3A_55 : memref<128x64xf32, #tpu.memory_space<vmem_shared>>)
      tpu.yield
    }) : () -> ()
    %mul3A_17 = arith.constant 640 : i32
    %mul3A_18 = arith.muli %arg1, %mul3A_17 : i32
    %add3A_19 = arith.constant 384 : i32
    %add3A_20 = arith.addi %mul3A_18, %add3A_19 : i32
    "tpu.region"() ({
      %run_scoped3A = tpu.sem_alloc : memref<!tpu.dma_semaphore, #tpu.memory_space<semaphore_mem>>
      %dma_start3A = arith.constant 0 : i32
      %dma_start3A_50 = tpu.memref_slice %arg11[%add3A_20, %dma_start3A] : memref<10240x64xf32, #tpu.memory_space<vmem_shared>> -> memref<128x64xf32, #tpu.memory_space<vmem_shared>>
      %dma_start3A_51 = arith.constant 0 : i32
      %dma_start3A_52 = tpu.memref_slice %arg11[%add3A_20, %dma_start3A_51] : memref<10240x64xf32, #tpu.memory_space<vmem_shared>> -> memref<128x64xf32, #tpu.memory_space<vmem_shared>>
      tpu.enqueue_dma source(%arg10 : memref<128x64xf32, #tpu.memory_space<vmem>>) target(%dma_start3A_52 : memref<128x64xf32, #tpu.memory_space<vmem_shared>>) target_semaphore(%run_scoped3A : memref<!tpu.dma_semaphore, #tpu.memory_space<semaphore_mem>>)
      %dma_wait3A = arith.constant 0 : i32
      %dma_wait3A_53 = tpu.memref_slice %arg11[%add3A_20, %dma_wait3A] : memref<10240x64xf32, #tpu.memory_space<vmem_shared>> -> memref<128x64xf32, #tpu.memory_space<vmem_shared>>
      %dma_wait3A_54 = arith.constant 0 : i32
      %dma_wait3A_55 = tpu.memref_slice %arg11[%add3A_20, %dma_wait3A_54] : memref<10240x64xf32, #tpu.memory_space<vmem_shared>> -> memref<128x64xf32, #tpu.memory_space<vmem_shared>>
      tpu.wait_dma2 semaphore(%run_scoped3A : memref<!tpu.dma_semaphore, #tpu.memory_space<semaphore_mem>>) src(%arg10 : memref<128x64xf32, #tpu.memory_space<vmem>>) dst(%dma_wait3A_55 : memref<128x64xf32, #tpu.memory_space<vmem_shared>>)
      tpu.yield
    }) : () -> ()
    %mul3A_21 = arith.constant 640 : i32
    %mul3A_22 = arith.muli %arg1, %mul3A_21 : i32
    %add3A_23 = arith.constant 512 : i32
    %add3A_24 = arith.addi %mul3A_22, %add3A_23 : i32
    "tpu.region"() ({
      %run_scoped3A = tpu.sem_alloc : memref<!tpu.dma_semaphore, #tpu.memory_space<semaphore_mem>>
      %dma_start3A = arith.constant 0 : i32
      %dma_start3A_50 = tpu.memref_slice %arg11[%add3A_24, %dma_start3A] : memref<10240x64xf32, #tpu.memory_space<vmem_shared>> -> memref<128x64xf32, #tpu.memory_space<vmem_shared>>
      %dma_start3A_51 = arith.constant 0 : i32
      %dma_start3A_52 = tpu.memref_slice %arg11[%add3A_24, %dma_start3A_51] : memref<10240x64xf32, #tpu.memory_space<vmem_shared>> -> memref<128x64xf32, #tpu.memory_space<vmem_shared>>
      tpu.enqueue_dma source(%arg10 : memref<128x64xf32, #tpu.memory_space<vmem>>) target(%dma_start3A_52 : memref<128x64xf32, #tpu.memory_space<vmem_shared>>) target_semaphore(%run_scoped3A : memref<!tpu.dma_semaphore, #tpu.memory_space<semaphore_mem>>)
      %dma_wait3A = arith.constant 0 : i32
      %dma_wait3A_53 = tpu.memref_slice %arg11[%add3A_24, %dma_wait3A] : memref<10240x64xf32, #tpu.memory_space<vmem_shared>> -> memref<128x64xf32, #tpu.memory_space<vmem_shared>>
      %dma_wait3A_54 = arith.constant 0 : i32
      %dma_wait3A_55 = tpu.memref_slice %arg11[%add3A_24, %dma_wait3A_54] : memref<10240x64xf32, #tpu.memory_space<vmem_shared>> -> memref<128x64xf32, #tpu.memory_space<vmem_shared>>
      tpu.wait_dma2 semaphore(%run_scoped3A : memref<!tpu.dma_semaphore, #tpu.memory_space<semaphore_mem>>) src(%arg10 : memref<128x64xf32, #tpu.memory_space<vmem>>) dst(%dma_wait3A_55 : memref<128x64xf32, #tpu.memory_space<vmem_shared>>)
      tpu.yield
    }) : () -> ()
    %barrier3A = arith.constant 0 : index
    tpu.barrier barrier_id(%barrier3A)
    %scan3A = arith.constant 0 : i32
    %scan3A_25 = arith.constant 40 : i32
    %scan3A_26 = arith.addi %scan3A, %scan3A_25 : i32
    %scan3A_27 = arith.constant 1 : i32
    scf.for %scan3A_50 = %scan3A to %scan3A_26 step %scan3A_27  : i32 {
      %mul3A_51 = arith.constant 2 : i32
      %mul3A_52 = arith.muli %scan3A_50, %mul3A_51 : i32
      %add3A_53 = arith.constant 0 : i32
      %add3A_54 = arith.addi %add3A_53, %mul3A_52 : i32
      %dma_start3A = arith.constant 0 : i32
      %dma_start3A_55 = arith.constant 0 : i32
      %dma_start3A_56 = arith.constant 0 : i32
      %dma_start3A_57 = tpu.memref_slice %arg9[%dma_start3A, %dma_start3A_55, %dma_start3A_56] : memref<2x128x64xf32, #tpu.memory_space<vmem>> -> memref<1x128x64xf32, #tpu.memory_space<vmem>>
      %dma_start3A_58 = tpu.memref_squeeze %dma_start3A_57 : memref<1x128x64xf32, #tpu.memory_space<vmem>> -> memref<128x64xf32, #tpu.memory_space<vmem>>
      %dma_start3A_59 = arith.constant 0 : i32
      %dma_start3A_60 = tpu.memref_slice %arg7[%add3A_54, %dma_start3A_59] : memref<80x128xi32, #tpu.memory_space<vmem>> -> memref<1x128xi32, #tpu.memory_space<vmem>>
      %dma_start3A_61 = tpu.memref_squeeze %dma_start3A_60 : memref<1x128xi32, #tpu.memory_space<vmem>> -> memref<128xi32, #tpu.memory_space<vmem>>
      %dma_start3A_62 = arith.constant 0 : i32
      %dma_start3A_63 = arith.constant 0 : i32
      %dma_start3A_64 = tpu.memref_slice %arg2[%dma_start3A_62, %dma_start3A_63] : memref<10240x64xf32, #tpu.memory_space<hbm>> -> memref<10240x64xf32, #tpu.memory_space<hbm>>
      tpu.enqueue_indirect_dma source(%dma_start3A_64 : memref<10240x64xf32, #tpu.memory_space<hbm>>) target(%dma_start3A_58 : memref<128x64xf32, #tpu.memory_space<vmem>>) offsets(%dma_start3A_61 : memref<128xi32, #tpu.memory_space<vmem>>) semaphore(%arg12 : memref<!tpu.dma_semaphore, #tpu.memory_space<semaphore_mem>>)
      %add3A_65 = arith.constant 1 : i32
      %add3A_66 = arith.addi %add3A_54, %add3A_65 : i32
      %dma_start3A_67 = arith.constant 1 : i32
      %dma_start3A_68 = arith.constant 0 : i32
      %dma_start3A_69 = arith.constant 0 : i32
      %dma_start3A_70 = tpu.memref_slice %arg9[%dma_start3A_67, %dma_start3A_68, %dma_start3A_69] : memref<2x128x64xf32, #tpu.memory_space<vmem>> -> memref<1x128x64xf32, #tpu.memory_space<vmem>>
      %dma_start3A_71 = tpu.memref_squeeze %dma_start3A_70 : memref<1x128x64xf32, #tpu.memory_space<vmem>> -> memref<128x64xf32, #tpu.memory_space<vmem>>
      %dma_start3A_72 = arith.constant 0 : i32
      %dma_start3A_73 = tpu.memref_slice %arg7[%add3A_66, %dma_start3A_72] : memref<80x128xi32, #tpu.memory_space<vmem>> -> memref<1x128xi32, #tpu.memory_space<vmem>>
      %dma_start3A_74 = tpu.memref_squeeze %dma_start3A_73 : memref<1x128xi32, #tpu.memory_space<vmem>> -> memref<128xi32, #tpu.memory_space<vmem>>
      %dma_start3A_75 = arith.constant 0 : i32
      %dma_start3A_76 = arith.constant 0 : i32
      %dma_start3A_77 = tpu.memref_slice %arg2[%dma_start3A_75, %dma_start3A_76] : memref<10240x64xf32, #tpu.memory_space<hbm>> -> memref<10240x64xf32, #tpu.memory_space<hbm>>
      tpu.enqueue_indirect_dma source(%dma_start3A_77 : memref<10240x64xf32, #tpu.memory_space<hbm>>) target(%dma_start3A_71 : memref<128x64xf32, #tpu.memory_space<vmem>>) offsets(%dma_start3A_74 : memref<128xi32, #tpu.memory_space<vmem>>) semaphore(%arg12 : memref<!tpu.dma_semaphore, #tpu.memory_space<semaphore_mem>>)
      %dma_wait3A = arith.constant 0 : i32
      %dma_wait3A_78 = arith.constant 0 : i32
      %dma_wait3A_79 = arith.constant 0 : i32
      %dma_wait3A_80 = tpu.memref_slice %arg9[%dma_wait3A, %dma_wait3A_78, %dma_wait3A_79] : memref<2x128x64xf32, #tpu.memory_space<vmem>> -> memref<1x128x64xf32, #tpu.memory_space<vmem>>
      %dma_wait3A_81 = tpu.memref_squeeze %dma_wait3A_80 : memref<1x128x64xf32, #tpu.memory_space<vmem>> -> memref<128x64xf32, #tpu.memory_space<vmem>>
      %dma_wait3A_82 = arith.constant 0 : i32
      %dma_wait3A_83 = tpu.memref_slice %arg7[%add3A_54, %dma_wait3A_82] : memref<80x128xi32, #tpu.memory_space<vmem>> -> memref<1x128xi32, #tpu.memory_space<vmem>>
      %dma_wait3A_84 = tpu.memref_squeeze %dma_wait3A_83 : memref<1x128xi32, #tpu.memory_space<vmem>> -> memref<128xi32, #tpu.memory_space<vmem>>
      %dma_wait3A_85 = arith.constant 0 : i32
      %dma_wait3A_86 = arith.constant 0 : i32
      %dma_wait3A_87 = tpu.memref_slice %arg2[%dma_wait3A_85, %dma_wait3A_86] : memref<10240x64xf32, #tpu.memory_space<hbm>> -> memref<10240x64xf32, #tpu.memory_space<hbm>>
      tpu.wait_indirect_dma semaphore(%arg12 : memref<!tpu.dma_semaphore, #tpu.memory_space<semaphore_mem>>) src(%dma_wait3A_87 : memref<10240x64xf32, #tpu.memory_space<hbm>>) dst(%dma_wait3A_81 : memref<128x64xf32, #tpu.memory_space<vmem>>)
      %dma_start3A_88 = arith.constant 0 : i32
      %dma_start3A_89 = arith.constant 0 : i32
      %dma_start3A_90 = arith.constant 0 : i32
      %dma_start3A_91 = tpu.memref_slice %arg9[%dma_start3A_88, %dma_start3A_89, %dma_start3A_90] : memref<2x128x64xf32, #tpu.memory_space<vmem>> -> memref<1x128x64xf32, #tpu.memory_space<vmem>>
      %dma_start3A_92 = tpu.memref_squeeze %dma_start3A_91 : memref<1x128x64xf32, #tpu.memory_space<vmem>> -> memref<128x64xf32, #tpu.memory_space<vmem>>
      %dma_start3A_93 = arith.constant 0 : i32
      %dma_start3A_94 = tpu.memref_slice %arg8[%add3A_54, %dma_start3A_93] : memref<80x128xi32, #tpu.memory_space<vmem>> -> memref<1x128xi32, #tpu.memory_space<vmem>>
      %dma_start3A_95 = tpu.memref_squeeze %dma_start3A_94 : memref<1x128xi32, #tpu.memory_space<vmem>> -> memref<128xi32, #tpu.memory_space<vmem>>
      %dma_start3A_96 = arith.constant 0 : i32
      %dma_start3A_97 = arith.constant 0 : i32
      %dma_start3A_98 = tpu.memref_slice %arg11[%dma_start3A_96, %dma_start3A_97] : memref<10240x64xf32, #tpu.memory_space<vmem_shared>> -> memref<10240x64xf32, #tpu.memory_space<vmem_shared>>
      tpu.enqueue_indirect_dma source(%dma_start3A_92 : memref<128x64xf32, #tpu.memory_space<vmem>>) target(%dma_start3A_98 : memref<10240x64xf32, #tpu.memory_space<vmem_shared>>) offsets(%dma_start3A_95 : memref<128xi32, #tpu.memory_space<vmem>>) semaphore(%arg13 : memref<!tpu.dma_semaphore, #tpu.memory_space<semaphore_mem>>) {add = true}
      %dma_wait3A_99 = arith.constant 1 : i32
      %dma_wait3A_100 = arith.constant 0 : i32
      %dma_wait3A_101 = arith.constant 0 : i32
      %dma_wait3A_102 = tpu.memref_slice %arg9[%dma_wait3A_99, %dma_wait3A_100, %dma_wait3A_101] : memref<2x128x64xf32, #tpu.memory_space<vmem>> -> memref<1x128x64xf32, #tpu.memory_space<vmem>>
      %dma_wait3A_103 = tpu.memref_squeeze %dma_wait3A_102 : memref<1x128x64xf32, #tpu.memory_space<vmem>> -> memref<128x64xf32, #tpu.memory_space<vmem>>
      %dma_wait3A_104 = arith.constant 0 : i32
      %dma_wait3A_105 = tpu.memref_slice %arg7[%add3A_66, %dma_wait3A_104] : memref<80x128xi32, #tpu.memory_space<vmem>> -> memref<1x128xi32, #tpu.memory_space<vmem>>
      %dma_wait3A_106 = tpu.memref_squeeze %dma_wait3A_105 : memref<1x128xi32, #tpu.memory_space<vmem>> -> memref<128xi32, #tpu.memory_space<vmem>>
      %dma_wait3A_107 = arith.constant 0 : i32
      %dma_wait3A_108 = arith.constant 0 : i32
      %dma_wait3A_109 = tpu.memref_slice %arg2[%dma_wait3A_107, %dma_wait3A_108] : memref<10240x64xf32, #tpu.memory_space<hbm>> -> memref<10240x64xf32, #tpu.memory_space<hbm>>
      tpu.wait_indirect_dma semaphore(%arg12 : memref<!tpu.dma_semaphore, #tpu.memory_space<semaphore_mem>>) src(%dma_wait3A_109 : memref<10240x64xf32, #tpu.memory_space<hbm>>) dst(%dma_wait3A_103 : memref<128x64xf32, #tpu.memory_space<vmem>>)
      %add3A_110 = arith.constant 1 : i32
      %add3A_111 = arith.addi %add3A_54, %add3A_110 : i32
      %dma_start3A_112 = arith.constant 1 : i32
      %dma_start3A_113 = arith.constant 0 : i32
      %dma_start3A_114 = arith.constant 0 : i32
      %dma_start3A_115 = tpu.memref_slice %arg9[%dma_start3A_112, %dma_start3A_113, %dma_start3A_114] : memref<2x128x64xf32, #tpu.memory_space<vmem>> -> memref<1x128x64xf32, #tpu.memory_space<vmem>>
      %dma_start3A_116 = tpu.memref_squeeze %dma_start3A_115 : memref<1x128x64xf32, #tpu.memory_space<vmem>> -> memref<128x64xf32, #tpu.memory_space<vmem>>
      %dma_start3A_117 = arith.constant 0 : i32
      %dma_start3A_118 = tpu.memref_slice %arg8[%add3A_111, %dma_start3A_117] : memref<80x128xi32, #tpu.memory_space<vmem>> -> memref<1x128xi32, #tpu.memory_space<vmem>>
      %dma_start3A_119 = tpu.memref_squeeze %dma_start3A_118 : memref<1x128xi32, #tpu.memory_space<vmem>> -> memref<128xi32, #tpu.memory_space<vmem>>
      %dma_start3A_120 = arith.constant 0 : i32
      %dma_start3A_121 = arith.constant 0 : i32
      %dma_start3A_122 = tpu.memref_slice %arg11[%dma_start3A_120, %dma_start3A_121] : memref<10240x64xf32, #tpu.memory_space<vmem_shared>> -> memref<10240x64xf32, #tpu.memory_space<vmem_shared>>
      tpu.enqueue_indirect_dma source(%dma_start3A_116 : memref<128x64xf32, #tpu.memory_space<vmem>>) target(%dma_start3A_122 : memref<10240x64xf32, #tpu.memory_space<vmem_shared>>) offsets(%dma_start3A_119 : memref<128xi32, #tpu.memory_space<vmem>>) semaphore(%arg13 : memref<!tpu.dma_semaphore, #tpu.memory_space<semaphore_mem>>) {add = true}
      %dma_wait3A_123 = arith.constant 0 : i32
      %dma_wait3A_124 = arith.constant 0 : i32
      %dma_wait3A_125 = arith.constant 0 : i32
      %dma_wait3A_126 = tpu.memref_slice %arg9[%dma_wait3A_123, %dma_wait3A_124, %dma_wait3A_125] : memref<2x128x64xf32, #tpu.memory_space<vmem>> -> memref<1x128x64xf32, #tpu.memory_space<vmem>>
      %dma_wait3A_127 = tpu.memref_squeeze %dma_wait3A_126 : memref<1x128x64xf32, #tpu.memory_space<vmem>> -> memref<128x64xf32, #tpu.memory_space<vmem>>
      %dma_wait3A_128 = arith.constant 0 : i32
      %dma_wait3A_129 = tpu.memref_slice %arg8[%add3A_54, %dma_wait3A_128] : memref<80x128xi32, #tpu.memory_space<vmem>> -> memref<1x128xi32, #tpu.memory_space<vmem>>
      %dma_wait3A_130 = tpu.memref_squeeze %dma_wait3A_129 : memref<1x128xi32, #tpu.memory_space<vmem>> -> memref<128xi32, #tpu.memory_space<vmem>>
      %dma_wait3A_131 = arith.constant 0 : i32
      %dma_wait3A_132 = arith.constant 0 : i32
      %dma_wait3A_133 = tpu.memref_slice %arg11[%dma_wait3A_131, %dma_wait3A_132] : memref<10240x64xf32, #tpu.memory_space<vmem_shared>> -> memref<10240x64xf32, #tpu.memory_space<vmem_shared>>
      tpu.wait_indirect_dma semaphore(%arg13 : memref<!tpu.dma_semaphore, #tpu.memory_space<semaphore_mem>>) src(%dma_wait3A_127 : memref<128x64xf32, #tpu.memory_space<vmem>>) dst(%dma_wait3A_133 : memref<10240x64xf32, #tpu.memory_space<vmem_shared>>)
      %dma_wait3A_134 = arith.constant 1 : i32
      %dma_wait3A_135 = arith.constant 0 : i32
      %dma_wait3A_136 = arith.constant 0 : i32
      %dma_wait3A_137 = tpu.memref_slice %arg9[%dma_wait3A_134, %dma_wait3A_135, %dma_wait3A_136] : memref<2x128x64xf32, #tpu.memory_space<vmem>> -> memref<1x128x64xf32, #tpu.memory_space<vmem>>
      %dma_wait3A_138 = tpu.memref_squeeze %dma_wait3A_137 : memref<1x128x64xf32, #tpu.memory_space<vmem>> -> memref<128x64xf32, #tpu.memory_space<vmem>>
      %dma_wait3A_139 = arith.constant 0 : i32
      %dma_wait3A_140 = tpu.memref_slice %arg8[%add3A_111, %dma_wait3A_139] : memref<80x128xi32, #tpu.memory_space<vmem>> -> memref<1x128xi32, #tpu.memory_space<vmem>>
      %dma_wait3A_141 = tpu.memref_squeeze %dma_wait3A_140 : memref<1x128xi32, #tpu.memory_space<vmem>> -> memref<128xi32, #tpu.memory_space<vmem>>
      %dma_wait3A_142 = arith.constant 0 : i32
      %dma_wait3A_143 = arith.constant 0 : i32
      %dma_wait3A_144 = tpu.memref_slice %arg11[%dma_wait3A_142, %dma_wait3A_143] : memref<10240x64xf32, #tpu.memory_space<vmem_shared>> -> memref<10240x64xf32, #tpu.memory_space<vmem_shared>>
      tpu.wait_indirect_dma semaphore(%arg13 : memref<!tpu.dma_semaphore, #tpu.memory_space<semaphore_mem>>) src(%dma_wait3A_138 : memref<128x64xf32, #tpu.memory_space<vmem>>) dst(%dma_wait3A_144 : memref<10240x64xf32, #tpu.memory_space<vmem_shared>>)
    }
    %scan3A_28 = arith.constant 40 : i32
    %barrier3A_29 = arith.constant 0 : index
    tpu.barrier barrier_id(%barrier3A_29)
    %mul3A_30 = arith.constant 640 : i32
    %mul3A_31 = arith.muli %arg1, %mul3A_30 : i32
    %add3A_32 = arith.constant 0 : i32
    %add3A_33 = arith.addi %mul3A_31, %add3A_32 : i32
    "tpu.region"() ({
      %run_scoped3A = tpu.sem_alloc : memref<!tpu.dma_semaphore, #tpu.memory_space<semaphore_mem>>
      %dma_start3A = arith.constant 0 : i32
      %dma_start3A_50 = tpu.memref_slice %arg6[%arg0, %add3A_33, %dma_start3A] : memref<2x10240x64xf32, #tpu.memory_space<hbm>> -> memref<1x128x64xf32, #tpu.memory_space<hbm>>
      %dma_start3A_51 = tpu.memref_squeeze %dma_start3A_50 : memref<1x128x64xf32, #tpu.memory_space<hbm>> -> memref<128x64xf32, #tpu.memory_space<hbm>>
      %dma_start3A_52 = arith.constant 0 : i32
      %dma_start3A_53 = tpu.memref_slice %arg11[%add3A_33, %dma_start3A_52] : memref<10240x64xf32, #tpu.memory_space<vmem_shared>> -> memref<128x64xf32, #tpu.memory_space<vmem_shared>>
      tpu.enqueue_dma source(%dma_start3A_53 : memref<128x64xf32, #tpu.memory_space<vmem_shared>>) target(%dma_start3A_51 : memref<128x64xf32, #tpu.memory_space<hbm>>) target_semaphore(%run_scoped3A : memref<!tpu.dma_semaphore, #tpu.memory_space<semaphore_mem>>)
      %dma_wait3A = arith.constant 0 : i32
      %dma_wait3A_54 = tpu.memref_slice %arg6[%arg0, %add3A_33, %dma_wait3A] : memref<2x10240x64xf32, #tpu.memory_space<hbm>> -> memref<1x128x64xf32, #tpu.memory_space<hbm>>
      %dma_wait3A_55 = tpu.memref_squeeze %dma_wait3A_54 : memref<1x128x64xf32, #tpu.memory_space<hbm>> -> memref<128x64xf32, #tpu.memory_space<hbm>>
      %dma_wait3A_56 = arith.constant 0 : i32
      %dma_wait3A_57 = tpu.memref_slice %arg11[%add3A_33, %dma_wait3A_56] : memref<10240x64xf32, #tpu.memory_space<vmem_shared>> -> memref<128x64xf32, #tpu.memory_space<vmem_shared>>
      tpu.wait_dma2 semaphore(%run_scoped3A : memref<!tpu.dma_semaphore, #tpu.memory_space<semaphore_mem>>) src(%dma_wait3A_57 : memref<128x64xf32, #tpu.memory_space<vmem_shared>>) dst(%dma_wait3A_55 : memref<128x64xf32, #tpu.memory_space<hbm>>)
      tpu.yield
    }) : () -> ()
    %mul3A_34 = arith.constant 640 : i32
    %mul3A_35 = arith.muli %arg1, %mul3A_34 : i32
    %add3A_36 = arith.constant 128 : i32
    %add3A_37 = arith.addi %mul3A_35, %add3A_36 : i32
    "tpu.region"() ({
      %run_scoped3A = tpu.sem_alloc : memref<!tpu.dma_semaphore, #tpu.memory_space<semaphore_mem>>
      %dma_start3A = arith.constant 0 : i32
      %dma_start3A_50 = tpu.memref_slice %arg6[%arg0, %add3A_37, %dma_start3A] : memref<2x10240x64xf32, #tpu.memory_space<hbm>> -> memref<1x128x64xf32, #tpu.memory_space<hbm>>
      %dma_start3A_51 = tpu.memref_squeeze %dma_start3A_50 : memref<1x128x64xf32, #tpu.memory_space<hbm>> -> memref<128x64xf32, #tpu.memory_space<hbm>>
      %dma_start3A_52 = arith.constant 0 : i32
      %dma_start3A_53 = tpu.memref_slice %arg11[%add3A_37, %dma_start3A_52] : memref<10240x64xf32, #tpu.memory_space<vmem_shared>> -> memref<128x64xf32, #tpu.memory_space<vmem_shared>>
      tpu.enqueue_dma source(%dma_start3A_53 : memref<128x64xf32, #tpu.memory_space<vmem_shared>>) target(%dma_start3A_51 : memref<128x64xf32, #tpu.memory_space<hbm>>) target_semaphore(%run_scoped3A : memref<!tpu.dma_semaphore, #tpu.memory_space<semaphore_mem>>)
      %dma_wait3A = arith.constant 0 : i32
      %dma_wait3A_54 = tpu.memref_slice %arg6[%arg0, %add3A_37, %dma_wait3A] : memref<2x10240x64xf32, #tpu.memory_space<hbm>> -> memref<1x128x64xf32, #tpu.memory_space<hbm>>
      %dma_wait3A_55 = tpu.memref_squeeze %dma_wait3A_54 : memref<1x128x64xf32, #tpu.memory_space<hbm>> -> memref<128x64xf32, #tpu.memory_space<hbm>>
      %dma_wait3A_56 = arith.constant 0 : i32
      %dma_wait3A_57 = tpu.memref_slice %arg11[%add3A_37, %dma_wait3A_56] : memref<10240x64xf32, #tpu.memory_space<vmem_shared>> -> memref<128x64xf32, #tpu.memory_space<vmem_shared>>
      tpu.wait_dma2 semaphore(%run_scoped3A : memref<!tpu.dma_semaphore, #tpu.memory_space<semaphore_mem>>) src(%dma_wait3A_57 : memref<128x64xf32, #tpu.memory_space<vmem_shared>>) dst(%dma_wait3A_55 : memref<128x64xf32, #tpu.memory_space<hbm>>)
      tpu.yield
    }) : () -> ()
    %mul3A_38 = arith.constant 640 : i32
    %mul3A_39 = arith.muli %arg1, %mul3A_38 : i32
    %add3A_40 = arith.constant 256 : i32
    %add3A_41 = arith.addi %mul3A_39, %add3A_40 : i32
    "tpu.region"() ({
      %run_scoped3A = tpu.sem_alloc : memref<!tpu.dma_semaphore, #tpu.memory_space<semaphore_mem>>
      %dma_start3A = arith.constant 0 : i32
      %dma_start3A_50 = tpu.memref_slice %arg6[%arg0, %add3A_41, %dma_start3A] : memref<2x10240x64xf32, #tpu.memory_space<hbm>> -> memref<1x128x64xf32, #tpu.memory_space<hbm>>
      %dma_start3A_51 = tpu.memref_squeeze %dma_start3A_50 : memref<1x128x64xf32, #tpu.memory_space<hbm>> -> memref<128x64xf32, #tpu.memory_space<hbm>>
      %dma_start3A_52 = arith.constant 0 : i32
      %dma_start3A_53 = tpu.memref_slice %arg11[%add3A_41, %dma_start3A_52] : memref<10240x64xf32, #tpu.memory_space<vmem_shared>> -> memref<128x64xf32, #tpu.memory_space<vmem_shared>>
      tpu.enqueue_dma source(%dma_start3A_53 : memref<128x64xf32, #tpu.memory_space<vmem_shared>>) target(%dma_start3A_51 : memref<128x64xf32, #tpu.memory_space<hbm>>) target_semaphore(%run_scoped3A : memref<!tpu.dma_semaphore, #tpu.memory_space<semaphore_mem>>)
      %dma_wait3A = arith.constant 0 : i32
      %dma_wait3A_54 = tpu.memref_slice %arg6[%arg0, %add3A_41, %dma_wait3A] : memref<2x10240x64xf32, #tpu.memory_space<hbm>> -> memref<1x128x64xf32, #tpu.memory_space<hbm>>
      %dma_wait3A_55 = tpu.memref_squeeze %dma_wait3A_54 : memref<1x128x64xf32, #tpu.memory_space<hbm>> -> memref<128x64xf32, #tpu.memory_space<hbm>>
      %dma_wait3A_56 = arith.constant 0 : i32
      %dma_wait3A_57 = tpu.memref_slice %arg11[%add3A_41, %dma_wait3A_56] : memref<10240x64xf32, #tpu.memory_space<vmem_shared>> -> memref<128x64xf32, #tpu.memory_space<vmem_shared>>
      tpu.wait_dma2 semaphore(%run_scoped3A : memref<!tpu.dma_semaphore, #tpu.memory_space<semaphore_mem>>) src(%dma_wait3A_57 : memref<128x64xf32, #tpu.memory_space<vmem_shared>>) dst(%dma_wait3A_55 : memref<128x64xf32, #tpu.memory_space<hbm>>)
      tpu.yield
    }) : () -> ()
    %mul3A_42 = arith.constant 640 : i32
    %mul3A_43 = arith.muli %arg1, %mul3A_42 : i32
    %add3A_44 = arith.constant 384 : i32
    %add3A_45 = arith.addi %mul3A_43, %add3A_44 : i32
    "tpu.region"() ({
      %run_scoped3A = tpu.sem_alloc : memref<!tpu.dma_semaphore, #tpu.memory_space<semaphore_mem>>
      %dma_start3A = arith.constant 0 : i32
      %dma_start3A_50 = tpu.memref_slice %arg6[%arg0, %add3A_45, %dma_start3A] : memref<2x10240x64xf32, #tpu.memory_space<hbm>> -> memref<1x128x64xf32, #tpu.memory_space<hbm>>
      %dma_start3A_51 = tpu.memref_squeeze %dma_start3A_50 : memref<1x128x64xf32, #tpu.memory_space<hbm>> -> memref<128x64xf32, #tpu.memory_space<hbm>>
      %dma_start3A_52 = arith.constant 0 : i32
      %dma_start3A_53 = tpu.memref_slice %arg11[%add3A_45, %dma_start3A_52] : memref<10240x64xf32, #tpu.memory_space<vmem_shared>> -> memref<128x64xf32, #tpu.memory_space<vmem_shared>>
      tpu.enqueue_dma source(%dma_start3A_53 : memref<128x64xf32, #tpu.memory_space<vmem_shared>>) target(%dma_start3A_51 : memref<128x64xf32, #tpu.memory_space<hbm>>) target_semaphore(%run_scoped3A : memref<!tpu.dma_semaphore, #tpu.memory_space<semaphore_mem>>)
      %dma_wait3A = arith.constant 0 : i32
      %dma_wait3A_54 = tpu.memref_slice %arg6[%arg0, %add3A_45, %dma_wait3A] : memref<2x10240x64xf32, #tpu.memory_space<hbm>> -> memref<1x128x64xf32, #tpu.memory_space<hbm>>
      %dma_wait3A_55 = tpu.memref_squeeze %dma_wait3A_54 : memref<1x128x64xf32, #tpu.memory_space<hbm>> -> memref<128x64xf32, #tpu.memory_space<hbm>>
      %dma_wait3A_56 = arith.constant 0 : i32
      %dma_wait3A_57 = tpu.memref_slice %arg11[%add3A_45, %dma_wait3A_56] : memref<10240x64xf32, #tpu.memory_space<vmem_shared>> -> memref<128x64xf32, #tpu.memory_space<vmem_shared>>
      tpu.wait_dma2 semaphore(%run_scoped3A : memref<!tpu.dma_semaphore, #tpu.memory_space<semaphore_mem>>) src(%dma_wait3A_57 : memref<128x64xf32, #tpu.memory_space<vmem_shared>>) dst(%dma_wait3A_55 : memref<128x64xf32, #tpu.memory_space<hbm>>)
      tpu.yield
    }) : () -> ()
    %mul3A_46 = arith.constant 640 : i32
    %mul3A_47 = arith.muli %arg1, %mul3A_46 : i32
    %add3A_48 = arith.constant 512 : i32
    %add3A_49 = arith.addi %mul3A_47, %add3A_48 : i32
    "tpu.region"() ({
      %run_scoped3A = tpu.sem_alloc : memref<!tpu.dma_semaphore, #tpu.memory_space<semaphore_mem>>
      %dma_start3A = arith.constant 0 : i32
      %dma_start3A_50 = tpu.memref_slice %arg6[%arg0, %add3A_49, %dma_start3A] : memref<2x10240x64xf32, #tpu.memory_space<hbm>> -> memref<1x128x64xf32, #tpu.memory_space<hbm>>
      %dma_start3A_51 = tpu.memref_squeeze %dma_start3A_50 : memref<1x128x64xf32, #tpu.memory_space<hbm>> -> memref<128x64xf32, #tpu.memory_space<hbm>>
      %dma_start3A_52 = arith.constant 0 : i32
      %dma_start3A_53 = tpu.memref_slice %arg11[%add3A_49, %dma_start3A_52] : memref<10240x64xf32, #tpu.memory_space<vmem_shared>> -> memref<128x64xf32, #tpu.memory_space<vmem_shared>>
      tpu.enqueue_dma source(%dma_start3A_53 : memref<128x64xf32, #tpu.memory_space<vmem_shared>>) target(%dma_start3A_51 : memref<128x64xf32, #tpu.memory_space<hbm>>) target_semaphore(%run_scoped3A : memref<!tpu.dma_semaphore, #tpu.memory_space<semaphore_mem>>)
      %dma_wait3A = arith.constant 0 : i32
      %dma_wait3A_54 = tpu.memref_slice %arg6[%arg0, %add3A_49, %dma_wait3A] : memref<2x10240x64xf32, #tpu.memory_space<hbm>> -> memref<1x128x64xf32, #tpu.memory_space<hbm>>
      %dma_wait3A_55 = tpu.memref_squeeze %dma_wait3A_54 : memref<1x128x64xf32, #tpu.memory_space<hbm>> -> memref<128x64xf32, #tpu.memory_space<hbm>>
      %dma_wait3A_56 = arith.constant 0 : i32
      %dma_wait3A_57 = tpu.memref_slice %arg11[%add3A_49, %dma_wait3A_56] : memref<10240x64xf32, #tpu.memory_space<vmem_shared>> -> memref<128x64xf32, #tpu.memory_space<vmem_shared>>
      tpu.wait_dma2 semaphore(%run_scoped3A : memref<!tpu.dma_semaphore, #tpu.memory_space<semaphore_mem>>) src(%dma_wait3A_57 : memref<128x64xf32, #tpu.memory_space<vmem_shared>>) dst(%dma_wait3A_55 : memref<128x64xf32, #tpu.memory_space<hbm>>)
      tpu.yield
    }) : () -> ()
    return
  }
}

#map = affine_map<(d0, d1) -> (0, 0)>
#map1 = affine_map<(d0, d1) -> (0, 0, 0)>
module attributes {stable_mosaic.version = 14 : i64} {
  func.func @_sc_scatter(%arg0: i32, %arg1: i32, %arg2: memref<10240x64xf32, #tpu.memory_space<hbm>>, %arg3: memref<2560x128xi32, #tpu.memory_space<hbm>>, %arg4: memref<2560x128xi32, #tpu.memory_space<hbm>>, %arg5: memref<128x64xf32, #tpu.memory_space<hbm>>, %arg6: memref<2x10240x64xf32, #tpu.memory_space<hbm>>, %arg7: memref<80x128xi32, #tpu.memory_space<vmem>>, %arg8: memref<80x128xi32, #tpu.memory_space<vmem>>, %arg9: memref<2x128x64xf32, #tpu.memory_space<vmem>>, %arg10: memref<128x64xf32, #tpu.memory_space<vmem>>, %arg11: memref<10240x64xf32, #tpu.memory_space<vmem_shared>>, %arg12: memref<!tpu.dma_semaphore, #tpu.memory_space<semaphore_mem>>, %arg13: memref<!tpu.dma_semaphore, #tpu.memory_space<semaphore_mem>>) attributes {dimension_semantics = [#tpu.dimension_semantics<core_parallel>, #tpu.dimension_semantics<subcore_parallel>], iteration_bounds = array<i64: 2, 16>, scalar_prefetch = 0 : i64, scratch_operands = 7 : i64, tpu.core_type = #tpu.core_type<sc_vector_subcore>, window_params = [{transform_indices = #map}, {transform_indices = #map}, {transform_indices = #map}, {transform_indices = #map}, {transform_indices = #map1}]} {
    %mul3A = arith.constant 2 : i32
    %mul3A_0 = arith.muli %arg1, %mul3A : i32
    %add3A = arith.addi %mul3A_0, %arg0 : i32
    %mul3A_1 = arith.constant 80 : i32
    %mul3A_2 = arith.muli %add3A, %mul3A_1 : i32
    "tpu.region"() ({
      %run_scoped3A = tpu.sem_alloc : memref<!tpu.dma_semaphore, #tpu.memory_space<semaphore_mem>>
      %dma_start3A = arith.constant 0 : i32
      %dma_start3A_50 = tpu.memref_slice %arg3[%mul3A_2, %dma_start3A] : memref<2560x128xi32, #tpu.memory_space<hbm>> -> memref<80x128xi32, #tpu.memory_space<hbm>>
      %dma_start3A_51 = arith.constant 0 : i32
      %dma_start3A_52 = tpu.memref_slice %arg3[%mul3A_2, %dma_start3A_51] : memref<2560x128xi32, #tpu.memory_space<hbm>> -> memref<80x128xi32, #tpu.memory_space<hbm>>
      tpu.enqueue_dma source(%dma_start3A_52 : memref<80x128xi32, #tpu.memory_space<hbm>>) target(%arg7 : memref<80x128xi32, #tpu.memory_space<vmem>>) target_semaphore(%run_scoped3A : memref<!tpu.dma_semaphore, #tpu.memory_space<semaphore_mem>>)
      %dma_wait3A = arith.constant 0 : i32
      %dma_wait3A_53 = tpu.memref_slice %arg3[%mul3A_2, %dma_wait3A] : memref<2560x128xi32, #tpu.memory_space<hbm>> -> memref<80x128xi32, #tpu.memory_space<hbm>>
      %dma_wait3A_54 = arith.constant 0 : i32
      %dma_wait3A_55 = tpu.memref_slice %arg3[%mul3A_2, %dma_wait3A_54] : memref<2560x128xi32, #tpu.memory_space<hbm>> -> memref<80x128xi32, #tpu.memory_space<hbm>>
      tpu.wait_dma2 semaphore(%run_scoped3A : memref<!tpu.dma_semaphore, #tpu.memory_space<semaphore_mem>>) src(%dma_wait3A_55 : memref<80x128xi32, #tpu.memory_space<hbm>>) dst(%arg7 : memref<80x128xi32, #tpu.memory_space<vmem>>)
      tpu.yield
    }) : () -> ()
    %mul3A_3 = arith.constant 80 : i32
    %mul3A_4 = arith.muli %add3A, %mul3A_3 : i32
    "tpu.region"() ({
      %run_scoped3A = tpu.sem_alloc : memref<!tpu.dma_semaphore, #tpu.memory_space<semaphore_mem>>
      %dma_start3A = arith.constant 0 : i32
      %dma_start3A_50 = tpu.memref_slice %arg4[%mul3A_4, %dma_start3A] : memref<2560x128xi32, #tpu.memory_space<hbm>> -> memref<80x128xi32, #tpu.memory_space<hbm>>
      %dma_start3A_51 = arith.constant 0 : i32
      %dma_start3A_52 = tpu.memref_slice %arg4[%mul3A_4, %dma_start3A_51] : memref<2560x128xi32, #tpu.memory_space<hbm>> -> memref<80x128xi32, #tpu.memory_space<hbm>>
      tpu.enqueue_dma source(%dma_start3A_52 : memref<80x128xi32, #tpu.memory_space<hbm>>) target(%arg8 : memref<80x128xi32, #tpu.memory_space<vmem>>) target_semaphore(%run_scoped3A : memref<!tpu.dma_semaphore, #tpu.memory_space<semaphore_mem>>)
      %dma_wait3A = arith.constant 0 : i32
      %dma_wait3A_53 = tpu.memref_slice %arg4[%mul3A_4, %dma_wait3A] : memref<2560x128xi32, #tpu.memory_space<hbm>> -> memref<80x128xi32, #tpu.memory_space<hbm>>
      %dma_wait3A_54 = arith.constant 0 : i32
      %dma_wait3A_55 = tpu.memref_slice %arg4[%mul3A_4, %dma_wait3A_54] : memref<2560x128xi32, #tpu.memory_space<hbm>> -> memref<80x128xi32, #tpu.memory_space<hbm>>
      tpu.wait_dma2 semaphore(%run_scoped3A : memref<!tpu.dma_semaphore, #tpu.memory_space<semaphore_mem>>) src(%dma_wait3A_55 : memref<80x128xi32, #tpu.memory_space<hbm>>) dst(%arg8 : memref<80x128xi32, #tpu.memory_space<vmem>>)
      tpu.yield
    }) : () -> ()
    "tpu.region"() ({
      %run_scoped3A = tpu.sem_alloc : memref<!tpu.dma_semaphore, #tpu.memory_space<semaphore_mem>>
      tpu.enqueue_dma source(%arg5 : memref<128x64xf32, #tpu.memory_space<hbm>>) target(%arg10 : memref<128x64xf32, #tpu.memory_space<vmem>>) target_semaphore(%run_scoped3A : memref<!tpu.dma_semaphore, #tpu.memory_space<semaphore_mem>>)
      tpu.wait_dma2 semaphore(%run_scoped3A : memref<!tpu.dma_semaphore, #tpu.memory_space<semaphore_mem>>) src(%arg5 : memref<128x64xf32, #tpu.memory_space<hbm>>) dst(%arg10 : memref<128x64xf32, #tpu.memory_space<vmem>>)
      tpu.yield
    }) : () -> ()
    %mul3A_5 = arith.constant 640 : i32
    %mul3A_6 = arith.muli %arg1, %mul3A_5 : i32
    %add3A_7 = arith.constant 0 : i32
    %add3A_8 = arith.addi %mul3A_6, %add3A_7 : i32
    "tpu.region"() ({
      %run_scoped3A = tpu.sem_alloc : memref<!tpu.dma_semaphore, #tpu.memory_space<semaphore_mem>>
      %dma_start3A = arith.constant 0 : i32
      %dma_start3A_50 = tpu.memref_slice %arg11[%add3A_8, %dma_start3A] : memref<10240x64xf32, #tpu.memory_space<vmem_shared>> -> memref<128x64xf32, #tpu.memory_space<vmem_shared>>
      %dma_start3A_51 = arith.constant 0 : i32
      %dma_start3A_52 = tpu.memref_slice %arg11[%add3A_8, %dma_start3A_51] : memref<10240x64xf32, #tpu.memory_space<vmem_shared>> -> memref<128x64xf32, #tpu.memory_space<vmem_shared>>
      tpu.enqueue_dma source(%arg10 : memref<128x64xf32, #tpu.memory_space<vmem>>) target(%dma_start3A_52 : memref<128x64xf32, #tpu.memory_space<vmem_shared>>) target_semaphore(%run_scoped3A : memref<!tpu.dma_semaphore, #tpu.memory_space<semaphore_mem>>)
      %dma_wait3A = arith.constant 0 : i32
      %dma_wait3A_53 = tpu.memref_slice %arg11[%add3A_8, %dma_wait3A] : memref<10240x64xf32, #tpu.memory_space<vmem_shared>> -> memref<128x64xf32, #tpu.memory_space<vmem_shared>>
      %dma_wait3A_54 = arith.constant 0 : i32
      %dma_wait3A_55 = tpu.memref_slice %arg11[%add3A_8, %dma_wait3A_54] : memref<10240x64xf32, #tpu.memory_space<vmem_shared>> -> memref<128x64xf32, #tpu.memory_space<vmem_shared>>
      tpu.wait_dma2 semaphore(%run_scoped3A : memref<!tpu.dma_semaphore, #tpu.memory_space<semaphore_mem>>) src(%arg10 : memref<128x64xf32, #tpu.memory_space<vmem>>) dst(%dma_wait3A_55 : memref<128x64xf32, #tpu.memory_space<vmem_shared>>)
      tpu.yield
    }) : () -> ()
    %mul3A_9 = arith.constant 640 : i32
    %mul3A_10 = arith.muli %arg1, %mul3A_9 : i32
    %add3A_11 = arith.constant 128 : i32
    %add3A_12 = arith.addi %mul3A_10, %add3A_11 : i32
    "tpu.region"() ({
      %run_scoped3A = tpu.sem_alloc : memref<!tpu.dma_semaphore, #tpu.memory_space<semaphore_mem>>
      %dma_start3A = arith.constant 0 : i32
      %dma_start3A_50 = tpu.memref_slice %arg11[%add3A_12, %dma_start3A] : memref<10240x64xf32, #tpu.memory_space<vmem_shared>> -> memref<128x64xf32, #tpu.memory_space<vmem_shared>>
      %dma_start3A_51 = arith.constant 0 : i32
      %dma_start3A_52 = tpu.memref_slice %arg11[%add3A_12, %dma_start3A_51] : memref<10240x64xf32, #tpu.memory_space<vmem_shared>> -> memref<128x64xf32, #tpu.memory_space<vmem_shared>>
      tpu.enqueue_dma source(%arg10 : memref<128x64xf32, #tpu.memory_space<vmem>>) target(%dma_start3A_52 : memref<128x64xf32, #tpu.memory_space<vmem_shared>>) target_semaphore(%run_scoped3A : memref<!tpu.dma_semaphore, #tpu.memory_space<semaphore_mem>>)
      %dma_wait3A = arith.constant 0 : i32
      %dma_wait3A_53 = tpu.memref_slice %arg11[%add3A_12, %dma_wait3A] : memref<10240x64xf32, #tpu.memory_space<vmem_shared>> -> memref<128x64xf32, #tpu.memory_space<vmem_shared>>
      %dma_wait3A_54 = arith.constant 0 : i32
      %dma_wait3A_55 = tpu.memref_slice %arg11[%add3A_12, %dma_wait3A_54] : memref<10240x64xf32, #tpu.memory_space<vmem_shared>> -> memref<128x64xf32, #tpu.memory_space<vmem_shared>>
      tpu.wait_dma2 semaphore(%run_scoped3A : memref<!tpu.dma_semaphore, #tpu.memory_space<semaphore_mem>>) src(%arg10 : memref<128x64xf32, #tpu.memory_space<vmem>>) dst(%dma_wait3A_55 : memref<128x64xf32, #tpu.memory_space<vmem_shared>>)
      tpu.yield
    }) : () -> ()
    %mul3A_13 = arith.constant 640 : i32
    %mul3A_14 = arith.muli %arg1, %mul3A_13 : i32
    %add3A_15 = arith.constant 256 : i32
    %add3A_16 = arith.addi %mul3A_14, %add3A_15 : i32
    "tpu.region"() ({
      %run_scoped3A = tpu.sem_alloc : memref<!tpu.dma_semaphore, #tpu.memory_space<semaphore_mem>>
      %dma_start3A = arith.constant 0 : i32
      %dma_start3A_50 = tpu.memref_slice %arg11[%add3A_16, %dma_start3A] : memref<10240x64xf32, #tpu.memory_space<vmem_shared>> -> memref<128x64xf32, #tpu.memory_space<vmem_shared>>
      %dma_start3A_51 = arith.constant 0 : i32
      %dma_start3A_52 = tpu.memref_slice %arg11[%add3A_16, %dma_start3A_51] : memref<10240x64xf32, #tpu.memory_space<vmem_shared>> -> memref<128x64xf32, #tpu.memory_space<vmem_shared>>
      tpu.enqueue_dma source(%arg10 : memref<128x64xf32, #tpu.memory_space<vmem>>) target(%dma_start3A_52 : memref<128x64xf32, #tpu.memory_space<vmem_shared>>) target_semaphore(%run_scoped3A : memref<!tpu.dma_semaphore, #tpu.memory_space<semaphore_mem>>)
      %dma_wait3A = arith.constant 0 : i32
      %dma_wait3A_53 = tpu.memref_slice %arg11[%add3A_16, %dma_wait3A] : memref<10240x64xf32, #tpu.memory_space<vmem_shared>> -> memref<128x64xf32, #tpu.memory_space<vmem_shared>>
      %dma_wait3A_54 = arith.constant 0 : i32
      %dma_wait3A_55 = tpu.memref_slice %arg11[%add3A_16, %dma_wait3A_54] : memref<10240x64xf32, #tpu.memory_space<vmem_shared>> -> memref<128x64xf32, #tpu.memory_space<vmem_shared>>
      tpu.wait_dma2 semaphore(%run_scoped3A : memref<!tpu.dma_semaphore, #tpu.memory_space<semaphore_mem>>) src(%arg10 : memref<128x64xf32, #tpu.memory_space<vmem>>) dst(%dma_wait3A_55 : memref<128x64xf32, #tpu.memory_space<vmem_shared>>)
      tpu.yield
    }) : () -> ()
    %mul3A_17 = arith.constant 640 : i32
    %mul3A_18 = arith.muli %arg1, %mul3A_17 : i32
    %add3A_19 = arith.constant 384 : i32
    %add3A_20 = arith.addi %mul3A_18, %add3A_19 : i32
    "tpu.region"() ({
      %run_scoped3A = tpu.sem_alloc : memref<!tpu.dma_semaphore, #tpu.memory_space<semaphore_mem>>
      %dma_start3A = arith.constant 0 : i32
      %dma_start3A_50 = tpu.memref_slice %arg11[%add3A_20, %dma_start3A] : memref<10240x64xf32, #tpu.memory_space<vmem_shared>> -> memref<128x64xf32, #tpu.memory_space<vmem_shared>>
      %dma_start3A_51 = arith.constant 0 : i32
      %dma_start3A_52 = tpu.memref_slice %arg11[%add3A_20, %dma_start3A_51] : memref<10240x64xf32, #tpu.memory_space<vmem_shared>> -> memref<128x64xf32, #tpu.memory_space<vmem_shared>>
      tpu.enqueue_dma source(%arg10 : memref<128x64xf32, #tpu.memory_space<vmem>>) target(%dma_start3A_52 : memref<128x64xf32, #tpu.memory_space<vmem_shared>>) target_semaphore(%run_scoped3A : memref<!tpu.dma_semaphore, #tpu.memory_space<semaphore_mem>>)
      %dma_wait3A = arith.constant 0 : i32
      %dma_wait3A_53 = tpu.memref_slice %arg11[%add3A_20, %dma_wait3A] : memref<10240x64xf32, #tpu.memory_space<vmem_shared>> -> memref<128x64xf32, #tpu.memory_space<vmem_shared>>
      %dma_wait3A_54 = arith.constant 0 : i32
      %dma_wait3A_55 = tpu.memref_slice %arg11[%add3A_20, %dma_wait3A_54] : memref<10240x64xf32, #tpu.memory_space<vmem_shared>> -> memref<128x64xf32, #tpu.memory_space<vmem_shared>>
      tpu.wait_dma2 semaphore(%run_scoped3A : memref<!tpu.dma_semaphore, #tpu.memory_space<semaphore_mem>>) src(%arg10 : memref<128x64xf32, #tpu.memory_space<vmem>>) dst(%dma_wait3A_55 : memref<128x64xf32, #tpu.memory_space<vmem_shared>>)
      tpu.yield
    }) : () -> ()
    %mul3A_21 = arith.constant 640 : i32
    %mul3A_22 = arith.muli %arg1, %mul3A_21 : i32
    %add3A_23 = arith.constant 512 : i32
    %add3A_24 = arith.addi %mul3A_22, %add3A_23 : i32
    "tpu.region"() ({
      %run_scoped3A = tpu.sem_alloc : memref<!tpu.dma_semaphore, #tpu.memory_space<semaphore_mem>>
      %dma_start3A = arith.constant 0 : i32
      %dma_start3A_50 = tpu.memref_slice %arg11[%add3A_24, %dma_start3A] : memref<10240x64xf32, #tpu.memory_space<vmem_shared>> -> memref<128x64xf32, #tpu.memory_space<vmem_shared>>
      %dma_start3A_51 = arith.constant 0 : i32
      %dma_start3A_52 = tpu.memref_slice %arg11[%add3A_24, %dma_start3A_51] : memref<10240x64xf32, #tpu.memory_space<vmem_shared>> -> memref<128x64xf32, #tpu.memory_space<vmem_shared>>
      tpu.enqueue_dma source(%arg10 : memref<128x64xf32, #tpu.memory_space<vmem>>) target(%dma_start3A_52 : memref<128x64xf32, #tpu.memory_space<vmem_shared>>) target_semaphore(%run_scoped3A : memref<!tpu.dma_semaphore, #tpu.memory_space<semaphore_mem>>)
      %dma_wait3A = arith.constant 0 : i32
      %dma_wait3A_53 = tpu.memref_slice %arg11[%add3A_24, %dma_wait3A] : memref<10240x64xf32, #tpu.memory_space<vmem_shared>> -> memref<128x64xf32, #tpu.memory_space<vmem_shared>>
      %dma_wait3A_54 = arith.constant 0 : i32
      %dma_wait3A_55 = tpu.memref_slice %arg11[%add3A_24, %dma_wait3A_54] : memref<10240x64xf32, #tpu.memory_space<vmem_shared>> -> memref<128x64xf32, #tpu.memory_space<vmem_shared>>
      tpu.wait_dma2 semaphore(%run_scoped3A : memref<!tpu.dma_semaphore, #tpu.memory_space<semaphore_mem>>) src(%arg10 : memref<128x64xf32, #tpu.memory_space<vmem>>) dst(%dma_wait3A_55 : memref<128x64xf32, #tpu.memory_space<vmem_shared>>)
      tpu.yield
    }) : () -> ()
    %barrier3A = arith.constant 0 : index
    tpu.barrier barrier_id(%barrier3A)
    %scan3A = arith.constant 0 : i32
    %scan3A_25 = arith.constant 40 : i32
    %scan3A_26 = arith.addi %scan3A, %scan3A_25 : i32
    %scan3A_27 = arith.constant 1 : i32
    scf.for %scan3A_50 = %scan3A to %scan3A_26 step %scan3A_27  : i32 {
      %mul3A_51 = arith.constant 2 : i32
      %mul3A_52 = arith.muli %scan3A_50, %mul3A_51 : i32
      %add3A_53 = arith.constant 0 : i32
      %add3A_54 = arith.addi %add3A_53, %mul3A_52 : i32
      %dma_start3A = arith.constant 0 : i32
      %dma_start3A_55 = arith.constant 0 : i32
      %dma_start3A_56 = arith.constant 0 : i32
      %dma_start3A_57 = tpu.memref_slice %arg9[%dma_start3A, %dma_start3A_55, %dma_start3A_56] : memref<2x128x64xf32, #tpu.memory_space<vmem>> -> memref<1x128x64xf32, #tpu.memory_space<vmem>>
      %dma_start3A_58 = tpu.memref_squeeze %dma_start3A_57 : memref<1x128x64xf32, #tpu.memory_space<vmem>> -> memref<128x64xf32, #tpu.memory_space<vmem>>
      %dma_start3A_59 = arith.constant 0 : i32
      %dma_start3A_60 = tpu.memref_slice %arg7[%add3A_54, %dma_start3A_59] : memref<80x128xi32, #tpu.memory_space<vmem>> -> memref<1x128xi32, #tpu.memory_space<vmem>>
      %dma_start3A_61 = tpu.memref_squeeze %dma_start3A_60 : memref<1x128xi32, #tpu.memory_space<vmem>> -> memref<128xi32, #tpu.memory_space<vmem>>
      %dma_start3A_62 = arith.constant 0 : i32
      %dma_start3A_63 = arith.constant 0 : i32
      %dma_start3A_64 = tpu.memref_slice %arg2[%dma_start3A_62, %dma_start3A_63] : memref<10240x64xf32, #tpu.memory_space<hbm>> -> memref<10240x64xf32, #tpu.memory_space<hbm>>
      tpu.enqueue_indirect_dma source(%dma_start3A_64 : memref<10240x64xf32, #tpu.memory_space<hbm>>) target(%dma_start3A_58 : memref<128x64xf32, #tpu.memory_space<vmem>>) offsets(%dma_start3A_61 : memref<128xi32, #tpu.memory_space<vmem>>) semaphore(%arg12 : memref<!tpu.dma_semaphore, #tpu.memory_space<semaphore_mem>>)
      %add3A_65 = arith.constant 1 : i32
      %add3A_66 = arith.addi %add3A_54, %add3A_65 : i32
      %dma_start3A_67 = arith.constant 1 : i32
      %dma_start3A_68 = arith.constant 0 : i32
      %dma_start3A_69 = arith.constant 0 : i32
      %dma_start3A_70 = tpu.memref_slice %arg9[%dma_start3A_67, %dma_start3A_68, %dma_start3A_69] : memref<2x128x64xf32, #tpu.memory_space<vmem>> -> memref<1x128x64xf32, #tpu.memory_space<vmem>>
      %dma_start3A_71 = tpu.memref_squeeze %dma_start3A_70 : memref<1x128x64xf32, #tpu.memory_space<vmem>> -> memref<128x64xf32, #tpu.memory_space<vmem>>
      %dma_start3A_72 = arith.constant 0 : i32
      %dma_start3A_73 = tpu.memref_slice %arg7[%add3A_66, %dma_start3A_72] : memref<80x128xi32, #tpu.memory_space<vmem>> -> memref<1x128xi32, #tpu.memory_space<vmem>>
      %dma_start3A_74 = tpu.memref_squeeze %dma_start3A_73 : memref<1x128xi32, #tpu.memory_space<vmem>> -> memref<128xi32, #tpu.memory_space<vmem>>
      %dma_start3A_75 = arith.constant 0 : i32
      %dma_start3A_76 = arith.constant 0 : i32
      %dma_start3A_77 = tpu.memref_slice %arg2[%dma_start3A_75, %dma_start3A_76] : memref<10240x64xf32, #tpu.memory_space<hbm>> -> memref<10240x64xf32, #tpu.memory_space<hbm>>
      tpu.enqueue_indirect_dma source(%dma_start3A_77 : memref<10240x64xf32, #tpu.memory_space<hbm>>) target(%dma_start3A_71 : memref<128x64xf32, #tpu.memory_space<vmem>>) offsets(%dma_start3A_74 : memref<128xi32, #tpu.memory_space<vmem>>) semaphore(%arg12 : memref<!tpu.dma_semaphore, #tpu.memory_space<semaphore_mem>>)
      %dma_wait3A = arith.constant 0 : i32
      %dma_wait3A_78 = arith.constant 0 : i32
      %dma_wait3A_79 = arith.constant 0 : i32
      %dma_wait3A_80 = tpu.memref_slice %arg9[%dma_wait3A, %dma_wait3A_78, %dma_wait3A_79] : memref<2x128x64xf32, #tpu.memory_space<vmem>> -> memref<1x128x64xf32, #tpu.memory_space<vmem>>
      %dma_wait3A_81 = tpu.memref_squeeze %dma_wait3A_80 : memref<1x128x64xf32, #tpu.memory_space<vmem>> -> memref<128x64xf32, #tpu.memory_space<vmem>>
      %dma_wait3A_82 = arith.constant 0 : i32
      %dma_wait3A_83 = tpu.memref_slice %arg7[%add3A_54, %dma_wait3A_82] : memref<80x128xi32, #tpu.memory_space<vmem>> -> memref<1x128xi32, #tpu.memory_space<vmem>>
      %dma_wait3A_84 = tpu.memref_squeeze %dma_wait3A_83 : memref<1x128xi32, #tpu.memory_space<vmem>> -> memref<128xi32, #tpu.memory_space<vmem>>
      %dma_wait3A_85 = arith.constant 0 : i32
      %dma_wait3A_86 = arith.constant 0 : i32
      %dma_wait3A_87 = tpu.memref_slice %arg2[%dma_wait3A_85, %dma_wait3A_86] : memref<10240x64xf32, #tpu.memory_space<hbm>> -> memref<10240x64xf32, #tpu.memory_space<hbm>>
      tpu.wait_indirect_dma semaphore(%arg12 : memref<!tpu.dma_semaphore, #tpu.memory_space<semaphore_mem>>) src(%dma_wait3A_87 : memref<10240x64xf32, #tpu.memory_space<hbm>>) dst(%dma_wait3A_81 : memref<128x64xf32, #tpu.memory_space<vmem>>)
      %dma_start3A_88 = arith.constant 0 : i32
      %dma_start3A_89 = arith.constant 0 : i32
      %dma_start3A_90 = arith.constant 0 : i32
      %dma_start3A_91 = tpu.memref_slice %arg9[%dma_start3A_88, %dma_start3A_89, %dma_start3A_90] : memref<2x128x64xf32, #tpu.memory_space<vmem>> -> memref<1x128x64xf32, #tpu.memory_space<vmem>>
      %dma_start3A_92 = tpu.memref_squeeze %dma_start3A_91 : memref<1x128x64xf32, #tpu.memory_space<vmem>> -> memref<128x64xf32, #tpu.memory_space<vmem>>
      %dma_start3A_93 = arith.constant 0 : i32
      %dma_start3A_94 = tpu.memref_slice %arg8[%add3A_54, %dma_start3A_93] : memref<80x128xi32, #tpu.memory_space<vmem>> -> memref<1x128xi32, #tpu.memory_space<vmem>>
      %dma_start3A_95 = tpu.memref_squeeze %dma_start3A_94 : memref<1x128xi32, #tpu.memory_space<vmem>> -> memref<128xi32, #tpu.memory_space<vmem>>
      %dma_start3A_96 = arith.constant 0 : i32
      %dma_start3A_97 = arith.constant 0 : i32
      %dma_start3A_98 = tpu.memref_slice %arg11[%dma_start3A_96, %dma_start3A_97] : memref<10240x64xf32, #tpu.memory_space<vmem_shared>> -> memref<10240x64xf32, #tpu.memory_space<vmem_shared>>
      tpu.enqueue_indirect_dma source(%dma_start3A_92 : memref<128x64xf32, #tpu.memory_space<vmem>>) target(%dma_start3A_98 : memref<10240x64xf32, #tpu.memory_space<vmem_shared>>) offsets(%dma_start3A_95 : memref<128xi32, #tpu.memory_space<vmem>>) semaphore(%arg13 : memref<!tpu.dma_semaphore, #tpu.memory_space<semaphore_mem>>) {add = true}
      %dma_wait3A_99 = arith.constant 1 : i32
      %dma_wait3A_100 = arith.constant 0 : i32
      %dma_wait3A_101 = arith.constant 0 : i32
      %dma_wait3A_102 = tpu.memref_slice %arg9[%dma_wait3A_99, %dma_wait3A_100, %dma_wait3A_101] : memref<2x128x64xf32, #tpu.memory_space<vmem>> -> memref<1x128x64xf32, #tpu.memory_space<vmem>>
      %dma_wait3A_103 = tpu.memref_squeeze %dma_wait3A_102 : memref<1x128x64xf32, #tpu.memory_space<vmem>> -> memref<128x64xf32, #tpu.memory_space<vmem>>
      %dma_wait3A_104 = arith.constant 0 : i32
      %dma_wait3A_105 = tpu.memref_slice %arg7[%add3A_66, %dma_wait3A_104] : memref<80x128xi32, #tpu.memory_space<vmem>> -> memref<1x128xi32, #tpu.memory_space<vmem>>
      %dma_wait3A_106 = tpu.memref_squeeze %dma_wait3A_105 : memref<1x128xi32, #tpu.memory_space<vmem>> -> memref<128xi32, #tpu.memory_space<vmem>>
      %dma_wait3A_107 = arith.constant 0 : i32
      %dma_wait3A_108 = arith.constant 0 : i32
      %dma_wait3A_109 = tpu.memref_slice %arg2[%dma_wait3A_107, %dma_wait3A_108] : memref<10240x64xf32, #tpu.memory_space<hbm>> -> memref<10240x64xf32, #tpu.memory_space<hbm>>
      tpu.wait_indirect_dma semaphore(%arg12 : memref<!tpu.dma_semaphore, #tpu.memory_space<semaphore_mem>>) src(%dma_wait3A_109 : memref<10240x64xf32, #tpu.memory_space<hbm>>) dst(%dma_wait3A_103 : memref<128x64xf32, #tpu.memory_space<vmem>>)
      %add3A_110 = arith.constant 1 : i32
      %add3A_111 = arith.addi %add3A_54, %add3A_110 : i32
      %dma_start3A_112 = arith.constant 1 : i32
      %dma_start3A_113 = arith.constant 0 : i32
      %dma_start3A_114 = arith.constant 0 : i32
      %dma_start3A_115 = tpu.memref_slice %arg9[%dma_start3A_112, %dma_start3A_113, %dma_start3A_114] : memref<2x128x64xf32, #tpu.memory_space<vmem>> -> memref<1x128x64xf32, #tpu.memory_space<vmem>>
      %dma_start3A_116 = tpu.memref_squeeze %dma_start3A_115 : memref<1x128x64xf32, #tpu.memory_space<vmem>> -> memref<128x64xf32, #tpu.memory_space<vmem>>
      %dma_start3A_117 = arith.constant 0 : i32
      %dma_start3A_118 = tpu.memref_slice %arg8[%add3A_111, %dma_start3A_117] : memref<80x128xi32, #tpu.memory_space<vmem>> -> memref<1x128xi32, #tpu.memory_space<vmem>>
      %dma_start3A_119 = tpu.memref_squeeze %dma_start3A_118 : memref<1x128xi32, #tpu.memory_space<vmem>> -> memref<128xi32, #tpu.memory_space<vmem>>
      %dma_start3A_120 = arith.constant 0 : i32
      %dma_start3A_121 = arith.constant 0 : i32
      %dma_start3A_122 = tpu.memref_slice %arg11[%dma_start3A_120, %dma_start3A_121] : memref<10240x64xf32, #tpu.memory_space<vmem_shared>> -> memref<10240x64xf32, #tpu.memory_space<vmem_shared>>
      tpu.enqueue_indirect_dma source(%dma_start3A_116 : memref<128x64xf32, #tpu.memory_space<vmem>>) target(%dma_start3A_122 : memref<10240x64xf32, #tpu.memory_space<vmem_shared>>) offsets(%dma_start3A_119 : memref<128xi32, #tpu.memory_space<vmem>>) semaphore(%arg13 : memref<!tpu.dma_semaphore, #tpu.memory_space<semaphore_mem>>) {add = true}
      %dma_wait3A_123 = arith.constant 0 : i32
      %dma_wait3A_124 = arith.constant 0 : i32
      %dma_wait3A_125 = arith.constant 0 : i32
      %dma_wait3A_126 = tpu.memref_slice %arg9[%dma_wait3A_123, %dma_wait3A_124, %dma_wait3A_125] : memref<2x128x64xf32, #tpu.memory_space<vmem>> -> memref<1x128x64xf32, #tpu.memory_space<vmem>>
      %dma_wait3A_127 = tpu.memref_squeeze %dma_wait3A_126 : memref<1x128x64xf32, #tpu.memory_space<vmem>> -> memref<128x64xf32, #tpu.memory_space<vmem>>
      %dma_wait3A_128 = arith.constant 0 : i32
      %dma_wait3A_129 = tpu.memref_slice %arg8[%add3A_54, %dma_wait3A_128] : memref<80x128xi32, #tpu.memory_space<vmem>> -> memref<1x128xi32, #tpu.memory_space<vmem>>
      %dma_wait3A_130 = tpu.memref_squeeze %dma_wait3A_129 : memref<1x128xi32, #tpu.memory_space<vmem>> -> memref<128xi32, #tpu.memory_space<vmem>>
      %dma_wait3A_131 = arith.constant 0 : i32
      %dma_wait3A_132 = arith.constant 0 : i32
      %dma_wait3A_133 = tpu.memref_slice %arg11[%dma_wait3A_131, %dma_wait3A_132] : memref<10240x64xf32, #tpu.memory_space<vmem_shared>> -> memref<10240x64xf32, #tpu.memory_space<vmem_shared>>
      tpu.wait_indirect_dma semaphore(%arg13 : memref<!tpu.dma_semaphore, #tpu.memory_space<semaphore_mem>>) src(%dma_wait3A_127 : memref<128x64xf32, #tpu.memory_space<vmem>>) dst(%dma_wait3A_133 : memref<10240x64xf32, #tpu.memory_space<vmem_shared>>)
      %dma_wait3A_134 = arith.constant 1 : i32
      %dma_wait3A_135 = arith.constant 0 : i32
      %dma_wait3A_136 = arith.constant 0 : i32
      %dma_wait3A_137 = tpu.memref_slice %arg9[%dma_wait3A_134, %dma_wait3A_135, %dma_wait3A_136] : memref<2x128x64xf32, #tpu.memory_space<vmem>> -> memref<1x128x64xf32, #tpu.memory_space<vmem>>
      %dma_wait3A_138 = tpu.memref_squeeze %dma_wait3A_137 : memref<1x128x64xf32, #tpu.memory_space<vmem>> -> memref<128x64xf32, #tpu.memory_space<vmem>>
      %dma_wait3A_139 = arith.constant 0 : i32
      %dma_wait3A_140 = tpu.memref_slice %arg8[%add3A_111, %dma_wait3A_139] : memref<80x128xi32, #tpu.memory_space<vmem>> -> memref<1x128xi32, #tpu.memory_space<vmem>>
      %dma_wait3A_141 = tpu.memref_squeeze %dma_wait3A_140 : memref<1x128xi32, #tpu.memory_space<vmem>> -> memref<128xi32, #tpu.memory_space<vmem>>
      %dma_wait3A_142 = arith.constant 0 : i32
      %dma_wait3A_143 = arith.constant 0 : i32
      %dma_wait3A_144 = tpu.memref_slice %arg11[%dma_wait3A_142, %dma_wait3A_143] : memref<10240x64xf32, #tpu.memory_space<vmem_shared>> -> memref<10240x64xf32, #tpu.memory_space<vmem_shared>>
      tpu.wait_indirect_dma semaphore(%arg13 : memref<!tpu.dma_semaphore, #tpu.memory_space<semaphore_mem>>) src(%dma_wait3A_138 : memref<128x64xf32, #tpu.memory_space<vmem>>) dst(%dma_wait3A_144 : memref<10240x64xf32, #tpu.memory_space<vmem_shared>>)
    }
    %scan3A_28 = arith.constant 40 : i32
    %barrier3A_29 = arith.constant 0 : index
    tpu.barrier barrier_id(%barrier3A_29)
    %mul3A_30 = arith.constant 640 : i32
    %mul3A_31 = arith.muli %arg1, %mul3A_30 : i32
    %add3A_32 = arith.constant 0 : i32
    %add3A_33 = arith.addi %mul3A_31, %add3A_32 : i32
    "tpu.region"() ({
      %run_scoped3A = tpu.sem_alloc : memref<!tpu.dma_semaphore, #tpu.memory_space<semaphore_mem>>
      %dma_start3A = arith.constant 0 : i32
      %dma_start3A_50 = tpu.memref_slice %arg6[%arg0, %add3A_33, %dma_start3A] : memref<2x10240x64xf32, #tpu.memory_space<hbm>> -> memref<1x128x64xf32, #tpu.memory_space<hbm>>
      %dma_start3A_51 = tpu.memref_squeeze %dma_start3A_50 : memref<1x128x64xf32, #tpu.memory_space<hbm>> -> memref<128x64xf32, #tpu.memory_space<hbm>>
      %dma_start3A_52 = arith.constant 0 : i32
      %dma_start3A_53 = tpu.memref_slice %arg11[%add3A_33, %dma_start3A_52] : memref<10240x64xf32, #tpu.memory_space<vmem_shared>> -> memref<128x64xf32, #tpu.memory_space<vmem_shared>>
      tpu.enqueue_dma source(%dma_start3A_53 : memref<128x64xf32, #tpu.memory_space<vmem_shared>>) target(%dma_start3A_51 : memref<128x64xf32, #tpu.memory_space<hbm>>) target_semaphore(%run_scoped3A : memref<!tpu.dma_semaphore, #tpu.memory_space<semaphore_mem>>)
      %dma_wait3A = arith.constant 0 : i32
      %dma_wait3A_54 = tpu.memref_slice %arg6[%arg0, %add3A_33, %dma_wait3A] : memref<2x10240x64xf32, #tpu.memory_space<hbm>> -> memref<1x128x64xf32, #tpu.memory_space<hbm>>
      %dma_wait3A_55 = tpu.memref_squeeze %dma_wait3A_54 : memref<1x128x64xf32, #tpu.memory_space<hbm>> -> memref<128x64xf32, #tpu.memory_space<hbm>>
      %dma_wait3A_56 = arith.constant 0 : i32
      %dma_wait3A_57 = tpu.memref_slice %arg11[%add3A_33, %dma_wait3A_56] : memref<10240x64xf32, #tpu.memory_space<vmem_shared>> -> memref<128x64xf32, #tpu.memory_space<vmem_shared>>
      tpu.wait_dma2 semaphore(%run_scoped3A : memref<!tpu.dma_semaphore, #tpu.memory_space<semaphore_mem>>) src(%dma_wait3A_57 : memref<128x64xf32, #tpu.memory_space<vmem_shared>>) dst(%dma_wait3A_55 : memref<128x64xf32, #tpu.memory_space<hbm>>)
      tpu.yield
    }) : () -> ()
    %mul3A_34 = arith.constant 640 : i32
    %mul3A_35 = arith.muli %arg1, %mul3A_34 : i32
    %add3A_36 = arith.constant 128 : i32
    %add3A_37 = arith.addi %mul3A_35, %add3A_36 : i32
    "tpu.region"() ({
      %run_scoped3A = tpu.sem_alloc : memref<!tpu.dma_semaphore, #tpu.memory_space<semaphore_mem>>
      %dma_start3A = arith.constant 0 : i32
      %dma_start3A_50 = tpu.memref_slice %arg6[%arg0, %add3A_37, %dma_start3A] : memref<2x10240x64xf32, #tpu.memory_space<hbm>> -> memref<1x128x64xf32, #tpu.memory_space<hbm>>
      %dma_start3A_51 = tpu.memref_squeeze %dma_start3A_50 : memref<1x128x64xf32, #tpu.memory_space<hbm>> -> memref<128x64xf32, #tpu.memory_space<hbm>>
      %dma_start3A_52 = arith.constant 0 : i32
      %dma_start3A_53 = tpu.memref_slice %arg11[%add3A_37, %dma_start3A_52] : memref<10240x64xf32, #tpu.memory_space<vmem_shared>> -> memref<128x64xf32, #tpu.memory_space<vmem_shared>>
      tpu.enqueue_dma source(%dma_start3A_53 : memref<128x64xf32, #tpu.memory_space<vmem_shared>>) target(%dma_start3A_51 : memref<128x64xf32, #tpu.memory_space<hbm>>) target_semaphore(%run_scoped3A : memref<!tpu.dma_semaphore, #tpu.memory_space<semaphore_mem>>)
      %dma_wait3A = arith.constant 0 : i32
      %dma_wait3A_54 = tpu.memref_slice %arg6[%arg0, %add3A_37, %dma_wait3A] : memref<2x10240x64xf32, #tpu.memory_space<hbm>> -> memref<1x128x64xf32, #tpu.memory_space<hbm>>
      %dma_wait3A_55 = tpu.memref_squeeze %dma_wait3A_54 : memref<1x128x64xf32, #tpu.memory_space<hbm>> -> memref<128x64xf32, #tpu.memory_space<hbm>>
      %dma_wait3A_56 = arith.constant 0 : i32
      %dma_wait3A_57 = tpu.memref_slice %arg11[%add3A_37, %dma_wait3A_56] : memref<10240x64xf32, #tpu.memory_space<vmem_shared>> -> memref<128x64xf32, #tpu.memory_space<vmem_shared>>
      tpu.wait_dma2 semaphore(%run_scoped3A : memref<!tpu.dma_semaphore, #tpu.memory_space<semaphore_mem>>) src(%dma_wait3A_57 : memref<128x64xf32, #tpu.memory_space<vmem_shared>>) dst(%dma_wait3A_55 : memref<128x64xf32, #tpu.memory_space<hbm>>)
      tpu.yield
    }) : () -> ()
    %mul3A_38 = arith.constant 640 : i32
    %mul3A_39 = arith.muli %arg1, %mul3A_38 : i32
    %add3A_40 = arith.constant 256 : i32
    %add3A_41 = arith.addi %mul3A_39, %add3A_40 : i32
    "tpu.region"() ({
      %run_scoped3A = tpu.sem_alloc : memref<!tpu.dma_semaphore, #tpu.memory_space<semaphore_mem>>
      %dma_start3A = arith.constant 0 : i32
      %dma_start3A_50 = tpu.memref_slice %arg6[%arg0, %add3A_41, %dma_start3A] : memref<2x10240x64xf32, #tpu.memory_space<hbm>> -> memref<1x128x64xf32, #tpu.memory_space<hbm>>
      %dma_start3A_51 = tpu.memref_squeeze %dma_start3A_50 : memref<1x128x64xf32, #tpu.memory_space<hbm>> -> memref<128x64xf32, #tpu.memory_space<hbm>>
      %dma_start3A_52 = arith.constant 0 : i32
      %dma_start3A_53 = tpu.memref_slice %arg11[%add3A_41, %dma_start3A_52] : memref<10240x64xf32, #tpu.memory_space<vmem_shared>> -> memref<128x64xf32, #tpu.memory_space<vmem_shared>>
      tpu.enqueue_dma source(%dma_start3A_53 : memref<128x64xf32, #tpu.memory_space<vmem_shared>>) target(%dma_start3A_51 : memref<128x64xf32, #tpu.memory_space<hbm>>) target_semaphore(%run_scoped3A : memref<!tpu.dma_semaphore, #tpu.memory_space<semaphore_mem>>)
      %dma_wait3A = arith.constant 0 : i32
      %dma_wait3A_54 = tpu.memref_slice %arg6[%arg0, %add3A_41, %dma_wait3A] : memref<2x10240x64xf32, #tpu.memory_space<hbm>> -> memref<1x128x64xf32, #tpu.memory_space<hbm>>
      %dma_wait3A_55 = tpu.memref_squeeze %dma_wait3A_54 : memref<1x128x64xf32, #tpu.memory_space<hbm>> -> memref<128x64xf32, #tpu.memory_space<hbm>>
      %dma_wait3A_56 = arith.constant 0 : i32
      %dma_wait3A_57 = tpu.memref_slice %arg11[%add3A_41, %dma_wait3A_56] : memref<10240x64xf32, #tpu.memory_space<vmem_shared>> -> memref<128x64xf32, #tpu.memory_space<vmem_shared>>
      tpu.wait_dma2 semaphore(%run_scoped3A : memref<!tpu.dma_semaphore, #tpu.memory_space<semaphore_mem>>) src(%dma_wait3A_57 : memref<128x64xf32, #tpu.memory_space<vmem_shared>>) dst(%dma_wait3A_55 : memref<128x64xf32, #tpu.memory_space<hbm>>)
      tpu.yield
    }) : () -> ()
    %mul3A_42 = arith.constant 640 : i32
    %mul3A_43 = arith.muli %arg1, %mul3A_42 : i32
    %add3A_44 = arith.constant 384 : i32
    %add3A_45 = arith.addi %mul3A_43, %add3A_44 : i32
    "tpu.region"() ({
      %run_scoped3A = tpu.sem_alloc : memref<!tpu.dma_semaphore, #tpu.memory_space<semaphore_mem>>
      %dma_start3A = arith.constant 0 : i32
      %dma_start3A_50 = tpu.memref_slice %arg6[%arg0, %add3A_45, %dma_start3A] : memref<2x10240x64xf32, #tpu.memory_space<hbm>> -> memref<1x128x64xf32, #tpu.memory_space<hbm>>
      %dma_start3A_51 = tpu.memref_squeeze %dma_start3A_50 : memref<1x128x64xf32, #tpu.memory_space<hbm>> -> memref<128x64xf32, #tpu.memory_space<hbm>>
      %dma_start3A_52 = arith.constant 0 : i32
      %dma_start3A_53 = tpu.memref_slice %arg11[%add3A_45, %dma_start3A_52] : memref<10240x64xf32, #tpu.memory_space<vmem_shared>> -> memref<128x64xf32, #tpu.memory_space<vmem_shared>>
      tpu.enqueue_dma source(%dma_start3A_53 : memref<128x64xf32, #tpu.memory_space<vmem_shared>>) target(%dma_start3A_51 : memref<128x64xf32, #tpu.memory_space<hbm>>) target_semaphore(%run_scoped3A : memref<!tpu.dma_semaphore, #tpu.memory_space<semaphore_mem>>)
      %dma_wait3A = arith.constant 0 : i32
      %dma_wait3A_54 = tpu.memref_slice %arg6[%arg0, %add3A_45, %dma_wait3A] : memref<2x10240x64xf32, #tpu.memory_space<hbm>> -> memref<1x128x64xf32, #tpu.memory_space<hbm>>
      %dma_wait3A_55 = tpu.memref_squeeze %dma_wait3A_54 : memref<1x128x64xf32, #tpu.memory_space<hbm>> -> memref<128x64xf32, #tpu.memory_space<hbm>>
      %dma_wait3A_56 = arith.constant 0 : i32
      %dma_wait3A_57 = tpu.memref_slice %arg11[%add3A_45, %dma_wait3A_56] : memref<10240x64xf32, #tpu.memory_space<vmem_shared>> -> memref<128x64xf32, #tpu.memory_space<vmem_shared>>
      tpu.wait_dma2 semaphore(%run_scoped3A : memref<!tpu.dma_semaphore, #tpu.memory_space<semaphore_mem>>) src(%dma_wait3A_57 : memref<128x64xf32, #tpu.memory_space<vmem_shared>>) dst(%dma_wait3A_55 : memref<128x64xf32, #tpu.memory_space<hbm>>)
      tpu.yield
    }) : () -> ()
    %mul3A_46 = arith.constant 640 : i32
    %mul3A_47 = arith.muli %arg1, %mul3A_46 : i32
    %add3A_48 = arith.constant 512 : i32
    %add3A_49 = arith.addi %mul3A_47, %add3A_48 : i32
    "tpu.region"() ({
      %run_scoped3A = tpu.sem_alloc : memref<!tpu.dma_semaphore, #tpu.memory_space<semaphore_mem>>
      %dma_start3A = arith.constant 0 : i32
      %dma_start3A_50 = tpu.memref_slice %arg6[%arg0, %add3A_49, %dma_start3A] : memref<2x10240x64xf32, #tpu.memory_space<hbm>> -> memref<1x128x64xf32, #tpu.memory_space<hbm>>
      %dma_start3A_51 = tpu.memref_squeeze %dma_start3A_50 : memref<1x128x64xf32, #tpu.memory_space<hbm>> -> memref<128x64xf32, #tpu.memory_space<hbm>>
      %dma_start3A_52 = arith.constant 0 : i32
      %dma_start3A_53 = tpu.memref_slice %arg11[%add3A_49, %dma_start3A_52] : memref<10240x64xf32, #tpu.memory_space<vmem_shared>> -> memref<128x64xf32, #tpu.memory_space<vmem_shared>>
      tpu.enqueue_dma source(%dma_start3A_53 : memref<128x64xf32, #tpu.memory_space<vmem_shared>>) target(%dma_start3A_51 : memref<128x64xf32, #tpu.memory_space<hbm>>) target_semaphore(%run_scoped3A : memref<!tpu.dma_semaphore, #tpu.memory_space<semaphore_mem>>)
      %dma_wait3A = arith.constant 0 : i32
      %dma_wait3A_54 = tpu.memref_slice %arg6[%arg0, %add3A_49, %dma_wait3A] : memref<2x10240x64xf32, #tpu.memory_space<hbm>> -> memref<1x128x64xf32, #tpu.memory_space<hbm>>
      %dma_wait3A_55 = tpu.memref_squeeze %dma_wait3A_54 : memref<1x128x64xf32, #tpu.memory_space<hbm>> -> memref<128x64xf32, #tpu.memory_space<hbm>>
      %dma_wait3A_56 = arith.constant 0 : i32
      %dma_wait3A_57 = tpu.memref_slice %arg11[%add3A_49, %dma_wait3A_56] : memref<10240x64xf32, #tpu.memory_space<vmem_shared>> -> memref<128x64xf32, #tpu.memory_space<vmem_shared>>
      tpu.wait_dma2 semaphore(%run_scoped3A : memref<!tpu.dma_semaphore, #tpu.memory_space<semaphore_mem>>) src(%dma_wait3A_57 : memref<128x64xf32, #tpu.memory_space<vmem_shared>>) dst(%dma_wait3A_55 : memref<128x64xf32, #tpu.memory_space<hbm>>)
      tpu.yield
    }) : () -> ()
    return
  }
}

module attributes {stable_mosaic.version = 14 : i64} {
  func.func @_tc_first_body(%arg0: i32, %arg1: memref<1024x128xf32, #tpu.memory_space<vmem>>, %arg2: memref<128x64xf32, #tpu.memory_space<vmem>>, %arg3: memref<2x1024x8xf32, #tpu.memory_space<vmem>>, %arg4: memref<1024x64xf32, #tpu.memory_space<vmem>>, %arg5: memref<1024x64xf32, #tpu.memory_space<vmem>>) attributes {dimension_semantics = [#tpu.dimension_semantics<arbitrary>], iteration_bounds = array<i64: 10>, scalar_prefetch = 0 : i64, scratch_operands = 0 : i64, tpu.core_type = #tpu.core_type<tc>, window_params = [{transform_indices = @transform_0, window_bounds = array<i64: 1024, 128>}, {pipeline_mode = #tpu.pipeline_mode<synchronous>, transform_indices = @transform_1, window_bounds = array<i64: 128, 64>}, {transform_indices = @transform_2, window_bounds = array<i64: 2, 1024, 8>}, {transform_indices = @transform_3, window_bounds = array<i64: 1024, 64>}, {transform_indices = @transform_4, window_bounds = array<i64: 1024, 64>}]} {
    %get3A = arith.constant 0 : index
    %get3A_0 = arith.constant 0 : index
    %get3A_1 = arith.constant 0 : index
    %get3A_2 = vector.load %arg3[%get3A, %get3A_0, %get3A_1] : memref<2x1024x8xf32, #tpu.memory_space<vmem>>, vector<1x1024x1xf32>
    %get3A_3 = vector.shape_cast %get3A_2 : vector<1x1024x1xf32> to vector<1024x1xf32>
    %get3A_4 = arith.constant 1 : index
    %get3A_5 = arith.constant 0 : index
    %get3A_6 = arith.constant 0 : index
    %get3A_7 = vector.load %arg3[%get3A_4, %get3A_5, %get3A_6] : memref<2x1024x8xf32, #tpu.memory_space<vmem>>, vector<1x1024x1xf32>
    %get3A_8 = vector.shape_cast %get3A_7 : vector<1x1024x1xf32> to vector<1024x1xf32>
    %add3A = arith.addf %get3A_3, %get3A_8 : vector<1024x1xf32>
    %add3A_9 = arith.constant 1.000000e+00 : f32
    %add3A_10 = vector.broadcast %add3A_9 : f32 to vector<1024x1xf32>
    %add3A_11 = arith.addf %add3A, %add3A_10 : vector<1024x1xf32>
    %rsqrt3A = math.rsqrt %add3A_11 : vector<1024x1xf32>
    %get3A_12 = arith.constant 0 : index
    %get3A_13 = arith.constant 0 : index
    %get3A_14 = vector.load %arg1[%get3A_12, %get3A_13] : memref<1024x128xf32, #tpu.memory_space<vmem>>, vector<1024x128xf32>
    %get3A_15 = arith.constant 0 : index
    %get3A_16 = arith.constant 0 : index
    %get3A_17 = vector.load %arg2[%get3A_15, %get3A_16] : memref<128x64xf32, #tpu.memory_space<vmem>>, vector<128x64xf32>
    %dot_general3A = arith.constant dense<0.000000e+00> : vector<1024x64xf32>
    %dot_general3A_18 = tpu.matmul %get3A_14, %get3A_17, %dot_general3A {dimension_numbers = #tpu.dot_dimension_numbers<[1], [0], [0], [1], [0, 0, 1, 1], [], []>, transpose_lhs_hint = false} : vector<1024x128xf32>, vector<128x64xf32>, vector<1024x64xf32> -> vector<1024x64xf32>
    %mul3A = vector.broadcast %rsqrt3A : vector<1024x1xf32> to vector<1024x64xf32>
    %mul3A_19 = arith.mulf %dot_general3A_18, %mul3A : vector<1024x64xf32>
    %swap3A = arith.constant 0 : index
    %swap3A_20 = arith.constant 0 : index
    %swap3A_21 = vector.load %arg4[%swap3A, %swap3A_20] : memref<1024x64xf32, #tpu.memory_space<vmem>>, vector<1024x64xf32>
    tpu.vector_store %arg4[%swap3A, %swap3A_20], %mul3A_19 {strides = array<i32>} : memref<1024x64xf32, #tpu.memory_space<vmem>>, vector<1024x64xf32>,
    %broadcast_in_dim3A = vector.shape_cast %rsqrt3A : vector<1024x1xf32> to vector<1024x1xf32>
    %broadcast_in_dim3A_22 = vector.broadcast %broadcast_in_dim3A : vector<1024x1xf32> to vector<1024x64xf32>
    %swap3A_23 = arith.constant 0 : index
    %swap3A_24 = arith.constant 0 : index
    %swap3A_25 = vector.load %arg5[%swap3A_23, %swap3A_24] : memref<1024x64xf32, #tpu.memory_space<vmem>>, vector<1024x64xf32>
    tpu.vector_store %arg5[%swap3A_23, %swap3A_24], %broadcast_in_dim3A_22 {strides = array<i32>} : memref<1024x64xf32, #tpu.memory_space<vmem>>, vector<1024x64xf32>,
    return
  }
  func.func @transform_0(%arg0: i32) -> (i32, i32) {
    %c0_i32 = arith.constant 0 : i32
    %c0_i32_0 = arith.constant 0 : i32
    return %arg0, %c0_i32 : i32, i32
  }
  func.func @transform_1(%arg0: i32) -> (i32, i32) {
    %c0_i32 = arith.constant 0 : i32
    %c0_i32_0 = arith.constant 0 : i32
    %c0_i32_1 = arith.constant 0 : i32
    return %c0_i32, %c0_i32_0 : i32, i32
  }
  func.func @transform_2(%arg0: i32) -> (i32, i32, i32) {
    %c0_i32 = arith.constant 0 : i32
    %c0_i32_0 = arith.constant 0 : i32
    %c0_i32_1 = arith.constant 0 : i32
    return %c0_i32, %arg0, %c0_i32_0 : i32, i32, i32
  }
  func.func @transform_3(%arg0: i32) -> (i32, i32) {
    %c0_i32 = arith.constant 0 : i32
    %c0_i32_0 = arith.constant 0 : i32
    return %arg0, %c0_i32 : i32, i32
  }
  func.func @transform_4(%arg0: i32) -> (i32, i32) {
    %c0_i32 = arith.constant 0 : i32
    %c0_i32_0 = arith.constant 0 : i32
    return %arg0, %c0_i32 : i32, i32
  }
}

module attributes {stable_mosaic.version = 14 : i64} {
  func.func @_tc_mid_body(%arg0: i32, %arg1: memref<2x1024x64xf32, #tpu.memory_space<vmem>>, %arg2: memref<1024x64xf32, #tpu.memory_space<vmem>>, %arg3: memref<1024x64xf32, #tpu.memory_space<vmem>>, %arg4: memref<1x64xf32, #tpu.memory_space<vmem>>, %arg5: memref<64x64xf32, #tpu.memory_space<vmem>>, %arg6: memref<1024x64xf32, #tpu.memory_space<vmem>>) attributes {dimension_semantics = [#tpu.dimension_semantics<arbitrary>], iteration_bounds = array<i64: 10>, scalar_prefetch = 0 : i64, scratch_operands = 0 : i64, tpu.core_type = #tpu.core_type<tc>, window_params = [{transform_indices = @transform_0, window_bounds = array<i64: 2, 1024, 64>}, {transform_indices = @transform_1, window_bounds = array<i64: 1024, 64>}, {transform_indices = @transform_2, window_bounds = array<i64: 1024, 64>}, {pipeline_mode = #tpu.pipeline_mode<synchronous>, transform_indices = @transform_3, window_bounds = array<i64: 1, 64>}, {pipeline_mode = #tpu.pipeline_mode<synchronous>, transform_indices = @transform_4, window_bounds = array<i64: 64, 64>}, {transform_indices = @transform_5, window_bounds = array<i64: 1024, 64>}]} {
    %get3A = arith.constant 0 : index
    %get3A_0 = arith.constant 0 : index
    %get3A_1 = arith.constant 0 : index
    %get3A_2 = vector.load %arg1[%get3A, %get3A_0, %get3A_1] : memref<2x1024x64xf32, #tpu.memory_space<vmem>>, vector<1x1024x64xf32>
    %get3A_3 = vector.shape_cast %get3A_2 : vector<1x1024x64xf32> to vector<1024x64xf32>
    %get3A_4 = arith.constant 1 : index
    %get3A_5 = arith.constant 0 : index
    %get3A_6 = arith.constant 0 : index
    %get3A_7 = vector.load %arg1[%get3A_4, %get3A_5, %get3A_6] : memref<2x1024x64xf32, #tpu.memory_space<vmem>>, vector<1x1024x64xf32>
    %get3A_8 = vector.shape_cast %get3A_7 : vector<1x1024x64xf32> to vector<1024x64xf32>
    %add3A = arith.addf %get3A_3, %get3A_8 : vector<1024x64xf32>
    %get3A_9 = arith.constant 0 : index
    %get3A_10 = arith.constant 0 : index
    %get3A_11 = vector.load %arg2[%get3A_9, %get3A_10] : memref<1024x64xf32, #tpu.memory_space<vmem>>, vector<1024x64xf32>
    %add3A_12 = arith.addf %add3A, %get3A_11 : vector<1024x64xf32>
    %get3A_13 = arith.constant 0 : index
    %get3A_14 = arith.constant 0 : index
    %get3A_15 = vector.load %arg3[%get3A_13, %get3A_14] : memref<1024x64xf32, #tpu.memory_space<vmem>>, vector<1024x64xf32>
    %mul3A = arith.mulf %get3A_15, %add3A_12 : vector<1024x64xf32>
    %get3A_16 = arith.constant 0 : index
    %get3A_17 = arith.constant 0 : index
    %get3A_18 = vector.load %arg4[%get3A_16, %get3A_17] : memref<1x64xf32, #tpu.memory_space<vmem>>, vector<1x64xf32>
    %add3A_19 = vector.broadcast %get3A_18 : vector<1x64xf32> to vector<1024x64xf32>
    %add3A_20 = arith.addf %mul3A, %add3A_19 : vector<1024x64xf32>
    %max3A = arith.constant 0.000000e+00 : f32
    %max3A_21 = vector.broadcast %max3A : f32 to vector<1024x64xf32>
    %max3A_22 = arith.maximumf %add3A_20, %max3A_21 : vector<1024x64xf32>
    %get3A_23 = arith.constant 0 : index
    %get3A_24 = arith.constant 0 : index
    %get3A_25 = vector.load %arg5[%get3A_23, %get3A_24] : memref<64x64xf32, #tpu.memory_space<vmem>>, vector<64x64xf32>
    %dot_general3A = arith.constant dense<0.000000e+00> : vector<1024x64xf32>
    %dot_general3A_26 = tpu.matmul %max3A_22, %get3A_25, %dot_general3A {dimension_numbers = #tpu.dot_dimension_numbers<[1], [0], [0], [1], [0, 0, 1, 1], [], []>, transpose_lhs_hint = false} : vector<1024x64xf32>, vector<64x64xf32>, vector<1024x64xf32> -> vector<1024x64xf32>
    %get3A_27 = arith.constant 0 : index
    %get3A_28 = arith.constant 0 : index
    %get3A_29 = vector.load %arg3[%get3A_27, %get3A_28] : memref<1024x64xf32, #tpu.memory_space<vmem>>, vector<1024x64xf32>
    %mul3A_30 = arith.mulf %dot_general3A_26, %get3A_29 : vector<1024x64xf32>
    %swap3A = arith.constant 0 : index
    %swap3A_31 = arith.constant 0 : index
    %swap3A_32 = vector.load %arg6[%swap3A, %swap3A_31] : memref<1024x64xf32, #tpu.memory_space<vmem>>, vector<1024x64xf32>
    tpu.vector_store %arg6[%swap3A, %swap3A_31], %mul3A_30 {strides = array<i32>} : memref<1024x64xf32, #tpu.memory_space<vmem>>, vector<1024x64xf32>,
    return
  }
  func.func @transform_0(%arg0: i32) -> (i32, i32, i32) {
    %c0_i32 = arith.constant 0 : i32
    %c0_i32_0 = arith.constant 0 : i32
    %c0_i32_1 = arith.constant 0 : i32
    return %c0_i32, %arg0, %c0_i32_0 : i32, i32, i32
  }
  func.func @transform_1(%arg0: i32) -> (i32, i32) {
    %c0_i32 = arith.constant 0 : i32
    %c0_i32_0 = arith.constant 0 : i32
    return %arg0, %c0_i32 : i32, i32
  }
  func.func @transform_2(%arg0: i32) -> (i32, i32) {
    %c0_i32 = arith.constant 0 : i32
    %c0_i32_0 = arith.constant 0 : i32
    return %arg0, %c0_i32 : i32, i32
  }
  func.func @transform_3(%arg0: i32) -> (i32, i32) {
    %c0_i32 = arith.constant 0 : i32
    %c0_i32_0 = arith.constant 0 : i32
    %c0_i32_1 = arith.constant 0 : i32
    return %c0_i32, %c0_i32_0 : i32, i32
  }
  func.func @transform_4(%arg0: i32) -> (i32, i32) {
    %c0_i32 = arith.constant 0 : i32
    %c0_i32_0 = arith.constant 0 : i32
    %c0_i32_1 = arith.constant 0 : i32
    return %c0_i32, %c0_i32_0 : i32, i32
  }
  func.func @transform_5(%arg0: i32) -> (i32, i32) {
    %c0_i32 = arith.constant 0 : i32
    %c0_i32_0 = arith.constant 0 : i32
    return %arg0, %c0_i32 : i32, i32
  }
}

module attributes {stable_mosaic.version = 14 : i64} {
  func.func @_tc_final_body(%arg0: i32, %arg1: memref<2x1024x64xf32, #tpu.memory_space<vmem>>, %arg2: memref<1024x64xf32, #tpu.memory_space<vmem>>, %arg3: memref<1024x64xf32, #tpu.memory_space<vmem>>, %arg4: memref<1x64xf32, #tpu.memory_space<vmem>>, %arg5: memref<1x1x1024xi32, #tpu.memory_space<vmem>>, %arg6: memref<64x32xf32, #tpu.memory_space<vmem>>, %arg7: memref<1x32xf32, #tpu.memory_space<vmem>>, %arg8: memref<32x1xf32, #tpu.memory_space<vmem>>, %arg9: memref<1x1xf32, #tpu.memory_space<vmem>>, %arg10: memref<64x1xf32, #tpu.memory_space<vmem>>, %arg11: memref<64x64xf32, #tpu.memory_space<vmem>>, %arg12: memref<64x1xf32, #tpu.memory_space<vmem>>) attributes {dimension_semantics = [#tpu.dimension_semantics<arbitrary>], iteration_bounds = array<i64: 10>, scalar_prefetch = 0 : i64, scratch_operands = 2 : i64, tpu.core_type = #tpu.core_type<tc>, window_params = [{transform_indices = @transform_0, window_bounds = array<i64: 2, 1024, 64>}, {transform_indices = @transform_1, window_bounds = array<i64: 1024, 64>}, {transform_indices = @transform_2, window_bounds = array<i64: 1024, 64>}, {pipeline_mode = #tpu.pipeline_mode<synchronous>, transform_indices = @transform_3, window_bounds = array<i64: 1, 64>}, {transform_indices = @transform_4, window_bounds = array<i64: 1, 1, 1024>}, {pipeline_mode = #tpu.pipeline_mode<synchronous>, transform_indices = @transform_5, window_bounds = array<i64: 64, 32>}, {pipeline_mode = #tpu.pipeline_mode<synchronous>, transform_indices = @transform_6, window_bounds = array<i64: 1, 32>}, {pipeline_mode = #tpu.pipeline_mode<synchronous>, transform_indices = @transform_7, window_bounds = array<i64: 32, 1>}, {pipeline_mode = #tpu.pipeline_mode<synchronous>, transform_indices = @transform_8, window_bounds = array<i64: 1, 1>}, {pipeline_mode = #tpu.pipeline_mode<synchronous>, transform_indices = @transform_9, window_bounds = array<i64: 64, 1>}]} {
    %eq3A = arith.constant 0 : i32
    %eq3A_0 = arith.cmpi eq, %arg0, %eq3A : i32
    %convert_element_type3A = arith.extui %eq3A_0 : i1 to i32
    %cond3A = arith.constant 0 : i32
    %cond3A_1 = arith.cmpi ne, %convert_element_type3A, %cond3A : i32
    scf.if %cond3A_1 {
      %broadcast_in_dim3A_55 = arith.constant 0.000000e+00 : f32
      %broadcast_in_dim3A_56 = vector.broadcast %broadcast_in_dim3A_55 : f32 to vector<64x64xf32>
      %swap3A_57 = arith.constant 0 : index
      %swap3A_58 = arith.constant 0 : index
      %swap3A_59 = vector.load %arg11[%swap3A_57, %swap3A_58] : memref<64x64xf32, #tpu.memory_space<vmem>>, vector<64x64xf32>
      tpu.vector_store %arg11[%swap3A_57, %swap3A_58], %broadcast_in_dim3A_56 {strides = array<i32>} : memref<64x64xf32, #tpu.memory_space<vmem>>, vector<64x64xf32>,
      %broadcast_in_dim3A_60 = arith.constant 0.000000e+00 : f32
      %broadcast_in_dim3A_61 = vector.broadcast %broadcast_in_dim3A_60 : f32 to vector<64x1xf32>
      %swap3A_62 = arith.constant 0 : index
      %swap3A_63 = arith.constant 0 : index
      %swap3A_64 = vector.load %arg12[%swap3A_62, %swap3A_63] : memref<64x1xf32, #tpu.memory_space<vmem>>, vector<64x1xf32>
      tpu.vector_store %arg12[%swap3A_62, %swap3A_63], %broadcast_in_dim3A_61 {strides = array<i32>} : memref<64x1xf32, #tpu.memory_space<vmem>>, vector<64x1xf32>,
    } else {
    }
    %get3A = arith.constant 0 : index
    %get3A_2 = arith.constant 0 : index
    %get3A_3 = vector.load %arg3[%get3A, %get3A_2] : memref<1024x64xf32, #tpu.memory_space<vmem>>, vector<1024x64xf32>
    %get3A_4 = arith.constant 0 : index
    %get3A_5 = arith.constant 0 : index
    %get3A_6 = arith.constant 0 : index
    %get3A_7 = vector.load %arg1[%get3A_4, %get3A_5, %get3A_6] : memref<2x1024x64xf32, #tpu.memory_space<vmem>>, vector<1x1024x64xf32>
    %get3A_8 = vector.shape_cast %get3A_7 : vector<1x1024x64xf32> to vector<1024x64xf32>
    %get3A_9 = arith.constant 1 : index
    %get3A_10 = arith.constant 0 : index
    %get3A_11 = arith.constant 0 : index
    %get3A_12 = vector.load %arg1[%get3A_9, %get3A_10, %get3A_11] : memref<2x1024x64xf32, #tpu.memory_space<vmem>>, vector<1x1024x64xf32>
    %get3A_13 = vector.shape_cast %get3A_12 : vector<1x1024x64xf32> to vector<1024x64xf32>
    %add3A = arith.addf %get3A_8, %get3A_13 : vector<1024x64xf32>
    %get3A_14 = arith.constant 0 : index
    %get3A_15 = arith.constant 0 : index
    %get3A_16 = vector.load %arg2[%get3A_14, %get3A_15] : memref<1024x64xf32, #tpu.memory_space<vmem>>, vector<1024x64xf32>
    %add3A_17 = arith.addf %add3A, %get3A_16 : vector<1024x64xf32>
    %mul3A = arith.mulf %get3A_3, %add3A_17 : vector<1024x64xf32>
    %get3A_18 = arith.constant 0 : index
    %get3A_19 = arith.constant 0 : index
    %get3A_20 = vector.load %arg4[%get3A_18, %get3A_19] : memref<1x64xf32, #tpu.memory_space<vmem>>, vector<1x64xf32>
    %add3A_21 = vector.broadcast %get3A_20 : vector<1x64xf32> to vector<1024x64xf32>
    %add3A_22 = arith.addf %mul3A, %add3A_21 : vector<1024x64xf32>
    %get3A_23 = arith.constant 0 : index
    %get3A_24 = arith.constant 0 : index
    %get3A_25 = arith.constant 0 : index
    %get3A_26 = vector.load %arg5[%get3A_23, %get3A_24, %get3A_25] : memref<1x1x1024xi32, #tpu.memory_space<vmem>>, vector<1x1x1024xi32>
    %get3A_27 = vector.shape_cast %get3A_26 : vector<1x1x1024xi32> to vector<1024xi32>
    %reshape3A = vector.shape_cast %get3A_27 : vector<1024xi32> to vector<1024x1xi32>
    %iota3A = tpu.iota {dimensions = array<i32: 1>} : vector<1x64xi32>
    %eq3A_28 = vector.broadcast %reshape3A : vector<1024x1xi32> to vector<1024x64xi32>
    %eq3A_29 = vector.broadcast %iota3A : vector<1x64xi32> to vector<1024x64xi32>
    %eq3A_30 = arith.cmpi eq, %eq3A_28, %eq3A_29 : vector<1024x64xi32>
    %convert_element_type3A_31 = arith.extui %eq3A_30 : vector<1024x64xi1> to vector<1024x64xi32>
    %convert_element_type3A_32 = arith.sitofp %convert_element_type3A_31 : vector<1024x64xi32> to vector<1024x64xf32>
    %get3A_33 = arith.constant 0 : index
    %get3A_34 = arith.constant 0 : index
    %get3A_35 = vector.load %arg11[%get3A_33, %get3A_34] : memref<64x64xf32, #tpu.memory_space<vmem>>, vector<64x64xf32>
    %dot_general3A = arith.constant dense<0.000000e+00> : vector<64x64xf32>
    %dot_general3A_36 = tpu.matmul %convert_element_type3A_32, %add3A_22, %dot_general3A {dimension_numbers = #tpu.dot_dimension_numbers<[0], [0], [1], [1], [0, 1, 1, 1], [], []>, transpose_lhs_hint = false} : vector<1024x64xf32>, vector<1024x64xf32>, vector<64x64xf32> -> vector<64x64xf32>
    %add3A_37 = arith.addf %get3A_35, %dot_general3A_36 : vector<64x64xf32>
    %swap3A = arith.constant 0 : index
    %swap3A_38 = arith.constant 0 : index
    %swap3A_39 = vector.load %arg11[%swap3A, %swap3A_38] : memref<64x64xf32, #tpu.memory_space<vmem>>, vector<64x64xf32>
    tpu.vector_store %arg11[%swap3A, %swap3A_38], %add3A_37 {strides = array<i32>} : memref<64x64xf32, #tpu.memory_space<vmem>>, vector<64x64xf32>,
    %get3A_40 = arith.constant 0 : index
    %get3A_41 = arith.constant 0 : index
    %get3A_42 = vector.load %arg12[%get3A_40, %get3A_41] : memref<64x1xf32, #tpu.memory_space<vmem>>, vector<64x1xf32>
    %broadcast_in_dim3A = arith.constant 1.000000e+00 : f32
    %broadcast_in_dim3A_43 = vector.broadcast %broadcast_in_dim3A : f32 to vector<1024x1xf32>
    %dot_general3A_44 = arith.constant dense<0.000000e+00> : vector<64x1xf32>
    %dot_general3A_45 = tpu.matmul %convert_element_type3A_32, %broadcast_in_dim3A_43, %dot_general3A_44 {dimension_numbers = #tpu.dot_dimension_numbers<[0], [0], [1], [1], [0, 1, 1, 1], [], []>, transpose_lhs_hint = false} : vector<1024x64xf32>, vector<1024x1xf32>, vector<64x1xf32> -> vector<64x1xf32>
    %add3A_46 = arith.addf %get3A_42, %dot_general3A_45 : vector<64x1xf32>
    %swap3A_47 = arith.constant 0 : index
    %swap3A_48 = arith.constant 0 : index
    %swap3A_49 = vector.load %arg12[%swap3A_47, %swap3A_48] : memref<64x1xf32, #tpu.memory_space<vmem>>, vector<64x1xf32>
    tpu.vector_store %arg12[%swap3A_47, %swap3A_48], %add3A_46 {strides = array<i32>} : memref<64x1xf32, #tpu.memory_space<vmem>>, vector<64x1xf32>,
    %eq3A_50 = arith.constant 9 : i32
    %eq3A_51 = arith.cmpi eq, %arg0, %eq3A_50 : i32
    %convert_element_type3A_52 = arith.extui %eq3A_51 : i1 to i32
    %cond3A_53 = arith.constant 0 : i32
    %cond3A_54 = arith.cmpi ne, %convert_element_type3A_52, %cond3A_53 : i32
    scf.if %cond3A_54 {
      %get3A_55 = arith.constant 0 : index
      %get3A_56 = arith.constant 0 : index
      %get3A_57 = vector.load %arg11[%get3A_55, %get3A_56] : memref<64x64xf32, #tpu.memory_space<vmem>>, vector<64x64xf32>
      %get3A_58 = arith.constant 0 : index
      %get3A_59 = arith.constant 0 : index
      %get3A_60 = vector.load %arg12[%get3A_58, %get3A_59] : memref<64x1xf32, #tpu.memory_space<vmem>>, vector<64x1xf32>
      %max3A = arith.constant 1.000000e+00 : f32
      %max3A_61 = vector.broadcast %max3A : f32 to vector<64x1xf32>
      %max3A_62 = arith.maximumf %get3A_60, %max3A_61 : vector<64x1xf32>
      %div3A = vector.broadcast %max3A_62 : vector<64x1xf32> to vector<64x64xf32>
      %div3A_63 = arith.divf %get3A_57, %div3A : vector<64x64xf32>
      %get3A_64 = arith.constant 0 : index
      %get3A_65 = arith.constant 0 : index
      %get3A_66 = vector.load %arg6[%get3A_64, %get3A_65] : memref<64x32xf32, #tpu.memory_space<vmem>>, vector<64x32xf32>
      %dot_general3A_67 = arith.constant dense<0.000000e+00> : vector<64x32xf32>
      %dot_general3A_68 = tpu.matmul %div3A_63, %get3A_66, %dot_general3A_67 {dimension_numbers = #tpu.dot_dimension_numbers<[1], [0], [0], [1], [0, 0, 1, 1], [], []>, transpose_lhs_hint = false} : vector<64x64xf32>, vector<64x32xf32>, vector<64x32xf32> -> vector<64x32xf32>
      %get3A_69 = arith.constant 0 : index
      %get3A_70 = arith.constant 0 : index
      %get3A_71 = vector.load %arg7[%get3A_69, %get3A_70] : memref<1x32xf32, #tpu.memory_space<vmem>>, vector<1x32xf32>
      %add3A_72 = vector.broadcast %get3A_71 : vector<1x32xf32> to vector<64x32xf32>
      %add3A_73 = arith.addf %dot_general3A_68, %add3A_72 : vector<64x32xf32>
      %max3A_74 = arith.constant 0.000000e+00 : f32
      %max3A_75 = vector.broadcast %max3A_74 : f32 to vector<64x32xf32>
      %max3A_76 = arith.maximumf %add3A_73, %max3A_75 : vector<64x32xf32>
      %get3A_77 = arith.constant 0 : index
      %get3A_78 = arith.constant 0 : index
      %get3A_79 = vector.load %arg8[%get3A_77, %get3A_78] : memref<32x1xf32, #tpu.memory_space<vmem>>, vector<32x1xf32>
      %dot_general3A_80 = arith.constant dense<0.000000e+00> : vector<64x1xf32>
      %dot_general3A_81 = tpu.matmul %max3A_76, %get3A_79, %dot_general3A_80 {dimension_numbers = #tpu.dot_dimension_numbers<[1], [0], [0], [1], [0, 0, 1, 1], [], []>, transpose_lhs_hint = false} : vector<64x32xf32>, vector<32x1xf32>, vector<64x1xf32> -> vector<64x1xf32>
      %get3A_82 = arith.constant 0 : index
      %get3A_83 = arith.constant 0 : index
      %get3A_84 = vector.load %arg9[%get3A_82, %get3A_83] : memref<1x1xf32, #tpu.memory_space<vmem>>, vector<1x1xf32>
      %add3A_85 = vector.broadcast %get3A_84 : vector<1x1xf32> to vector<64x1xf32>
      %add3A_86 = arith.addf %dot_general3A_81, %add3A_85 : vector<64x1xf32>
      %neg3A = arith.constant 0.000000e+00 : f32
      %neg3A_87 = vector.broadcast %neg3A : f32 to vector<64x1xf32>
      %neg3A_88 = arith.subf %neg3A_87, %add3A_86 : vector<64x1xf32>
      %exp3A = math.exp %neg3A_88 : vector<64x1xf32>
      %add3A_89 = arith.constant 1.000000e+00 : f32
      %add3A_90 = vector.broadcast %add3A_89 : f32 to vector<64x1xf32>
      %add3A_91 = arith.addf %add3A_90, %exp3A : vector<64x1xf32>
      %div3A_92 = arith.constant 1.000000e+00 : f32
      %div3A_93 = vector.broadcast %div3A_92 : f32 to vector<64x1xf32>
      %div3A_94 = arith.divf %div3A_93, %add3A_91 : vector<64x1xf32>
      %swap3A_95 = arith.constant 0 : index
      %swap3A_96 = arith.constant 0 : index
      %swap3A_97 = vector.load %arg10[%swap3A_95, %swap3A_96] : memref<64x1xf32, #tpu.memory_space<vmem>>, vector<64x1xf32>
      tpu.vector_store %arg10[%swap3A_95, %swap3A_96], %div3A_94 {strides = array<i32>} : memref<64x1xf32, #tpu.memory_space<vmem>>, vector<64x1xf32>,
    } else {
    }
    return
  }
  func.func @transform_0(%arg0: i32) -> (i32, i32, i32) {
    %c0_i32 = arith.constant 0 : i32
    %c0_i32_0 = arith.constant 0 : i32
    %c0_i32_1 = arith.constant 0 : i32
    return %c0_i32, %arg0, %c0_i32_0 : i32, i32, i32
  }
  func.func @transform_1(%arg0: i32) -> (i32, i32) {
    %c0_i32 = arith.constant 0 : i32
    %c0_i32_0 = arith.constant 0 : i32
    return %arg0, %c0_i32 : i32, i32
  }
  func.func @transform_2(%arg0: i32) -> (i32, i32) {
    %c0_i32 = arith.constant 0 : i32
    %c0_i32_0 = arith.constant 0 : i32
    return %arg0, %c0_i32 : i32, i32
  }
  func.func @transform_3(%arg0: i32) -> (i32, i32) {
    %c0_i32 = arith.constant 0 : i32
    %c0_i32_0 = arith.constant 0 : i32
    %c0_i32_1 = arith.constant 0 : i32
    return %c0_i32, %c0_i32_0 : i32, i32
  }
  func.func @transform_4(%arg0: i32) -> (i32, i32, i32) {
    %c0_i32 = arith.constant 0 : i32
    %c0_i32_0 = arith.constant 0 : i32
    %c0_i32_1 = arith.constant 0 : i32
    return %arg0, %c0_i32, %c0_i32_0 : i32, i32, i32
  }
  func.func @transform_5(%arg0: i32) -> (i32, i32) {
    %c0_i32 = arith.constant 0 : i32
    %c0_i32_0 = arith.constant 0 : i32
    %c0_i32_1 = arith.constant 0 : i32
    return %c0_i32, %c0_i32_0 : i32, i32
  }
  func.func @transform_6(%arg0: i32) -> (i32, i32) {
    %c0_i32 = arith.constant 0 : i32
    %c0_i32_0 = arith.constant 0 : i32
    %c0_i32_1 = arith.constant 0 : i32
    return %c0_i32, %c0_i32_0 : i32, i32
  }
  func.func @transform_7(%arg0: i32) -> (i32, i32) {
    %c0_i32 = arith.constant 0 : i32
    %c0_i32_0 = arith.constant 0 : i32
    %c0_i32_1 = arith.constant 0 : i32
    return %c0_i32, %c0_i32_0 : i32, i32
  }
  func.func @transform_8(%arg0: i32) -> (i32, i32) {
    %c0_i32 = arith.constant 0 : i32
    %c0_i32_0 = arith.constant 0 : i32
    %c0_i32_1 = arith.constant 0 : i32
    return %c0_i32, %c0_i32_0 : i32, i32
  }
  func.func @transform_9(%arg0: i32) -> (i32, i32) {
    %c0_i32 = arith.constant 0 : i32
    %c0_i32_0 = arith.constant 0 : i32
    %c0_i32_1 = arith.constant 0 : i32
    return %c0_i32, %c0_i32_0 : i32, i32
  }
}

</mosaic_0001>

<sc_bundles>
// kernel: kernel.10.cloned.1.call-start
scs
__scs_entry_jumppad:
0x0: {  	(pc) =	sbr.rel $0x88, $3  }
0x1: {  	(tag) =	ssettag $0x0;
	lr =	simm.s32 $0x1  }
0x2: {  	[smem:$0x3F94] =	sst lr;
	_ =	strace $0xD0000000  }
0x3: {  	_ = 	snop  }
0x4: {  	_ = 	snop  }
0x5: {  	_ = 	snop  }
0x6: {  	_ = 	snop  }
0x7: {  	_ = 	snop  }
__scs_overlays_trampoline_lowered:
0x8: {  	[smem:$0x3FA3] =	sst s0  }
0x9: {  	[smem:$0x3FA4] =	sst s1  }
0xa: {  	[smem:$0x3FA5] =	sst s2  }
0xb: {  	[smem:$0x3FA6] =	sst s3  }
0xc: {  	[smem:$0x3FA7] =	sst s4  }
0xd: {  	[smem:$0x3FA8] =	sst s5  }
0xe: {  	[smem:$0x3FA9] =	sst s6  }
0xf: {  	[smem:$0x3FAA] =	sst s7  }
0x10: {  	[smem:$0x3FAB] =	sst s8  }
0x11: {  	[smem:$0x3FAC] =	sst s9;
	s0 =	simm.s32 @!p0 $0x0  }
0x12: {  	s1 =	sld [smem:$0x3F92];
	s0 =	simm.s32 @p0 $0x1  }
0x13: {  	[smem:$0x3FAD] =	sst s0;
	s0 =	simm.s32 @!p1 $0x0  }
0x14: {  	s2 =	sld [smem:$0x3F91];
	s0 =	simm.s32 @p1 $0x1  }
0x15: {  	[smem:$0x3FAE] =	sst s0;
	s0 =	simm.s32 @!p2 $0x0  }
0x16: {  	s3 =	sld [smem:$0x3FDB];
	s0 =	simm.s32 @p2 $0x1  }
0x17: {  	s4 =	simm.s32 $0x1BF5;
	[smem:$0x3FB0] =	sst s0  }
0x18: {  	s0 =	sld [smem:$0x3F93];
	_ =	swait.ge [sflag:s4], $0x0  }
0x19: {  	s7 =	sld [smem:$0x3F94]  }
0x1a: {  	s8 =	sadd.s32 $0xFFFFE003, lr  }
0x1b: {  	s9 =	sadd.s32 $0xFFFFFEF7, lr;
	s5 =	simm.s32 $0xFFFFFFFF;
	p2 =	slt.u32 s8, $0xFFFFF086  }
0x1c: {  	p1 =	slt.u32 s9, $0xF7A;
	s5 =	simm.s32 @!p2 $0x0  }
0x1d: {  	s5 =	simm.s32 @p1 $0x1;
	p0 =	seq.s32 s7, s2  }
0x1e: {  	s7 =	smul.u32 @!p0 $0xF7A, s2;
	p2 =	seq.s32 @!p0 s5, $0x0  }
0x1f: {  	s9 =	smul.u32 $0xF7A, s1;
	s8 =	simm.s32 @!p0 $0x1BF5;
	p2 =	por !p2, p0  }
0x20: {  	[sflag:s8] =	ssyncset.s32 @!p0 $0xFFFFF086;
	s6 =	sadd.s32 @!p0 s3, s7;
	s7 =	simm.s32 @!p0 $0x108  }
0x21: {  	s3 =	sadd.s32 s3, s9;
	s6 =	sadd.s32 @!p0 $0x88, s6;
	s7 =	simm.s32 @p2 $0x1082  }
0x22: {  	[simem:s7], [sflag:s8] =	dma.local @!p0 [hbm:s6], $0xF7A  }
0x23: {  	s9 =	sor.u32 $0xD0000000, s2;
	s6 =	simm.s32 $0x108;
	_ =	swait.ge @!p0 [sflag:s8], $0x0  }
0x24: {  	s3 =	sadd.s32 $0x88, s3;
	s6 =	simm.s32 @!p1 $0x1082;
	[sflag:s4] =	ssyncset.s32 $0xFFFFF086  }
0x25: {  	[simem:s6], [sflag:s4] =	dma.local [hbm:s3], $0xF7A  }
0x26: {  	[smem:$0x3F94] =	sst s1;
	(tag) =	ssettag s2;
	_ =	strace s9  }
0x27: {  	s1 =	sld [smem:$0x3FA4]  }
0x28: {  	s2 =	sld [smem:$0x3FA5]  }
0x29: {  	s4 =	sld [smem:$0x3FA7]  }
0x2a: {  	p0 =	seq.s32 s5, $0x0;
	s5 =	sld [smem:$0x3FA8]  }
0x2b: {  	s6 =	sld [smem:$0x3FA9]  }
0x2c: {  	s7 =	sld [smem:$0x3FAA]  }
0x2d: {  	s3 =	simm.s32 $0x108;
	s8 =	sld [smem:$0x3FAB]  }
0x2e: {  	s3 =	simm.s32 @!p0 $0x1082;
	s9 =	sld [smem:$0x3FAC]  }
0x2f: {  	lr =	sadd.s32 s0, s3;
	s0 =	sld [smem:$0x3FA3]  }
0x30: {  	s3 =	sld [smem:$0x3FA6]  }
0x31: {  	[smem:$0x3FAF] =	sst s10  }
0x32: {  	s10 =	sld [smem:$0x3FAD];
	_ =	sdelay $0x3  }
0x33: {  	p0 =	seq.s32 s10, $0x1;
	s10 =	sld [smem:$0x3FAF];
	_ =	sdelay $0x3  }
0x34: {  	[smem:$0x3FAF] =	sst s10  }
0x35: {  	s10 =	sld [smem:$0x3FAE];
	_ =	sdelay $0x3  }
0x36: {  	p1 =	seq.s32 s10, $0x1;
	s10 =	sld [smem:$0x3FAF];
	_ =	sdelay $0x3  }
0x37: {  	[smem:$0x3FAF] =	sst s10  }
0x38: {  	s10 =	sld [smem:$0x3FB0]  }
0x39: {  	_ = 	snop;
	(pc) =	sbr.ind lr, $3  }
0x3a: {  	_ = 	snop  }
0x3b: {  	_ = 	snop  }
0x3c: {  	p2 =	seq.s32 s10, $0x1;
	s10 =	sld [smem:$0x3FAF]  }
0x3d: {  	_ =	shalt  }
0x3e: {  	_ =	shalt  }
0x3f: {  	_ =	shalt  }
0x40: {  	_ =	shalt  }
0x41: {  	_ =	shalt  }
0x42: {  	_ =	shalt  }
0x43: {  	_ =	shalt  }
0x44: {  	_ =	shalt  }
0x45: {  	_ =	shalt  }
0x46: {  	_ =	shalt  }
0x47: {  	_ =	shalt  }
0x48: {  	_ =	shalt  }
0x49: {  	_ =	shalt  }
0x4a: {  	_ =	shalt  }
0x4b: {  	_ =	shalt  }
0x4c: {  	_ =	shalt  }
0x4d: {  	_ =	shalt  }
0x4e: {  	_ =	shalt  }
0x4f: {  	_ =	shalt  }
0x50: {  	_ =	shalt  }
0x51: {  	_ =	shalt  }
0x52: {  	_ =	shalt  }
0x53: {  	_ =	shalt  }
0x54: {  	_ =	shalt  }
0x55: {  	_ =	shalt  }
0x56: {  	_ =	shalt  }
0x57: {  	_ =	shalt  }
0x58: {  	_ =	shalt  }
0x59: {  	_ =	shalt  }
0x5a: {  	_ =	shalt  }
0x5b: {  	_ =	shalt  }
0x5c: {  	_ =	shalt  }
0x5d: {  	_ =	shalt  }
0x5e: {  	_ =	shalt  }
0x5f: {  	_ =	shalt  }
0x60: {  	_ =	shalt  }
0x61: {  	_ =	shalt  }
0x62: {  	_ =	shalt  }
0x63: {  	_ =	shalt  }
0x64: {  	_ =	shalt  }
0x65: {  	_ =	shalt  }
0x66: {  	_ =	shalt  }
0x67: {  	_ =	shalt  }
0x68: {  	_ =	shalt  }
0x69: {  	_ =	shalt  }
0x6a: {  	_ =	shalt  }
0x6b: {  	_ =	shalt  }
0x6c: {  	_ =	shalt  }
0x6d: {  	_ =	shalt  }
0x6e: {  	_ =	shalt  }
0x6f: {  	_ =	shalt  }
0x70: {  	_ =	shalt  }
0x71: {  	_ =	shalt  }
0x72: {  	_ =	shalt  }
0x73: {  	_ =	shalt  }
0x74: {  	_ =	shalt  }
0x75: {  	_ =	shalt  }
0x76: {  	_ =	shalt  }
0x77: {  	_ =	shalt  }
0x78: {  	_ =	shalt  }
0x79: {  	_ =	shalt  }
0x7a: {  	_ =	shalt  }
0x7b: {  	_ =	shalt  }
0x7c: {  	_ =	shalt  }
0x7d: {  	_ =	shalt  }
0x7e: {  	_ =	shalt  }
0x7f: {  	_ =	shalt  }
0x80: {  	_ =	shalt  }
0x81: {  	_ =	shalt  }
0x82: {  	_ =	shalt  }
0x83: {  	_ =	shalt  }
0x84: {  	_ =	shalt  }
0x85: {  	_ =	shalt  }
0x86: {  	_ =	shalt  }
0x87: {  	_ =	shalt  }
.Lfunc_end0:
.L_simem_size_0:
called_computation_lowered:
.L_overlay_start_0:
0x88: {  	s2 =	sld [smem:$0x3FD9]  }
0x89: {  	s3 =	sld [smem:$0x3FFE];
	_ =	sdelay $0x1  }
0x8a: {  	s1 =	srdreg.scid  }
0x8b: {  	s0 =	sand.u32 $0x1, s1  }
0x8c: {  	s16 =	sshll.u32 s0, $0xA;
	s2 =	sadd.s32 s3, s2  }
0x8d: {  	s2 =	sadd.s32 s2, s16  }
0x8e: {  	[smem:$0x3FBB] =	sst s2  }
0x8f: {  	_ = 	snop  }
0x90: {  	(tm) =	ssettm $0x1  }
0x91: {  	s17 =	sld [smem:$0x3FFB];
	_ =	sdelay $0x3  }
0x92: {  	_ =	strace s17  }
0x93: {  	s2 =	sld [smem:$0x3FFC];
	_ =	sdelay $0x3  }
0x94: {  	_ =	strace s2  }
0x95: {  	s2 =	sld [smem:$0x3FFD];
	_ =	sdelay $0x3  }
0x96: {  	_ =	strace s2  }
0x97: {  	_ =	strace $0x8FFFFFFF  }
0x98: {  	s18 =	sld [smem:$0x3FDB];
	_ =	sdelay $0x1  }
0x99: {  	s19 =	simm.s32 $_scs_section_size  }
0x9a: {  	s4 =	simm.s32 $_size__tile_overlayer_lowered;
	s5 =	simm.s32 $_tile_overlayer_lowered  }
0x9b: {  	s22 =	simm.s32 $0x1BFF;
	s21 =	sshll.u32 s5, $0x1;
	s2 =	sadd.s32 s19, s18  }
0x9c: {  	s6 =	simm.s32 $0x0;
	s20 =	sshll.u32 s4, $0x1;
	s4 =	sadd.s32 s21, s2  }
0x9d: {  	[timem:s6], [sflag:s22] =	dma.local [hbm:s4], s20  }
0x9e: {  	_ =	swait.ge [sflag:s22], s20  }
0x9f: {  	s3 =	ssub.s32 $0x0, s20;
	[sflag:s22] =	ssyncset.done $0x0  }
0xa0: {  	[sflag:s22] =	ssyncadd.s32 s3;
	_ =	sdelay $0x1  }
0xa1: {  	s23 =	simm.s32 $0x1B8B  }
0xa2: {  	_ =	swait.ge [sflag:s23], $0x1  }
0xa3: {  	[sflag:s23] =	ssyncset.done $0x0  }
0xa4: {  	s25 =	simm.s32 $0x1B8E;
	s24 =	sld [smem:$0x3FFE];
	[sflag:s23] =	ssyncadd.s32 $0xFFFFFFFF  }
0xa5: {  	s26 =	simm.s32 $execute0_lowered;
	[smem:$0x3FD2] =	sst s25  }
0xa6: {  	s4 =	sshll.u32 s26, $0x1;
	_ =	strace $0x80000046;
	[dreg:$0x1] =	wrdreg $0xFFFFFFFF  }
0xa7: {  	s28 =	simm.s32 $_size_execute0_lowered;
	s2 =	sadd.s32 s2, s4;
	[dreg:$0x0] =	wrdreg $0x0  }
0xa8: {  	s4 =	sshll.u32 s28, $0x1;
	[dreg:$0x2] =	wrdreg s2  }
0xa9: {  	[dreg:$0x3] =	wrdreg s4  }
0xaa: {  	[dreg:$0x4] =	wrdreg $0xC0  }
0xab: {  	_ =	task [dreg:s6], $0x5FFFF  }
0xac: {  	[dreg:$0x1] =	wrdreg $0xFFFFFFFF  }
0xad: {  	[dreg:$0x0] =	wrdreg $0x60  }
0xae: {  	[dreg:$0x2] =	wrdreg s24  }
0xaf: {  	[dreg:$0x3] =	wrdreg $0x30000  }
0xb0: {  	[dreg:$0x4] =	wrdreg $0x9  }
0xb1: {  	_ =	task.clear_ibuf [dreg:s6], $0x5FFFF;
	_ =	strace $0x90000046  }
0xb2: {  	s29 =	simm.s32 $0x9;
	_ =	strace $0x80000048  }
0xb3: {  	_ =	swait.ge [sflag:s29], $0x1  }
0xb4: {  	[sflag:s29] =	ssyncadd.s32 $0xFFFFFFFF  }
0xb5: {  	_ =	strace $0x90000048  }
0xb6: {  	_ =	sfence  }
0xb7: {  	s30 =	sld [smem:$0x0];
	_ =	sdelay $0x2  }
0xb8: {  	s31 =	sshll.u32 s1, $0xD;
	s1 =	sshrl.u32 s1, $0x2  }
0xb9: {  	s3 =	sand.u32 $0x4000, s31;
	s1 =	sadd.s32 s1, s30  }
0xba: {  	s0 =	sor.u32 s3, s0;
	s1 =	sshll.u32 s1, $0x11  }
0xbb: {  	s0 =	sor.u32 s1, s0  }
0xbc: {  	s0 =	sadd.s32 $0x8F2B, s0  }
0xbd: {  	[sflag:s0] =	ssyncadd.remote.s32 $0x1  }
0xbe: {  	_ =	sfence.sel $0xFFFF  }
0xbf: {  	[dreg:$0x0] =	wrdreg $0xFFFFFFFF;
	(pc) =	sbr.abs _section_cstart, $3  }
0xc0: {  	[dreg:$0x1] =	wrdreg $0xFFFFFFFF  }
0xc1: {  	_ =	task.clear_ibuf [dreg:s6], $0x2FFFF;
	_ =	strace $0x9FFFFFFF  }
0xc2: {  	(tm) =	ssettm $0x7FFFFFFF  }
0xc3: {  	_ =	shalt  }
tec
execute0_lowered:
.L_overlay_start_1:
0x0: {  	(tag) =	ssettag $0x1  }
0x1: {  	s1 =	srdreg.scid;
	s6 =	rddreg [dreg:$0x0]  }
0x2: {  	s0 =	stileid.u32;
	s2 =	rddreg [dreg:$0x1]  }
0x3: {  	s3 =	simm.s32 $0x0;
	s21 =	simm.s32 $0x80;
	s22 =	simm.s32 $0x0  }
0x4: {  	s8 =	sand.u32 $0x1, s1;
	s30 =	sshll.u32 s0, $0x1;
	s1 =	rddreg [dreg:$0x2]  }
0x5: {  	[smem:$0x7FF] =	sst s3;
	s11 =	smul.u32 $0x1400, s0;
	s5 =	sadd.s32 $0xC600, s6  }
0x6: {  	s16 =	sadd.s32 $0xCA00, s6;
	s4 =	sor.u32 s8, s30;
	s15 =	smul.u32 $0x14000, s8  }
0x7: {  	_ =	strace $0x80000047;
	s9 =	ssub.s32 $0x2, s8;
	s4 =	smul.u32 $0x500, s4  }
0x8: {  	s31 =	sshrl.u32 s9, $0x1;
	s12 =	sadd.s32 $0x400, s11;
	s14 =	sadd.s32 $0x800, s11  }
0x9: {  	s18 =	sadd.s32 $0xC00, s11;
	s19 =	sadd.s32 $0x1000, s11;
	s17 =	ssub.s32 s9, s31  }
0xa: {  	s8 =	sadd.s32 s12, s2;
	s9 =	sadd.s32 s14, s2;
	s10 =	sadd.s32 s18, s2  }
0xb: {  	s13 =	sadd.s32 s11, s15;
	s12 =	sadd.s32 s15, s12;
	s14 =	sadd.s32 s15, s14  }
0xc: {  	s18 =	sadd.s32 s15, s18;
	s15 =	sadd.s32 s15, s19;
	s7 =	sadd.s32 s4, s6  }
0xd: {  	s4 =	sadd.s32 $0xC800, s6;
	s13 =	sshrl.u32 s13, $0x3;
	s20 =	sshrl.u32 s12, $0x3  }
0xe: {  	s14 =	sshrl.u32 s14, $0x3;
	s18 =	sshrl.u32 s18, $0x3;
	s17 =	smax.u32 s17, $0x1  }
0xf: {  	s6 =	sadd.s32 $0x2600, s7;
	s7 =	sadd.s32 s11, s2;
	s11 =	sadd.s32 s19, s2  }
0x10: {  	s12 =	sadd.s32 s16, s13;
	s13 =	sadd.s32 s16, s20;
	s19 =	sshrl.u32 s15, $0x3  }
0x11: {  	s14 =	sadd.s32 s16, s14;
	s15 =	sadd.s32 s16, s18;
	s18 =	simm.s32 $0x1  }
0x12: {  	s20 =	simm.s32 $0x2C00;
	s16 =	sadd.s32 s16, s19;
	s19 =	simm.s32 $0x2800  }
.LBB2_1:
0x13: {  	[tilespmem:s3], [sflag:$0x1] =	stream.linear.gather [hbm4b:s6+s3], $0x2800, $0x38;
	[tilespmem:$0x4400] =	vst v63  }
0x14: {  	_ =	swait.ge [sflag:s18], $0x2800  }
0x15: {  	[sflag:s18] =	ssyncset.done $0x0  }
0x16: {  	[sflag:s18] =	ssyncadd.s32 $0xFFFFD800  }
0x17: {  	[tilespmem:s19], [sflag:$0x1] =	stream.linear.gather [hbm4b:s4+s3], $0x400, $0x38;
	[tilespmem:$0x4400] =	vst v63  }
0x18: {  	_ =	swait.ge [sflag:s18], $0x400  }
0x19: {  	[sflag:s18] =	ssyncset.done $0x0  }
0x1a: {  	[sflag:s18] =	ssyncadd.s32 $0xFFFFFC00  }
0x1b: {  	[tilespmem:s20], [sflag:$0x1] =	stream.linear.gather [hbm4b:s5+s3], $0x400, $0x38;
	[tilespmem:$0x4400] =	vst v63  }
0x1c: {  	_ =	swait.ge [sflag:s18], $0x400  }
0x1d: {  	[sflag:s18] =	ssyncset.done $0x0  }
0x1e: {  	[sflag:s18] =	ssyncadd.s32 $0xFFFFFC00  }
0x1f: {  	[spmem:s7] =	stream.linear.scatter [tilespmem:s20], [sflag:$0x1], $0x400, $0x38;
	[tilespmem:$0x4400] =	vst v63  }
0x20: {  	_ =	swait.ge [sflag:s18], $0x400  }
0x21: {  	[sflag:s18] =	ssyncset.done $0x0  }
0x22: {  	[sflag:s18] =	ssyncadd.s32 $0xFFFFFC00  }
0x23: {  	[spmem:s8] =	stream.linear.scatter [tilespmem:s20], [sflag:$0x1], $0x400, $0x38;
	[tilespmem:$0x4400] =	vst v63  }
0x24: {  	_ =	swait.ge [sflag:s18], $0x400  }
0x25: {  	[sflag:s18] =	ssyncset.done $0x0  }
0x26: {  	[sflag:s18] =	ssyncadd.s32 $0xFFFFFC00  }
0x27: {  	[spmem:s9] =	stream.linear.scatter [tilespmem:s20], [sflag:$0x1], $0x400, $0x38;
	[tilespmem:$0x4400] =	vst v63  }
0x28: {  	_ =	swait.ge [sflag:s18], $0x400  }
0x29: {  	[sflag:s18] =	ssyncset.done $0x0  }
0x2a: {  	[sflag:s18] =	ssyncadd.s32 $0xFFFFFC00  }
0x2b: {  	[spmem:s10] =	stream.linear.scatter [tilespmem:s20], [sflag:$0x1], $0x400, $0x38;
	[tilespmem:$0x4400] =	vst v63  }
0x2c: {  	_ =	swait.ge [sflag:s18], $0x400  }
0x2d: {  	[sflag:s18] =	ssyncset.done $0x0  }
0x2e: {  	[sflag:s18] =	ssyncadd.s32 $0xFFFFFC00  }
0x2f: {  	[spmem:s11] =	stream.linear.scatter [tilespmem:s20], [sflag:$0x1], $0x400, $0x38;
	[tilespmem:$0x4400] =	vst v63  }
0x30: {  	_ =	swait.ge [sflag:s18], $0x400  }
0x31: {  	[sflag:s18] =	ssyncset.done $0x0  }
0x32: {  	[sflag:s18] =	ssyncadd.s32 $0xFFFFFC00  }
0x33: {  	s23 =	simm.s32 $0x0;
	[bflag:$0x0] =	sbarrier.arrive $0xFFFF  }
0x34: {  	[spmem:s2] =	stream.indirect.scatter.add.f32 [tilespmem:s19], [sflag:$0x1], $0x8, s23, s21, $0xb8;
	[tilespmem:$0x4400] =	vst v63  }
0x35: {  	_ =	swait.ge [sflag:s18], $0x400  }
0x36: {  	s23 =	simm.s32 $0x200;
	[sflag:s18] =	ssyncset.done $0x0  }
.LBB2_2:
0x37: {  	s24 =	sshra.s32 s23, $0x2;
	[sflag:s18] =	ssyncadd.s32 $0xFFFFFC00;
	p0 =	sne.s32 s23, $0x9E00  }
0x38: {  	[spmem:s2] =	stream.indirect.scatter.add.f32 [tilespmem:s19], [sflag:$0x1], $0x8, s24, s21, $0xb8;
	[tilespmem:$0x4400] =	vst v63  }
.Ltmp0:
0x39: {  	_ = 	snop;
	(pc) =	sbr.rel @p0 .LBB2_2-.Ltmp0, $4  }
0x3a: {  	_ = 	snop  }
0x3b: {  	s23 =	sadd.s32 $0x200, s23  }
0x3c: {  	_ =	swait.ge [sflag:s18], $0x400  }
0x3d: {  	[sflag:s18] =	ssyncset.done $0x0  }
0x3e: {  	[sflag:s18] =	ssyncadd.s32 $0xFFFFFC00;
	s23 =	sshll.u32 s0, $0x6  }
0x3f: {  	s24 =	sshrl.u32 s7, $0x3;
	[bflag:$0x0] =	sbarrier.arrive $0xFFFF;
	s23 =	sor.u32 $0x1C01, s23  }
0x40: {  	[hbm:s12], [sflag:s23] =	dma.local [spmem:s24], $0x80  }
0x41: {  	_ =	swait.ge [sflag:s18], $0x80  }
0x42: {  	[sflag:s18] =	ssyncset.done $0x0  }
0x43: {  	s28 =	sshrl.u32 s8, $0x3;
	[sflag:s18] =	ssyncadd.s32 $0xFFFFFF80  }
0x44: {  	[hbm:s13], [sflag:s23] =	dma.local [spmem:s28], $0x80  }
0x45: {  	_ =	swait.ge [sflag:s18], $0x80  }
0x46: {  	[sflag:s18] =	ssyncset.done $0x0  }
0x47: {  	s29 =	sshrl.u32 s9, $0x3;
	[sflag:s18] =	ssyncadd.s32 $0xFFFFFF80  }
0x48: {  	[hbm:s14], [sflag:s23] =	dma.local [spmem:s29], $0x80  }
0x49: {  	_ =	swait.ge [sflag:s18], $0x80  }
0x4a: {  	[sflag:s18] =	ssyncset.done $0x0  }
0x4b: {  	s30 =	sshrl.u32 s10, $0x3;
	[sflag:s18] =	ssyncadd.s32 $0xFFFFFF80  }
0x4c: {  	[hbm:s15], [sflag:s23] =	dma.local [spmem:s30], $0x80  }
0x4d: {  	s22 =	sadd.s32 $0x1, s22;
	_ =	swait.ge [sflag:s18], $0x80  }
0x4e: {  	p0 =	sne.s32 s22, s17;
	[sflag:s18] =	ssyncset.done $0x0  }
.Ltmp1:
0x4f: {  	s31 =	sshrl.u32 s11, $0x3;
	[sflag:s18] =	ssyncadd.s32 $0xFFFFFF80;
	(pc) =	sbr.rel @p0 .LBB2_1-.Ltmp1, $4  }
0x50: {  	[hbm:s16], [sflag:s23] =	dma.local [spmem:s31], $0x80  }
0x51: {  	_ =	swait.ge [sflag:s18], $0x80  }
0x52: {  	[sflag:s18] =	ssyncset.done $0x0  }
0x53: {  	[sflag:s18] =	ssyncadd.s32 $0xFFFFFF80  }
0x54: {  	_ =	sfence.sel $0x180000  }
0x55: {  	[bflag:$0x0] =	sbarrier.arrive $0xFFFF  }
0x56: {  	p0 =	sne.s32 s0, $0x0;
	_ =	strace $0x90000047  }
0x57: {  	s0 =	sadd.s32 @!p0 $0x100000, s1;
	[bflag:$0x2] =	sbarrier.arrive $0xFFFF  }
0x58: {  	[sflag:s0] =	ssyncadd.tile.s32 @!p0 $0x1;
	_ =	shalt  }
.Lfunc_end2:
_tile_overlayer_lowered:
.L_overlay_start_2:
0x59: {  	(tag) =	ssettag $0x2  }
0x5a: {  	s0 =	rddreg [dreg:$0x0];
	s2 =	stileid.u32  }
0x5b: {  	s1 =	rddreg [dreg:$0x1];
	p0 =	sne.s32 s2, $0x0  }
0x5c: {  	s3 =	rddreg [dreg:$0x2];
	[bflag:$0x3] =	sbarrier.arrive $0xFFFF;
	s2 =	simm.s32 @!p0 $0x1C01  }
0x5d: {  	[timem:s3], [sflag:s2] =	dma.local @!p0 [hbm:s0], s1  }
0x5e: {  	s0 =	simm.s32 @!p0 $0x1  }
0x5f: {  	_ =	swait.ge @!p0 [sflag:s0], s1  }
0x60: {  	s1 =	ssub.s32 @!p0 $0x0, s1;
	[sflag:s0] =	ssyncset.done @!p0 $0x0  }
0x61: {  	[sflag:s0] =	ssyncadd.s32 @!p0 s1  }
0x62: {  	[bflag:$0x3] =	sbarrier.arrive $0xFFFF  }
0x63: {  	_ =	shalt  }

// kernel: kernel.13.cloned.1.call-start
scs
__scs_entry_jumppad:
0x0: {  	(pc) =	sbr.rel $0x88, $3  }
0x1: {  	(tag) =	ssettag $0x0;
	lr =	simm.s32 $0x1  }
0x2: {  	[smem:$0x3F94] =	sst lr;
	_ =	strace $0xD0000000  }
0x3: {  	_ = 	snop  }
0x4: {  	_ = 	snop  }
0x5: {  	_ = 	snop  }
0x6: {  	_ = 	snop  }
0x7: {  	_ = 	snop  }
__scs_overlays_trampoline_lowered:
0x8: {  	[smem:$0x3FA3] =	sst s0  }
0x9: {  	[smem:$0x3FA4] =	sst s1  }
0xa: {  	[smem:$0x3FA5] =	sst s2  }
0xb: {  	[smem:$0x3FA6] =	sst s3  }
0xc: {  	[smem:$0x3FA7] =	sst s4  }
0xd: {  	[smem:$0x3FA8] =	sst s5  }
0xe: {  	[smem:$0x3FA9] =	sst s6  }
0xf: {  	[smem:$0x3FAA] =	sst s7  }
0x10: {  	[smem:$0x3FAB] =	sst s8  }
0x11: {  	[smem:$0x3FAC] =	sst s9;
	s0 =	simm.s32 @!p0 $0x0  }
0x12: {  	s1 =	sld [smem:$0x3F92];
	s0 =	simm.s32 @p0 $0x1  }
0x13: {  	[smem:$0x3FAD] =	sst s0;
	s0 =	simm.s32 @!p1 $0x0  }
0x14: {  	s2 =	sld [smem:$0x3F91];
	s0 =	simm.s32 @p1 $0x1  }
0x15: {  	[smem:$0x3FAE] =	sst s0;
	s0 =	simm.s32 @!p2 $0x0  }
0x16: {  	s3 =	sld [smem:$0x3FDB];
	s0 =	simm.s32 @p2 $0x1  }
0x17: {  	s4 =	simm.s32 $0x1BF5;
	[smem:$0x3FB0] =	sst s0  }
0x18: {  	s0 =	sld [smem:$0x3F93];
	_ =	swait.ge [sflag:s4], $0x0  }
0x19: {  	s7 =	sld [smem:$0x3F94]  }
0x1a: {  	s8 =	sadd.s32 $0xFFFFE003, lr  }
0x1b: {  	s9 =	sadd.s32 $0xFFFFFEF7, lr;
	s5 =	simm.s32 $0xFFFFFFFF;
	p2 =	slt.u32 s8, $0xFFFFF086  }
0x1c: {  	p1 =	slt.u32 s9, $0xF7A;
	s5 =	simm.s32 @!p2 $0x0  }
0x1d: {  	s5 =	simm.s32 @p1 $0x1;
	p0 =	seq.s32 s7, s2  }
0x1e: {  	s7 =	smul.u32 @!p0 $0xF7A, s2;
	p2 =	seq.s32 @!p0 s5, $0x0  }
0x1f: {  	s9 =	smul.u32 $0xF7A, s1;
	s8 =	simm.s32 @!p0 $0x1BF5;
	p2 =	por !p2, p0  }
0x20: {  	[sflag:s8] =	ssyncset.s32 @!p0 $0xFFFFF086;
	s6 =	sadd.s32 @!p0 s3, s7;
	s7 =	simm.s32 @!p0 $0x108  }
0x21: {  	s3 =	sadd.s32 s3, s9;
	s6 =	sadd.s32 @!p0 $0x88, s6;
	s7 =	simm.s32 @p2 $0x1082  }
0x22: {  	[simem:s7], [sflag:s8] =	dma.local @!p0 [hbm:s6], $0xF7A  }
0x23: {  	s9 =	sor.u32 $0xD0000000, s2;
	s6 =	simm.s32 $0x108;
	_ =	swait.ge @!p0 [sflag:s8], $0x0  }
0x24: {  	s3 =	sadd.s32 $0x88, s3;
	s6 =	simm.s32 @!p1 $0x1082;
	[sflag:s4] =	ssyncset.s32 $0xFFFFF086  }
0x25: {  	[simem:s6], [sflag:s4] =	dma.local [hbm:s3], $0xF7A  }
0x26: {  	[smem:$0x3F94] =	sst s1;
	(tag) =	ssettag s2;
	_ =	strace s9  }
0x27: {  	s1 =	sld [smem:$0x3FA4]  }
0x28: {  	s2 =	sld [smem:$0x3FA5]  }
0x29: {  	s4 =	sld [smem:$0x3FA7]  }
0x2a: {  	p0 =	seq.s32 s5, $0x0;
	s5 =	sld [smem:$0x3FA8]  }
0x2b: {  	s6 =	sld [smem:$0x3FA9]  }
0x2c: {  	s7 =	sld [smem:$0x3FAA]  }
0x2d: {  	s3 =	simm.s32 $0x108;
	s8 =	sld [smem:$0x3FAB]  }
0x2e: {  	s3 =	simm.s32 @!p0 $0x1082;
	s9 =	sld [smem:$0x3FAC]  }
0x2f: {  	lr =	sadd.s32 s0, s3;
	s0 =	sld [smem:$0x3FA3]  }
0x30: {  	s3 =	sld [smem:$0x3FA6]  }
0x31: {  	[smem:$0x3FAF] =	sst s10  }
0x32: {  	s10 =	sld [smem:$0x3FAD];
	_ =	sdelay $0x3  }
0x33: {  	p0 =	seq.s32 s10, $0x1;
	s10 =	sld [smem:$0x3FAF];
	_ =	sdelay $0x3  }
0x34: {  	[smem:$0x3FAF] =	sst s10  }
0x35: {  	s10 =	sld [smem:$0x3FAE];
	_ =	sdelay $0x3  }
0x36: {  	p1 =	seq.s32 s10, $0x1;
	s10 =	sld [smem:$0x3FAF];
	_ =	sdelay $0x3  }
0x37: {  	[smem:$0x3FAF] =	sst s10  }
0x38: {  	s10 =	sld [smem:$0x3FB0]  }
0x39: {  	_ = 	snop;
	(pc) =	sbr.ind lr, $3  }
0x3a: {  	_ = 	snop  }
0x3b: {  	_ = 	snop  }
0x3c: {  	p2 =	seq.s32 s10, $0x1;
	s10 =	sld [smem:$0x3FAF]  }
0x3d: {  	_ =	shalt  }
0x3e: {  	_ =	shalt  }
0x3f: {  	_ =	shalt  }
0x40: {  	_ =	shalt  }
0x41: {  	_ =	shalt  }
0x42: {  	_ =	shalt  }
0x43: {  	_ =	shalt  }
0x44: {  	_ =	shalt  }
0x45: {  	_ =	shalt  }
0x46: {  	_ =	shalt  }
0x47: {  	_ =	shalt  }
0x48: {  	_ =	shalt  }
0x49: {  	_ =	shalt  }
0x4a: {  	_ =	shalt  }
0x4b: {  	_ =	shalt  }
0x4c: {  	_ =	shalt  }
0x4d: {  	_ =	shalt  }
0x4e: {  	_ =	shalt  }
0x4f: {  	_ =	shalt  }
0x50: {  	_ =	shalt  }
0x51: {  	_ =	shalt  }
0x52: {  	_ =	shalt  }
0x53: {  	_ =	shalt  }
0x54: {  	_ =	shalt  }
0x55: {  	_ =	shalt  }
0x56: {  	_ =	shalt  }
0x57: {  	_ =	shalt  }
0x58: {  	_ =	shalt  }
0x59: {  	_ =	shalt  }
0x5a: {  	_ =	shalt  }
0x5b: {  	_ =	shalt  }
0x5c: {  	_ =	shalt  }
0x5d: {  	_ =	shalt  }
0x5e: {  	_ =	shalt  }
0x5f: {  	_ =	shalt  }
0x60: {  	_ =	shalt  }
0x61: {  	_ =	shalt  }
0x62: {  	_ =	shalt  }
0x63: {  	_ =	shalt  }
0x64: {  	_ =	shalt  }
0x65: {  	_ =	shalt  }
0x66: {  	_ =	shalt  }
0x67: {  	_ =	shalt  }
0x68: {  	_ =	shalt  }
0x69: {  	_ =	shalt  }
0x6a: {  	_ =	shalt  }
0x6b: {  	_ =	shalt  }
0x6c: {  	_ =	shalt  }
0x6d: {  	_ =	shalt  }
0x6e: {  	_ =	shalt  }
0x6f: {  	_ =	shalt  }
0x70: {  	_ =	shalt  }
0x71: {  	_ =	shalt  }
0x72: {  	_ =	shalt  }
0x73: {  	_ =	shalt  }
0x74: {  	_ =	shalt  }
0x75: {  	_ =	shalt  }
0x76: {  	_ =	shalt  }
0x77: {  	_ =	shalt  }
0x78: {  	_ =	shalt  }
0x79: {  	_ =	shalt  }
0x7a: {  	_ =	shalt  }
0x7b: {  	_ =	shalt  }
0x7c: {  	_ =	shalt  }
0x7d: {  	_ =	shalt  }
0x7e: {  	_ =	shalt  }
0x7f: {  	_ =	shalt  }
0x80: {  	_ =	shalt  }
0x81: {  	_ =	shalt  }
0x82: {  	_ =	shalt  }
0x83: {  	_ =	shalt  }
0x84: {  	_ =	shalt  }
0x85: {  	_ =	shalt  }
0x86: {  	_ =	shalt  }
0x87: {  	_ =	shalt  }
.Lfunc_end0:
.L_simem_size_0:
called_computation.1_lowered:
.L_overlay_start_0:
0x88: {  	s2 =	sld [smem:$0x3FD9]  }
0x89: {  	s3 =	sld [smem:$0x3FFE];
	_ =	sdelay $0x1  }
0x8a: {  	s1 =	srdreg.scid  }
0x8b: {  	s0 =	sand.u32 $0x1, s1  }
0x8c: {  	s16 =	sshll.u32 s0, $0xA;
	s2 =	sadd.s32 s3, s2  }
0x8d: {  	s2 =	sadd.s32 s2, s16  }
0x8e: {  	[smem:$0x3FBB] =	sst s2  }
0x8f: {  	_ = 	snop  }
0x90: {  	(tm) =	ssettm $0x1  }
0x91: {  	s17 =	sld [smem:$0x3FFB];
	_ =	sdelay $0x3  }
0x92: {  	_ =	strace s17  }
0x93: {  	s2 =	sld [smem:$0x3FFC];
	_ =	sdelay $0x3  }
0x94: {  	_ =	strace s2  }
0x95: {  	s2 =	sld [smem:$0x3FFD];
	_ =	sdelay $0x3  }
0x96: {  	_ =	strace s2  }
0x97: {  	_ =	strace $0x8FFFFFFF  }
0x98: {  	s18 =	sld [smem:$0x3FDB];
	_ =	sdelay $0x1  }
0x99: {  	s19 =	simm.s32 $_scs_section_size  }
0x9a: {  	s4 =	simm.s32 $_size__tile_overlayer_lowered;
	s5 =	simm.s32 $_tile_overlayer_lowered  }
0x9b: {  	s22 =	simm.s32 $0x1BFF;
	s21 =	sshll.u32 s5, $0x1;
	s2 =	sadd.s32 s19, s18  }
0x9c: {  	s6 =	simm.s32 $0x0;
	s20 =	sshll.u32 s4, $0x1;
	s4 =	sadd.s32 s21, s2  }
0x9d: {  	[timem:s6], [sflag:s22] =	dma.local [hbm:s4], s20  }
0x9e: {  	_ =	swait.ge [sflag:s22], s20  }
0x9f: {  	s3 =	ssub.s32 $0x0, s20;
	[sflag:s22] =	ssyncset.done $0x0  }
0xa0: {  	[sflag:s22] =	ssyncadd.s32 s3;
	_ =	sdelay $0x1  }
0xa1: {  	s23 =	simm.s32 $0x1B8B  }
0xa2: {  	_ =	swait.ge [sflag:s23], $0x1  }
0xa3: {  	[sflag:s23] =	ssyncset.done $0x0  }
0xa4: {  	s25 =	simm.s32 $0x1B8E;
	s24 =	sld [smem:$0x3FFE];
	[sflag:s23] =	ssyncadd.s32 $0xFFFFFFFF  }
0xa5: {  	s26 =	simm.s32 $execute0_lowered;
	[smem:$0x3FD2] =	sst s25  }
0xa6: {  	s4 =	sshll.u32 s26, $0x1;
	_ =	strace $0x80000049;
	[dreg:$0x1] =	wrdreg $0xFFFFFFFF  }
0xa7: {  	s28 =	simm.s32 $_size_execute0_lowered;
	s2 =	sadd.s32 s2, s4;
	[dreg:$0x0] =	wrdreg $0x0  }
0xa8: {  	s4 =	sshll.u32 s28, $0x1;
	[dreg:$0x2] =	wrdreg s2  }
0xa9: {  	[dreg:$0x3] =	wrdreg s4  }
0xaa: {  	[dreg:$0x4] =	wrdreg $0xC0  }
0xab: {  	_ =	task [dreg:s6], $0x5FFFF  }
0xac: {  	[dreg:$0x1] =	wrdreg $0xFFFFFFFF  }
0xad: {  	[dreg:$0x0] =	wrdreg $0x60  }
0xae: {  	[dreg:$0x2] =	wrdreg s24  }
0xaf: {  	[dreg:$0x3] =	wrdreg $0xB0000  }
0xb0: {  	[dreg:$0x4] =	wrdreg $0x9  }
0xb1: {  	_ =	task.clear_ibuf [dreg:s6], $0x5FFFF;
	_ =	strace $0x90000049  }
0xb2: {  	s29 =	simm.s32 $0x9;
	_ =	strace $0x8000004B  }
0xb3: {  	_ =	swait.ge [sflag:s29], $0x1  }
0xb4: {  	[sflag:s29] =	ssyncadd.s32 $0xFFFFFFFF  }
0xb5: {  	_ =	strace $0x9000004B  }
0xb6: {  	_ =	sfence  }
0xb7: {  	s30 =	sld [smem:$0x0];
	_ =	sdelay $0x2  }
0xb8: {  	s31 =	sshll.u32 s1, $0xD;
	s1 =	sshrl.u32 s1, $0x2  }
0xb9: {  	s3 =	sand.u32 $0x4000, s31;
	s1 =	sadd.s32 s1, s30  }
0xba: {  	s0 =	sor.u32 s3, s0;
	s1 =	sshll.u32 s1, $0x11  }
0xbb: {  	s0 =	sor.u32 s1, s0  }
0xbc: {  	s0 =	sadd.s32 $0x8F2B, s0  }
0xbd: {  	[sflag:s0] =	ssyncadd.remote.s32 $0x1  }
0xbe: {  	_ =	sfence.sel $0xFFFF  }
0xbf: {  	[dreg:$0x0] =	wrdreg $0xFFFFFFFF;
	(pc) =	sbr.abs _section_cstart, $3  }
0xc0: {  	[dreg:$0x1] =	wrdreg $0xFFFFFFFF  }
0xc1: {  	_ =	task.clear_ibuf [dreg:s6], $0x2FFFF;
	_ =	strace $0x9FFFFFFF  }
0xc2: {  	(tm) =	ssettm $0x7FFFFFFF  }
0xc3: {  	_ =	shalt  }
tec
execute0_lowered:
.L_overlay_start_1:
0x0: {  	(tag) =	ssettag $0x1  }
0x1: {  	s6 =	rddreg [dreg:$0x0];
	s1 =	srdreg.scid  }
0x2: {  	s0 =	stileid.u32;
	s2 =	rddreg [dreg:$0x1];
	s3 =	simm.s32 $0x0  }
0x3: {  	s22 =	simm.s32 $0x80;
	s23 =	simm.s32 $0x5000;
	s24 =	simm.s32 $0x7000  }
0x4: {  	s25 =	simm.s32 $0x1;
	s26 =	simm.s32 $0x2;
	s28 =	simm.s32 $0x0  }
0x5: {  	s9 =	sand.u32 $0x1, s1;
	s4 =	sshll.u32 s0, $0x1;
	[smem:$0x7FF] =	sst s3  }
0x6: {  	s12 =	smul.u32 $0xA000, s0;
	s17 =	sadd.s32 $0x2FA00, s6;
	s4 =	sor.u32 s9, s4  }
0x7: {  	_ =	strace $0x8000004A;
	s8 =	ssub.s32 $0x2, s9;
	s19 =	smul.u32 $0xA0000, s9  }
0x8: {  	s5 =	smul.u32 $0x500, s4;
	s4 =	sadd.s32 $0x1BA00, s6;
	s10 =	sshrl.u32 s8, $0x1  }
0x9: {  	s13 =	sadd.s32 $0x2000, s12;
	s15 =	sadd.s32 $0x4000, s12;
	s16 =	sadd.s32 $0x6000, s12  }
0xa: {  	s20 =	sadd.s32 $0x8000, s12;
	s18 =	ssub.s32 s8, s10;
	s8 =	sadd.s32 s12, s2  }
0xb: {  	s9 =	sadd.s32 s13, s2;
	s10 =	sadd.s32 s15, s2;
	s11 =	sadd.s32 s16, s2  }
0xc: {  	s14 =	sadd.s32 s12, s19;
	s13 =	sadd.s32 s19, s13;
	s12 =	sadd.s32 s20, s2  }
0xd: {  	s15 =	sadd.s32 s19, s15;
	s16 =	sadd.s32 s19, s16;
	s19 =	sadd.s32 s19, s20  }
0xe: {  	s20 =	simm.s32 $0x2800;
	s7 =	sadd.s32 s5, s6;
	s5 =	sadd.s32 $0xC600, s6  }
0xf: {  	s14 =	sshrl.u32 s14, $0x3;
	s21 =	sshrl.u32 s13, $0x3;
	s15 =	sshrl.u32 s15, $0x3  }
0x10: {  	s16 =	sshrl.u32 s16, $0x3;
	s19 =	sshrl.u32 s19, $0x3;
	s18 =	smax.u32 s18, $0x1  }
0x11: {  	s6 =	sadd.s32 $0x11A00, s7;
	s7 =	sadd.s32 $0x2600, s7;
	s13 =	sadd.s32 s17, s14  }
0x12: {  	s14 =	sadd.s32 s17, s21;
	s15 =	sadd.s32 s17, s15;
	s16 =	sadd.s32 s17, s16  }
0x13: {  	s17 =	sadd.s32 s17, s19;
	s19 =	simm.s32 $0x3;
	s21 =	simm.s32 $0x9000  }
.LBB2_1:
0x14: {  	[tilespmem:s3], [sflag:$0x3] =	stream.linear.gather [hbm4b:s6+s3], $0x2800, $0x38;
	[tilespmem:$0x15000] =	vst v63  }
0x15: {  	_ =	swait.ge [sflag:s19], $0x2800  }
0x16: {  	[sflag:s19] =	ssyncset.done $0x0  }
0x17: {  	[sflag:s19] =	ssyncadd.s32 $0xFFFFD800  }
0x18: {  	[tilespmem:s20], [sflag:$0x3] =	stream.linear.gather [hbm4b:s7+s3], $0x2800, $0x38;
	[tilespmem:$0x15000] =	vst v63  }
0x19: {  	_ =	swait.ge [sflag:s19], $0x2800  }
0x1a: {  	[sflag:s19] =	ssyncset.done $0x0  }
0x1b: {  	[sflag:s19] =	ssyncadd.s32 $0xFFFFD800  }
0x1c: {  	[tilespmem:s21], [sflag:$0x3] =	stream.linear.gather [hbm4b:s5+s3], $0x2000, $0x38;
	[tilespmem:$0x15000] =	vst v63  }
0x1d: {  	_ =	swait.ge [sflag:s19], $0x2000  }
0x1e: {  	[sflag:s19] =	ssyncset.done $0x0  }
0x1f: {  	[sflag:s19] =	ssyncadd.s32 $0xFFFFE000  }
0x20: {  	[spmem:s8] =	stream.linear.scatter [tilespmem:s21], [sflag:$0x3], $0x2000, $0x38;
	[tilespmem:$0x15000] =	vst v63  }
0x21: {  	_ =	swait.ge [sflag:s19], $0x2000  }
0x22: {  	[sflag:s19] =	ssyncset.done $0x0  }
0x23: {  	[sflag:s19] =	ssyncadd.s32 $0xFFFFE000  }
0x24: {  	[spmem:s9] =	stream.linear.scatter [tilespmem:s21], [sflag:$0x3], $0x2000, $0x38;
	[tilespmem:$0x15000] =	vst v63  }
0x25: {  	_ =	swait.ge [sflag:s19], $0x2000  }
0x26: {  	[sflag:s19] =	ssyncset.done $0x0  }
0x27: {  	[sflag:s19] =	ssyncadd.s32 $0xFFFFE000  }
0x28: {  	[spmem:s10] =	stream.linear.scatter [tilespmem:s21], [sflag:$0x3], $0x2000, $0x38;
	[tilespmem:$0x15000] =	vst v63  }
0x29: {  	_ =	swait.ge [sflag:s19], $0x2000  }
0x2a: {  	[sflag:s19] =	ssyncset.done $0x0  }
0x2b: {  	[sflag:s19] =	ssyncadd.s32 $0xFFFFE000  }
0x2c: {  	[spmem:s11] =	stream.linear.scatter [tilespmem:s21], [sflag:$0x3], $0x2000, $0x38;
	[tilespmem:$0x15000] =	vst v63  }
0x2d: {  	_ =	swait.ge [sflag:s19], $0x2000  }
0x2e: {  	[sflag:s19] =	ssyncset.done $0x0  }
0x2f: {  	[sflag:s19] =	ssyncadd.s32 $0xFFFFE000  }
0x30: {  	[spmem:s12] =	stream.linear.scatter [tilespmem:s21], [sflag:$0x3], $0x2000, $0x38;
	[tilespmem:$0x15000] =	vst v63  }
0x31: {  	_ =	swait.ge [sflag:s19], $0x2000  }
0x32: {  	[sflag:s19] =	ssyncset.done $0x0  }
0x33: {  	[sflag:s19] =	ssyncadd.s32 $0xFFFFE000  }
0x34: {  	s29 =	simm.s32 $0x0;
	[bflag:$0x0] =	sbarrier.arrive $0xFFFF  }
0x35: {  	[tilespmem:s23], [sflag:$0x1] =	stream.indirect.gather [hbm4b:s4+s22], $0x40, s29, s22, $0xb8;
	[tilespmem:$0x15000] =	vst v63  }
0x36: {  	s29 =	simm.s32 $0x80  }
0x37: {  	[tilespmem:s24], [sflag:$0x1] =	stream.indirect.gather [hbm4b:s4+s22], $0x40, s29, s22, $0xb8;
	[tilespmem:$0x15000] =	vst v63  }
0x38: {  	_ =	swait.ge [sflag:s25], $0x2000  }
0x39: {  	[sflag:s25] =	ssyncset.done $0x0  }
0x3a: {  	s29 =	simm.s32 $0x2800;
	[sflag:s25] =	ssyncadd.s32 $0xFFFFE000  }
0x3b: {  	[spmem:s2] =	stream.indirect.scatter.add.f32 [tilespmem:s23], [sflag:$0x2], $0x40, s29, s22, $0xb8;
	[tilespmem:$0x15000] =	vst v63  }
0x3c: {  	_ =	swait.ge [sflag:s25], $0x2000  }
0x3d: {  	[sflag:s25] =	ssyncset.done $0x0  }
0x3e: {  	s29 =	simm.s32 $0x2880;
	[sflag:s25] =	ssyncadd.s32 $0xFFFFE000  }
0x3f: {  	[spmem:s2] =	stream.indirect.scatter.add.f32 [tilespmem:s24], [sflag:$0x2], $0x40, s29, s22, $0xb8;
	[tilespmem:$0x15000] =	vst v63  }
0x40: {  	_ =	swait.ge [sflag:s26], $0x2000  }
0x41: {  	[sflag:s26] =	ssyncset.done $0x0  }
0x42: {  	[sflag:s26] =	ssyncadd.s32 $0xFFFFE000  }
0x43: {  	_ =	swait.ge [sflag:s26], $0x2000  }
0x44: {  	s30 =	simm.s32 $0x800;
	s29 =	simm.s32 $0x400;
	[sflag:s26] =	ssyncset.done $0x0  }
.LBB2_2:
0x45: {  	s31 =	sshra.s32 s29, $0x2  }
0x46: {  	[sflag:s26] =	ssyncadd.s32 $0xFFFFE000;
	s29 =	smov.u32 s30;
	s1 =	sadd.s32 $0x400, s30  }
0x47: {  	[tilespmem:s23], [sflag:$0x1] =	stream.indirect.gather [hbm4b:s4+s22], $0x40, s31, s22, $0xb8;
	[tilespmem:$0x15000] =	vst v63  }
0x48: {  	p0 =	sne.s32 s30, $0x9C00;
	s30 =	sadd.s32 $0x80, s31  }
0x49: {  	[tilespmem:s24], [sflag:$0x1] =	stream.indirect.gather [hbm4b:s4+s22], $0x40, s30, s22, $0xb8;
	[tilespmem:$0x15000] =	vst v63  }
0x4a: {  	_ =	swait.ge [sflag:s25], $0x2000  }
0x4b: {  	[sflag:s25] =	ssyncset.done $0x0  }
0x4c: {  	s30 =	sadd.s32 $0x2800, s31;
	[sflag:s25] =	ssyncadd.s32 $0xFFFFE000  }
0x4d: {  	[spmem:s2] =	stream.indirect.scatter.add.f32 [tilespmem:s23], [sflag:$0x2], $0x40, s30, s22, $0xb8;
	[tilespmem:$0x15000] =	vst v63  }
0x4e: {  	_ =	swait.ge [sflag:s25], $0x2000  }
0x4f: {  	[sflag:s25] =	ssyncset.done $0x0  }
0x50: {  	s30 =	sadd.s32 $0x2880, s31;
	[sflag:s25] =	ssyncadd.s32 $0xFFFFE000  }
0x51: {  	[spmem:s2] =	stream.indirect.scatter.add.f32 [tilespmem:s24], [sflag:$0x2], $0x40, s30, s22, $0xb8;
	[tilespmem:$0x15000] =	vst v63  }
.Ltmp0:
0x52: {  	_ =	swait.ge [sflag:s26], $0x2000;
	(pc) =	sbr.rel @p0 .LBB2_2-.Ltmp0, $4  }
0x53: {  	[sflag:s26] =	ssyncset.done $0x0  }
0x54: {  	[sflag:s26] =	ssyncadd.s32 $0xFFFFE000  }
0x55: {  	_ =	swait.ge [sflag:s26], $0x2000  }
0x56: {  	s30 =	smov.u32 s1;
	[sflag:s26] =	ssyncset.done $0x0  }
0x57: {  	s1 =	sshra.s32 s29, $0x2;
	[sflag:s26] =	ssyncadd.s32 $0xFFFFE000  }
0x58: {  	[tilespmem:s23], [sflag:$0x1] =	stream.indirect.gather [hbm4b:s4+s22], $0x40, s1, s22, $0xb8;
	[tilespmem:$0x15000] =	vst v63  }
0x59: {  	s29 =	sadd.s32 $0x80, s1  }
0x5a: {  	[tilespmem:s24], [sflag:$0x1] =	stream.indirect.gather [hbm4b:s4+s22], $0x40, s29, s22, $0xb8;
	[tilespmem:$0x15000] =	vst v63  }
0x5b: {  	_ =	swait.ge [sflag:s25], $0x2000  }
0x5c: {  	[sflag:s25] =	ssyncset.done $0x0  }
0x5d: {  	s31 =	sadd.s32 $0x2800, s1;
	[sflag:s25] =	ssyncadd.s32 $0xFFFFE000  }
0x5e: {  	[spmem:s2] =	stream.indirect.scatter.add.f32 [tilespmem:s23], [sflag:$0x2], $0x40, s31, s22, $0xb8;
	[tilespmem:$0x15000] =	vst v63  }
0x5f: {  	_ =	swait.ge [sflag:s25], $0x2000  }
0x60: {  	[sflag:s25] =	ssyncset.done $0x0  }
0x61: {  	s1 =	sadd.s32 $0x2880, s1;
	[sflag:s25] =	ssyncadd.s32 $0xFFFFE000  }
0x62: {  	[spmem:s2] =	stream.indirect.scatter.add.f32 [tilespmem:s24], [sflag:$0x2], $0x40, s1, s22, $0xb8;
	[tilespmem:$0x15000] =	vst v63  }
0x63: {  	_ =	swait.ge [sflag:s26], $0x2000  }
0x64: {  	[sflag:s26] =	ssyncset.done $0x0  }
0x65: {  	[sflag:s26] =	ssyncadd.s32 $0xFFFFE000  }
0x66: {  	_ =	swait.ge [sflag:s26], $0x2000  }
0x67: {  	[sflag:s26] =	ssyncset.done $0x0  }
0x68: {  	s30 =	sshll.u32 s0, $0x6;
	[sflag:s26] =	ssyncadd.s32 $0xFFFFE000  }
0x69: {  	s31 =	sshrl.u32 s8, $0x3;
	s1 =	sor.u32 $0x1C03, s30;
	[bflag:$0x0] =	sbarrier.arrive $0xFFFF  }
0x6a: {  	[hbm:s13], [sflag:s1] =	dma.local [spmem:s31], $0x400  }
0x6b: {  	_ =	swait.ge [sflag:s19], $0x400  }
0x6c: {  	[sflag:s19] =	ssyncset.done $0x0  }
0x6d: {  	s30 =	sshrl.u32 s9, $0x3;
	[sflag:s19] =	ssyncadd.s32 $0xFFFFFC00  }
0x6e: {  	[hbm:s14], [sflag:s1] =	dma.local [spmem:s30], $0x400  }
0x6f: {  	_ =	swait.ge [sflag:s19], $0x400  }
0x70: {  	[sflag:s19] =	ssyncset.done $0x0  }
0x71: {  	s31 =	sshrl.u32 s10, $0x3;
	[sflag:s19] =	ssyncadd.s32 $0xFFFFFC00  }
0x72: {  	[hbm:s15], [sflag:s1] =	dma.local [spmem:s31], $0x400  }
0x73: {  	_ =	swait.ge [sflag:s19], $0x400  }
0x74: {  	[sflag:s19] =	ssyncset.done $0x0  }
0x75: {  	s30 =	sshrl.u32 s11, $0x3;
	[sflag:s19] =	ssyncadd.s32 $0xFFFFFC00  }
0x76: {  	[hbm:s16], [sflag:s1] =	dma.local [spmem:s30], $0x400  }
0x77: {  	s28 =	sadd.s32 $0x1, s28;
	_ =	swait.ge [sflag:s19], $0x400  }
0x78: {  	p0 =	sne.s32 s28, s18;
	[sflag:s19] =	ssyncset.done $0x0  }
.Ltmp1:
0x79: {  	s31 =	sshrl.u32 s12, $0x3;
	[sflag:s19] =	ssyncadd.s32 $0xFFFFFC00;
	(pc) =	sbr.rel @p0 .LBB2_1-.Ltmp1, $4  }
0x7a: {  	[hbm:s17], [sflag:s1] =	dma.local [spmem:s31], $0x400  }
0x7b: {  	_ =	swait.ge [sflag:s19], $0x400  }
0x7c: {  	[sflag:s19] =	ssyncset.done $0x0  }
0x7d: {  	[sflag:s19] =	ssyncadd.s32 $0xFFFFFC00  }
0x7e: {  	_ =	sfence.sel $0x180000  }
0x7f: {  	[bflag:$0x0] =	sbarrier.arrive $0xFFFF  }
0x80: {  	_ =	strace $0x9000004A  }
0x81: {  	[bflag:$0x2] =	sbarrier.arrive $0xFFFF  }
0x82: {  	p0 =	sne.s32 s0, $0x0;
	s0 =	rddreg [dreg:$0x2]  }
0x83: {  	s0 =	sadd.s32 @!p0 $0x100000, s0  }
0x84: {  	[sflag:s0] =	ssyncadd.tile.s32 @!p0 $0x1;
	_ =	shalt  }
.Lfunc_end2:
_tile_overlayer_lowered:
.L_overlay_start_2:
0x85: {  	(tag) =	ssettag $0x2  }
0x86: {  	s0 =	rddreg [dreg:$0x0];
	s2 =	stileid.u32  }
0x87: {  	s1 =	rddreg [dreg:$0x1];
	p0 =	sne.s32 s2, $0x0  }
0x88: {  	s3 =	rddreg [dreg:$0x2];
	[bflag:$0x3] =	sbarrier.arrive $0xFFFF;
	s2 =	simm.s32 @!p0 $0x1C03  }
0x89: {  	[timem:s3], [sflag:s2] =	dma.local @!p0 [hbm:s0], s1  }
0x8a: {  	s0 =	simm.s32 @!p0 $0x3  }
0x8b: {  	_ =	swait.ge @!p0 [sflag:s0], s1  }
0x8c: {  	s1 =	ssub.s32 @!p0 $0x0, s1;
	[sflag:s0] =	ssyncset.done @!p0 $0x0  }
0x8d: {  	[sflag:s0] =	ssyncadd.s32 @!p0 s1  }
0x8e: {  	[bflag:$0x3] =	sbarrier.arrive $0xFFFF  }
0x8f: {  	_ =	shalt  }

// kernel: kernel.16.cloned.1.call-start
scs
__scs_entry_jumppad:
0x0: {  	(pc) =	sbr.rel $0x88, $3  }
0x1: {  	(tag) =	ssettag $0x0;
	lr =	simm.s32 $0x1  }
0x2: {  	[smem:$0x3F94] =	sst lr;
	_ =	strace $0xD0000000  }
0x3: {  	_ = 	snop  }
0x4: {  	_ = 	snop  }
0x5: {  	_ = 	snop  }
0x6: {  	_ = 	snop  }
0x7: {  	_ = 	snop  }
__scs_overlays_trampoline_lowered:
0x8: {  	[smem:$0x3FA3] =	sst s0  }
0x9: {  	[smem:$0x3FA4] =	sst s1  }
0xa: {  	[smem:$0x3FA5] =	sst s2  }
0xb: {  	[smem:$0x3FA6] =	sst s3  }
0xc: {  	[smem:$0x3FA7] =	sst s4  }
0xd: {  	[smem:$0x3FA8] =	sst s5  }
0xe: {  	[smem:$0x3FA9] =	sst s6  }
0xf: {  	[smem:$0x3FAA] =	sst s7  }
0x10: {  	[smem:$0x3FAB] =	sst s8  }
0x11: {  	[smem:$0x3FAC] =	sst s9;
	s0 =	simm.s32 @!p0 $0x0  }
0x12: {  	s1 =	sld [smem:$0x3F92];
	s0 =	simm.s32 @p0 $0x1  }
0x13: {  	[smem:$0x3FAD] =	sst s0;
	s0 =	simm.s32 @!p1 $0x0  }
0x14: {  	s2 =	sld [smem:$0x3F91];
	s0 =	simm.s32 @p1 $0x1  }
0x15: {  	[smem:$0x3FAE] =	sst s0;
	s0 =	simm.s32 @!p2 $0x0  }
0x16: {  	s3 =	sld [smem:$0x3FDB];
	s0 =	simm.s32 @p2 $0x1  }
0x17: {  	s4 =	simm.s32 $0x1BF5;
	[smem:$0x3FB0] =	sst s0  }
0x18: {  	s0 =	sld [smem:$0x3F93];
	_ =	swait.ge [sflag:s4], $0x0  }
0x19: {  	s7 =	sld [smem:$0x3F94]  }
0x1a: {  	s8 =	sadd.s32 $0xFFFFE003, lr  }
0x1b: {  	s9 =	sadd.s32 $0xFFFFFEF7, lr;
	s5 =	simm.s32 $0xFFFFFFFF;
	p2 =	slt.u32 s8, $0xFFFFF086  }
0x1c: {  	p1 =	slt.u32 s9, $0xF7A;
	s5 =	simm.s32 @!p2 $0x0  }
0x1d: {  	s5 =	simm.s32 @p1 $0x1;
	p0 =	seq.s32 s7, s2  }
0x1e: {  	s7 =	smul.u32 @!p0 $0xF7A, s2;
	p2 =	seq.s32 @!p0 s5, $0x0  }
0x1f: {  	s9 =	smul.u32 $0xF7A, s1;
	s8 =	simm.s32 @!p0 $0x1BF5;
	p2 =	por !p2, p0  }
0x20: {  	[sflag:s8] =	ssyncset.s32 @!p0 $0xFFFFF086;
	s6 =	sadd.s32 @!p0 s3, s7;
	s7 =	simm.s32 @!p0 $0x108  }
0x21: {  	s3 =	sadd.s32 s3, s9;
	s6 =	sadd.s32 @!p0 $0x88, s6;
	s7 =	simm.s32 @p2 $0x1082  }
0x22: {  	[simem:s7], [sflag:s8] =	dma.local @!p0 [hbm:s6], $0xF7A  }
0x23: {  	s9 =	sor.u32 $0xD0000000, s2;
	s6 =	simm.s32 $0x108;
	_ =	swait.ge @!p0 [sflag:s8], $0x0  }
0x24: {  	s3 =	sadd.s32 $0x88, s3;
	s6 =	simm.s32 @!p1 $0x1082;
	[sflag:s4] =	ssyncset.s32 $0xFFFFF086  }
0x25: {  	[simem:s6], [sflag:s4] =	dma.local [hbm:s3], $0xF7A  }
0x26: {  	[smem:$0x3F94] =	sst s1;
	(tag) =	ssettag s2;
	_ =	strace s9  }
0x27: {  	s1 =	sld [smem:$0x3FA4]  }
0x28: {  	s2 =	sld [smem:$0x3FA5]  }
0x29: {  	s4 =	sld [smem:$0x3FA7]  }
0x2a: {  	p0 =	seq.s32 s5, $0x0;
	s5 =	sld [smem:$0x3FA8]  }
0x2b: {  	s6 =	sld [smem:$0x3FA9]  }
0x2c: {  	s7 =	sld [smem:$0x3FAA]  }
0x2d: {  	s3 =	simm.s32 $0x108;
	s8 =	sld [smem:$0x3FAB]  }
0x2e: {  	s3 =	simm.s32 @!p0 $0x1082;
	s9 =	sld [smem:$0x3FAC]  }
0x2f: {  	lr =	sadd.s32 s0, s3;
	s0 =	sld [smem:$0x3FA3]  }
0x30: {  	s3 =	sld [smem:$0x3FA6]  }
0x31: {  	[smem:$0x3FAF] =	sst s10  }
0x32: {  	s10 =	sld [smem:$0x3FAD];
	_ =	sdelay $0x3  }
0x33: {  	p0 =	seq.s32 s10, $0x1;
	s10 =	sld [smem:$0x3FAF];
	_ =	sdelay $0x3  }
0x34: {  	[smem:$0x3FAF] =	sst s10  }
0x35: {  	s10 =	sld [smem:$0x3FAE];
	_ =	sdelay $0x3  }
0x36: {  	p1 =	seq.s32 s10, $0x1;
	s10 =	sld [smem:$0x3FAF];
	_ =	sdelay $0x3  }
0x37: {  	[smem:$0x3FAF] =	sst s10  }
0x38: {  	s10 =	sld [smem:$0x3FB0]  }
0x39: {  	_ = 	snop;
	(pc) =	sbr.ind lr, $3  }
0x3a: {  	_ = 	snop  }
0x3b: {  	_ = 	snop  }
0x3c: {  	p2 =	seq.s32 s10, $0x1;
	s10 =	sld [smem:$0x3FAF]  }
0x3d: {  	_ =	shalt  }
0x3e: {  	_ =	shalt  }
0x3f: {  	_ =	shalt  }
0x40: {  	_ =	shalt  }
0x41: {  	_ =	shalt  }
0x42: {  	_ =	shalt  }
0x43: {  	_ =	shalt  }
0x44: {  	_ =	shalt  }
0x45: {  	_ =	shalt  }
0x46: {  	_ =	shalt  }
0x47: {  	_ =	shalt  }
0x48: {  	_ =	shalt  }
0x49: {  	_ =	shalt  }
0x4a: {  	_ =	shalt  }
0x4b: {  	_ =	shalt  }
0x4c: {  	_ =	shalt  }
0x4d: {  	_ =	shalt  }
0x4e: {  	_ =	shalt  }
0x4f: {  	_ =	shalt  }
0x50: {  	_ =	shalt  }
0x51: {  	_ =	shalt  }
0x52: {  	_ =	shalt  }
0x53: {  	_ =	shalt  }
0x54: {  	_ =	shalt  }
0x55: {  	_ =	shalt  }
0x56: {  	_ =	shalt  }
0x57: {  	_ =	shalt  }
0x58: {  	_ =	shalt  }
0x59: {  	_ =	shalt  }
0x5a: {  	_ =	shalt  }
0x5b: {  	_ =	shalt  }
0x5c: {  	_ =	shalt  }
0x5d: {  	_ =	shalt  }
0x5e: {  	_ =	shalt  }
0x5f: {  	_ =	shalt  }
0x60: {  	_ =	shalt  }
0x61: {  	_ =	shalt  }
0x62: {  	_ =	shalt  }
0x63: {  	_ =	shalt  }
0x64: {  	_ =	shalt  }
0x65: {  	_ =	shalt  }
0x66: {  	_ =	shalt  }
0x67: {  	_ =	shalt  }
0x68: {  	_ =	shalt  }
0x69: {  	_ =	shalt  }
0x6a: {  	_ =	shalt  }
0x6b: {  	_ =	shalt  }
0x6c: {  	_ =	shalt  }
0x6d: {  	_ =	shalt  }
0x6e: {  	_ =	shalt  }
0x6f: {  	_ =	shalt  }
0x70: {  	_ =	shalt  }
0x71: {  	_ =	shalt  }
0x72: {  	_ =	shalt  }
0x73: {  	_ =	shalt  }
0x74: {  	_ =	shalt  }
0x75: {  	_ =	shalt  }
0x76: {  	_ =	shalt  }
0x77: {  	_ =	shalt  }
0x78: {  	_ =	shalt  }
0x79: {  	_ =	shalt  }
0x7a: {  	_ =	shalt  }
0x7b: {  	_ =	shalt  }
0x7c: {  	_ =	shalt  }
0x7d: {  	_ =	shalt  }
0x7e: {  	_ =	shalt  }
0x7f: {  	_ =	shalt  }
0x80: {  	_ =	shalt  }
0x81: {  	_ =	shalt  }
0x82: {  	_ =	shalt  }
0x83: {  	_ =	shalt  }
0x84: {  	_ =	shalt  }
0x85: {  	_ =	shalt  }
0x86: {  	_ =	shalt  }
0x87: {  	_ =	shalt  }
.Lfunc_end0:
.L_simem_size_0:
called_computation.2_lowered:
.L_overlay_start_0:
0x88: {  	s2 =	sld [smem:$0x3FD9]  }
0x89: {  	s3 =	sld [smem:$0x3FFE];
	_ =	sdelay $0x1  }
0x8a: {  	s1 =	srdreg.scid  }
0x8b: {  	s0 =	sand.u32 $0x1, s1  }
0x8c: {  	s16 =	sshll.u32 s0, $0xA;
	s2 =	sadd.s32 s3, s2  }
0x8d: {  	s2 =	sadd.s32 s2, s16  }
0x8e: {  	[smem:$0x3FBB] =	sst s2  }
0x8f: {  	_ = 	snop  }
0x90: {  	(tm) =	ssettm $0x1  }
0x91: {  	s17 =	sld [smem:$0x3FFB];
	_ =	sdelay $0x3  }
0x92: {  	_ =	strace s17  }
0x93: {  	s2 =	sld [smem:$0x3FFC];
	_ =	sdelay $0x3  }
0x94: {  	_ =	strace s2  }
0x95: {  	s2 =	sld [smem:$0x3FFD];
	_ =	sdelay $0x3  }
0x96: {  	_ =	strace s2  }
0x97: {  	_ =	strace $0x8FFFFFFF  }
0x98: {  	s18 =	sld [smem:$0x3FDB];
	_ =	sdelay $0x1  }
0x99: {  	s19 =	simm.s32 $_scs_section_size  }
0x9a: {  	s4 =	simm.s32 $_size__tile_overlayer_lowered;
	s5 =	simm.s32 $_tile_overlayer_lowered  }
0x9b: {  	s22 =	simm.s32 $0x1BFF;
	s21 =	sshll.u32 s5, $0x1;
	s2 =	sadd.s32 s19, s18  }
0x9c: {  	s6 =	simm.s32 $0x0;
	s20 =	sshll.u32 s4, $0x1;
	s4 =	sadd.s32 s21, s2  }
0x9d: {  	[timem:s6], [sflag:s22] =	dma.local [hbm:s4], s20  }
0x9e: {  	_ =	swait.ge [sflag:s22], s20  }
0x9f: {  	s3 =	ssub.s32 $0x0, s20;
	[sflag:s22] =	ssyncset.done $0x0  }
0xa0: {  	[sflag:s22] =	ssyncadd.s32 s3;
	_ =	sdelay $0x1  }
0xa1: {  	s23 =	simm.s32 $0x1B8B  }
0xa2: {  	_ =	swait.ge [sflag:s23], $0x1  }
0xa3: {  	[sflag:s23] =	ssyncset.done $0x0  }
0xa4: {  	s25 =	simm.s32 $0x1B8E;
	s24 =	sld [smem:$0x3FFE];
	[sflag:s23] =	ssyncadd.s32 $0xFFFFFFFF  }
0xa5: {  	s26 =	simm.s32 $execute0_lowered;
	[smem:$0x3FD2] =	sst s25  }
0xa6: {  	s4 =	sshll.u32 s26, $0x1;
	_ =	strace $0x8000004C;
	[dreg:$0x1] =	wrdreg $0xFFFFFFFF  }
0xa7: {  	s28 =	simm.s32 $_size_execute0_lowered;
	s2 =	sadd.s32 s2, s4;
	[dreg:$0x0] =	wrdreg $0x0  }
0xa8: {  	s4 =	sshll.u32 s28, $0x1;
	[dreg:$0x2] =	wrdreg s2  }
0xa9: {  	[dreg:$0x3] =	wrdreg s4  }
0xaa: {  	[dreg:$0x4] =	wrdreg $0xC0  }
0xab: {  	_ =	task [dreg:s6], $0x5FFFF  }
0xac: {  	[dreg:$0x1] =	wrdreg $0xFFFFFFFF  }
0xad: {  	[dreg:$0x0] =	wrdreg $0x60  }
0xae: {  	[dreg:$0x2] =	wrdreg s24  }
0xaf: {  	[dreg:$0x3] =	wrdreg $0xB0000  }
0xb0: {  	[dreg:$0x4] =	wrdreg $0x9  }
0xb1: {  	_ =	task.clear_ibuf [dreg:s6], $0x5FFFF;
	_ =	strace $0x9000004C  }
0xb2: {  	s29 =	simm.s32 $0x9;
	_ =	strace $0x8000004E  }
0xb3: {  	_ =	swait.ge [sflag:s29], $0x1  }
0xb4: {  	[sflag:s29] =	ssyncadd.s32 $0xFFFFFFFF  }
0xb5: {  	_ =	strace $0x9000004E  }
0xb6: {  	_ =	sfence  }
0xb7: {  	s30 =	sld [smem:$0x0];
	_ =	sdelay $0x2  }
0xb8: {  	s31 =	sshll.u32 s1, $0xD;
	s1 =	sshrl.u32 s1, $0x2  }
0xb9: {  	s3 =	sand.u32 $0x4000, s31;
	s1 =	sadd.s32 s1, s30  }
0xba: {  	s0 =	sor.u32 s3, s0;
	s1 =	sshll.u32 s1, $0x11  }
0xbb: {  	s0 =	sor.u32 s1, s0  }
0xbc: {  	s0 =	sadd.s32 $0x8F2B, s0  }
0xbd: {  	[sflag:s0] =	ssyncadd.remote.s32 $0x1  }
0xbe: {  	_ =	sfence.sel $0xFFFF  }
0xbf: {  	[dreg:$0x0] =	wrdreg $0xFFFFFFFF;
	(pc) =	sbr.abs _section_cstart, $3  }
0xc0: {  	[dreg:$0x1] =	wrdreg $0xFFFFFFFF  }
0xc1: {  	_ =	task.clear_ibuf [dreg:s6], $0x2FFFF;
	_ =	strace $0x9FFFFFFF  }
0xc2: {  	(tm) =	ssettm $0x7FFFFFFF  }
0xc3: {  	_ =	shalt  }
tec
execute0_lowered:
.L_overlay_start_1:
0x0: {  	(tag) =	ssettag $0x1  }
0x1: {  	s6 =	rddreg [dreg:$0x0];
	s1 =	srdreg.scid  }
0x2: {  	s0 =	stileid.u32;
	s2 =	rddreg [dreg:$0x1];
	s3 =	simm.s32 $0x0  }
0x3: {  	s22 =	simm.s32 $0x80;
	s23 =	simm.s32 $0x5000;
	s24 =	simm.s32 $0x7000  }
0x4: {  	s25 =	simm.s32 $0x1;
	s26 =	simm.s32 $0x2;
	s28 =	simm.s32 $0x0  }
0x5: {  	s9 =	sand.u32 $0x1, s1;
	s4 =	sshll.u32 s0, $0x1;
	[smem:$0x7FF] =	sst s3  }
0x6: {  	s12 =	smul.u32 $0xA000, s0;
	s17 =	sadd.s32 $0x2FA00, s6;
	s4 =	sor.u32 s9, s4  }
0x7: {  	_ =	strace $0x8000004D;
	s8 =	ssub.s32 $0x2, s9;
	s19 =	smul.u32 $0xA0000, s9  }
0x8: {  	s5 =	smul.u32 $0x500, s4;
	s4 =	sadd.s32 $0x1BA00, s6;
	s10 =	sshrl.u32 s8, $0x1  }
0x9: {  	s13 =	sadd.s32 $0x2000, s12;
	s15 =	sadd.s32 $0x4000, s12;
	s16 =	sadd.s32 $0x6000, s12  }
0xa: {  	s20 =	sadd.s32 $0x8000, s12;
	s18 =	ssub.s32 s8, s10;
	s8 =	sadd.s32 s12, s2  }
0xb: {  	s9 =	sadd.s32 s13, s2;
	s10 =	sadd.s32 s15, s2;
	s11 =	sadd.s32 s16, s2  }
0xc: {  	s14 =	sadd.s32 s12, s19;
	s13 =	sadd.s32 s19, s13;
	s12 =	sadd.s32 s20, s2  }
0xd: {  	s15 =	sadd.s32 s19, s15;
	s16 =	sadd.s32 s19, s16;
	s19 =	sadd.s32 s19, s20  }
0xe: {  	s20 =	simm.s32 $0x2800;
	s7 =	sadd.s32 s5, s6;
	s5 =	sadd.s32 $0xC600, s6  }
0xf: {  	s14 =	sshrl.u32 s14, $0x3;
	s21 =	sshrl.u32 s13, $0x3;
	s15 =	sshrl.u32 s15, $0x3  }
0x10: {  	s16 =	sshrl.u32 s16, $0x3;
	s19 =	sshrl.u32 s19, $0x3;
	s18 =	smax.u32 s18, $0x1  }
0x11: {  	s6 =	sadd.s32 $0x11A00, s7;
	s7 =	sadd.s32 $0x2600, s7;
	s13 =	sadd.s32 s17, s14  }
0x12: {  	s14 =	sadd.s32 s17, s21;
	s15 =	sadd.s32 s17, s15;
	s16 =	sadd.s32 s17, s16  }
0x13: {  	s17 =	sadd.s32 s17, s19;
	s19 =	simm.s32 $0x3;
	s21 =	simm.s32 $0x9000  }
.LBB2_1:
0x14: {  	[tilespmem:s3], [sflag:$0x3] =	stream.linear.gather [hbm4b:s6+s3], $0x2800, $0x38;
	[tilespmem:$0x15000] =	vst v63  }
0x15: {  	_ =	swait.ge [sflag:s19], $0x2800  }
0x16: {  	[sflag:s19] =	ssyncset.done $0x0  }
0x17: {  	[sflag:s19] =	ssyncadd.s32 $0xFFFFD800  }
0x18: {  	[tilespmem:s20], [sflag:$0x3] =	stream.linear.gather [hbm4b:s7+s3], $0x2800, $0x38;
	[tilespmem:$0x15000] =	vst v63  }
0x19: {  	_ =	swait.ge [sflag:s19], $0x2800  }
0x1a: {  	[sflag:s19] =	ssyncset.done $0x0  }
0x1b: {  	[sflag:s19] =	ssyncadd.s32 $0xFFFFD800  }
0x1c: {  	[tilespmem:s21], [sflag:$0x3] =	stream.linear.gather [hbm4b:s5+s3], $0x2000, $0x38;
	[tilespmem:$0x15000] =	vst v63  }
0x1d: {  	_ =	swait.ge [sflag:s19], $0x2000  }
0x1e: {  	[sflag:s19] =	ssyncset.done $0x0  }
0x1f: {  	[sflag:s19] =	ssyncadd.s32 $0xFFFFE000  }
0x20: {  	[spmem:s8] =	stream.linear.scatter [tilespmem:s21], [sflag:$0x3], $0x2000, $0x38;
	[tilespmem:$0x15000] =	vst v63  }
0x21: {  	_ =	swait.ge [sflag:s19], $0x2000  }
0x22: {  	[sflag:s19] =	ssyncset.done $0x0  }
0x23: {  	[sflag:s19] =	ssyncadd.s32 $0xFFFFE000  }
0x24: {  	[spmem:s9] =	stream.linear.scatter [tilespmem:s21], [sflag:$0x3], $0x2000, $0x38;
	[tilespmem:$0x15000] =	vst v63  }
0x25: {  	_ =	swait.ge [sflag:s19], $0x2000  }
0x26: {  	[sflag:s19] =	ssyncset.done $0x0  }
0x27: {  	[sflag:s19] =	ssyncadd.s32 $0xFFFFE000  }
0x28: {  	[spmem:s10] =	stream.linear.scatter [tilespmem:s21], [sflag:$0x3], $0x2000, $0x38;
	[tilespmem:$0x15000] =	vst v63  }
0x29: {  	_ =	swait.ge [sflag:s19], $0x2000  }
0x2a: {  	[sflag:s19] =	ssyncset.done $0x0  }
0x2b: {  	[sflag:s19] =	ssyncadd.s32 $0xFFFFE000  }
0x2c: {  	[spmem:s11] =	stream.linear.scatter [tilespmem:s21], [sflag:$0x3], $0x2000, $0x38;
	[tilespmem:$0x15000] =	vst v63  }
0x2d: {  	_ =	swait.ge [sflag:s19], $0x2000  }
0x2e: {  	[sflag:s19] =	ssyncset.done $0x0  }
0x2f: {  	[sflag:s19] =	ssyncadd.s32 $0xFFFFE000  }
0x30: {  	[spmem:s12] =	stream.linear.scatter [tilespmem:s21], [sflag:$0x3], $0x2000, $0x38;
	[tilespmem:$0x15000] =	vst v63  }
0x31: {  	_ =	swait.ge [sflag:s19], $0x2000  }
0x32: {  	[sflag:s19] =	ssyncset.done $0x0  }
0x33: {  	[sflag:s19] =	ssyncadd.s32 $0xFFFFE000  }
0x34: {  	s29 =	simm.s32 $0x0;
	[bflag:$0x0] =	sbarrier.arrive $0xFFFF  }
0x35: {  	[tilespmem:s23], [sflag:$0x1] =	stream.indirect.gather [hbm4b:s4+s22], $0x40, s29, s22, $0xb8;
	[tilespmem:$0x15000] =	vst v63  }
0x36: {  	s29 =	simm.s32 $0x80  }
0x37: {  	[tilespmem:s24], [sflag:$0x1] =	stream.indirect.gather [hbm4b:s4+s22], $0x40, s29, s22, $0xb8;
	[tilespmem:$0x15000] =	vst v63  }
0x38: {  	_ =	swait.ge [sflag:s25], $0x2000  }
0x39: {  	[sflag:s25] =	ssyncset.done $0x0  }
0x3a: {  	s29 =	simm.s32 $0x2800;
	[sflag:s25] =	ssyncadd.s32 $0xFFFFE000  }
0x3b: {  	[spmem:s2] =	stream.indirect.scatter.add.f32 [tilespmem:s23], [sflag:$0x2], $0x40, s29, s22, $0xb8;
	[tilespmem:$0x15000] =	vst v63  }
0x3c: {  	_ =	swait.ge [sflag:s25], $0x2000  }
0x3d: {  	[sflag:s25] =	ssyncset.done $0x0  }
0x3e: {  	s29 =	simm.s32 $0x2880;
	[sflag:s25] =	ssyncadd.s32 $0xFFFFE000  }
0x3f: {  	[spmem:s2] =	stream.indirect.scatter.add.f32 [tilespmem:s24], [sflag:$0x2], $0x40, s29, s22, $0xb8;
	[tilespmem:$0x15000] =	vst v63  }
0x40: {  	_ =	swait.ge [sflag:s26], $0x2000  }
0x41: {  	[sflag:s26] =	ssyncset.done $0x0  }
0x42: {  	[sflag:s26] =	ssyncadd.s32 $0xFFFFE000  }
0x43: {  	_ =	swait.ge [sflag:s26], $0x2000  }
0x44: {  	s30 =	simm.s32 $0x800;
	s29 =	simm.s32 $0x400;
	[sflag:s26] =	ssyncset.done $0x0  }
.LBB2_2:
0x45: {  	s31 =	sshra.s32 s29, $0x2  }
0x46: {  	[sflag:s26] =	ssyncadd.s32 $0xFFFFE000;
	s29 =	smov.u32 s30;
	s1 =	sadd.s32 $0x400, s30  }
0x47: {  	[tilespmem:s23], [sflag:$0x1] =	stream.indirect.gather [hbm4b:s4+s22], $0x40, s31, s22, $0xb8;
	[tilespmem:$0x15000] =	vst v63  }
0x48: {  	p0 =	sne.s32 s30, $0x9C00;
	s30 =	sadd.s32 $0x80, s31  }
0x49: {  	[tilespmem:s24], [sflag:$0x1] =	stream.indirect.gather [hbm4b:s4+s22], $0x40, s30, s22, $0xb8;
	[tilespmem:$0x15000] =	vst v63  }
0x4a: {  	_ =	swait.ge [sflag:s25], $0x2000  }
0x4b: {  	[sflag:s25] =	ssyncset.done $0x0  }
0x4c: {  	s30 =	sadd.s32 $0x2800, s31;
	[sflag:s25] =	ssyncadd.s32 $0xFFFFE000  }
0x4d: {  	[spmem:s2] =	stream.indirect.scatter.add.f32 [tilespmem:s23], [sflag:$0x2], $0x40, s30, s22, $0xb8;
	[tilespmem:$0x15000] =	vst v63  }
0x4e: {  	_ =	swait.ge [sflag:s25], $0x2000  }
0x4f: {  	[sflag:s25] =	ssyncset.done $0x0  }
0x50: {  	s30 =	sadd.s32 $0x2880, s31;
	[sflag:s25] =	ssyncadd.s32 $0xFFFFE000  }
0x51: {  	[spmem:s2] =	stream.indirect.scatter.add.f32 [tilespmem:s24], [sflag:$0x2], $0x40, s30, s22, $0xb8;
	[tilespmem:$0x15000] =	vst v63  }
.Ltmp0:
0x52: {  	_ =	swait.ge [sflag:s26], $0x2000;
	(pc) =	sbr.rel @p0 .LBB2_2-.Ltmp0, $4  }
0x53: {  	[sflag:s26] =	ssyncset.done $0x0  }
0x54: {  	[sflag:s26] =	ssyncadd.s32 $0xFFFFE000  }
0x55: {  	_ =	swait.ge [sflag:s26], $0x2000  }
0x56: {  	s30 =	smov.u32 s1;
	[sflag:s26] =	ssyncset.done $0x0  }
0x57: {  	s1 =	sshra.s32 s29, $0x2;
	[sflag:s26] =	ssyncadd.s32 $0xFFFFE000  }
0x58: {  	[tilespmem:s23], [sflag:$0x1] =	stream.indirect.gather [hbm4b:s4+s22], $0x40, s1, s22, $0xb8;
	[tilespmem:$0x15000] =	vst v63  }
0x59: {  	s29 =	sadd.s32 $0x80, s1  }
0x5a: {  	[tilespmem:s24], [sflag:$0x1] =	stream.indirect.gather [hbm4b:s4+s22], $0x40, s29, s22, $0xb8;
	[tilespmem:$0x15000] =	vst v63  }
0x5b: {  	_ =	swait.ge [sflag:s25], $0x2000  }
0x5c: {  	[sflag:s25] =	ssyncset.done $0x0  }
0x5d: {  	s31 =	sadd.s32 $0x2800, s1;
	[sflag:s25] =	ssyncadd.s32 $0xFFFFE000  }
0x5e: {  	[spmem:s2] =	stream.indirect.scatter.add.f32 [tilespmem:s23], [sflag:$0x2], $0x40, s31, s22, $0xb8;
	[tilespmem:$0x15000] =	vst v63  }
0x5f: {  	_ =	swait.ge [sflag:s25], $0x2000  }
0x60: {  	[sflag:s25] =	ssyncset.done $0x0  }
0x61: {  	s1 =	sadd.s32 $0x2880, s1;
	[sflag:s25] =	ssyncadd.s32 $0xFFFFE000  }
0x62: {  	[spmem:s2] =	stream.indirect.scatter.add.f32 [tilespmem:s24], [sflag:$0x2], $0x40, s1, s22, $0xb8;
	[tilespmem:$0x15000] =	vst v63  }
0x63: {  	_ =	swait.ge [sflag:s26], $0x2000  }
0x64: {  	[sflag:s26] =	ssyncset.done $0x0  }
0x65: {  	[sflag:s26] =	ssyncadd.s32 $0xFFFFE000  }
0x66: {  	_ =	swait.ge [sflag:s26], $0x2000  }
0x67: {  	[sflag:s26] =	ssyncset.done $0x0  }
0x68: {  	s30 =	sshll.u32 s0, $0x6;
	[sflag:s26] =	ssyncadd.s32 $0xFFFFE000  }
0x69: {  	s31 =	sshrl.u32 s8, $0x3;
	s1 =	sor.u32 $0x1C03, s30;
	[bflag:$0x0] =	sbarrier.arrive $0xFFFF  }
0x6a: {  	[hbm:s13], [sflag:s1] =	dma.local [spmem:s31], $0x400  }
0x6b: {  	_ =	swait.ge [sflag:s19], $0x400  }
0x6c: {  	[sflag:s19] =	ssyncset.done $0x0  }
0x6d: {  	s30 =	sshrl.u32 s9, $0x3;
	[sflag:s19] =	ssyncadd.s32 $0xFFFFFC00  }
0x6e: {  	[hbm:s14], [sflag:s1] =	dma.local [spmem:s30], $0x400  }
0x6f: {  	_ =	swait.ge [sflag:s19], $0x400  }
0x70: {  	[sflag:s19] =	ssyncset.done $0x0  }
0x71: {  	s31 =	sshrl.u32 s10, $0x3;
	[sflag:s19] =	ssyncadd.s32 $0xFFFFFC00  }
0x72: {  	[hbm:s15], [sflag:s1] =	dma.local [spmem:s31], $0x400  }
0x73: {  	_ =	swait.ge [sflag:s19], $0x400  }
0x74: {  	[sflag:s19] =	ssyncset.done $0x0  }
0x75: {  	s30 =	sshrl.u32 s11, $0x3;
	[sflag:s19] =	ssyncadd.s32 $0xFFFFFC00  }
0x76: {  	[hbm:s16], [sflag:s1] =	dma.local [spmem:s30], $0x400  }
0x77: {  	s28 =	sadd.s32 $0x1, s28;
	_ =	swait.ge [sflag:s19], $0x400  }
0x78: {  	p0 =	sne.s32 s28, s18;
	[sflag:s19] =	ssyncset.done $0x0  }
.Ltmp1:
0x79: {  	s31 =	sshrl.u32 s12, $0x3;
	[sflag:s19] =	ssyncadd.s32 $0xFFFFFC00;
	(pc) =	sbr.rel @p0 .LBB2_1-.Ltmp1, $4  }
0x7a: {  	[hbm:s17], [sflag:s1] =	dma.local [spmem:s31], $0x400  }
0x7b: {  	_ =	swait.ge [sflag:s19], $0x400  }
0x7c: {  	[sflag:s19] =	ssyncset.done $0x0  }
0x7d: {  	[sflag:s19] =	ssyncadd.s32 $0xFFFFFC00  }
0x7e: {  	_ =	sfence.sel $0x180000  }
0x7f: {  	[bflag:$0x0] =	sbarrier.arrive $0xFFFF  }
0x80: {  	_ =	strace $0x9000004D  }
0x81: {  	[bflag:$0x2] =	sbarrier.arrive $0xFFFF  }
0x82: {  	p0 =	sne.s32 s0, $0x0;
	s0 =	rddreg [dreg:$0x2]  }
0x83: {  	s0 =	sadd.s32 @!p0 $0x100000, s0  }
0x84: {  	[sflag:s0] =	ssyncadd.tile.s32 @!p0 $0x1;
	_ =	shalt  }
.Lfunc_end2:
_tile_overlayer_lowered:
.L_overlay_start_2:
0x85: {  	(tag) =	ssettag $0x2  }
0x86: {  	s0 =	rddreg [dreg:$0x0];
	s2 =	stileid.u32  }
0x87: {  	s1 =	rddreg [dreg:$0x1];
	p0 =	sne.s32 s2, $0x0  }
0x88: {  	s3 =	rddreg [dreg:$0x2];
	[bflag:$0x3] =	sbarrier.arrive $0xFFFF;
	s2 =	simm.s32 @!p0 $0x1C03  }
0x89: {  	[timem:s3], [sflag:s2] =	dma.local @!p0 [hbm:s0], s1  }
0x8a: {  	s0 =	simm.s32 @!p0 $0x3  }
0x8b: {  	_ =	swait.ge @!p0 [sflag:s0], s1  }
0x8c: {  	s1 =	ssub.s32 @!p0 $0x0, s1;
	[sflag:s0] =	ssyncset.done @!p0 $0x0  }
0x8d: {  	[sflag:s0] =	ssyncadd.s32 @!p0 s1  }
0x8e: {  	[bflag:$0x3] =	sbarrier.arrive $0xFFFF  }
0x8f: {  	_ =	shalt  }

// kernel: kernel.19.cloned.1.call-start
scs
__scs_entry_jumppad:
0x0: {  	(pc) =	sbr.rel $0x88, $3  }
0x1: {  	(tag) =	ssettag $0x0;
	lr =	simm.s32 $0x1  }
0x2: {  	[smem:$0x3F94] =	sst lr;
	_ =	strace $0xD0000000  }
0x3: {  	_ = 	snop  }
0x4: {  	_ = 	snop  }
0x5: {  	_ = 	snop  }
0x6: {  	_ = 	snop  }
0x7: {  	_ = 	snop  }
__scs_overlays_trampoline_lowered:
0x8: {  	[smem:$0x3FA3] =	sst s0  }
0x9: {  	[smem:$0x3FA4] =	sst s1  }
0xa: {  	[smem:$0x3FA5] =	sst s2  }
0xb: {  	[smem:$0x3FA6] =	sst s3  }
0xc: {  	[smem:$0x3FA7] =	sst s4  }
0xd: {  	[smem:$0x3FA8] =	sst s5  }
0xe: {  	[smem:$0x3FA9] =	sst s6  }
0xf: {  	[smem:$0x3FAA] =	sst s7  }
0x10: {  	[smem:$0x3FAB] =	sst s8  }
0x11: {  	[smem:$0x3FAC] =	sst s9;
	s0 =	simm.s32 @!p0 $0x0  }
0x12: {  	s1 =	sld [smem:$0x3F92];
	s0 =	simm.s32 @p0 $0x1  }
0x13: {  	[smem:$0x3FAD] =	sst s0;
	s0 =	simm.s32 @!p1 $0x0  }
0x14: {  	s2 =	sld [smem:$0x3F91];
	s0 =	simm.s32 @p1 $0x1  }
0x15: {  	[smem:$0x3FAE] =	sst s0;
	s0 =	simm.s32 @!p2 $0x0  }
0x16: {  	s3 =	sld [smem:$0x3FDB];
	s0 =	simm.s32 @p2 $0x1  }
0x17: {  	s4 =	simm.s32 $0x1BF5;
	[smem:$0x3FB0] =	sst s0  }
0x18: {  	s0 =	sld [smem:$0x3F93];
	_ =	swait.ge [sflag:s4], $0x0  }
0x19: {  	s7 =	sld [smem:$0x3F94]  }
0x1a: {  	s8 =	sadd.s32 $0xFFFFE003, lr  }
0x1b: {  	s9 =	sadd.s32 $0xFFFFFEF7, lr;
	s5 =	simm.s32 $0xFFFFFFFF;
	p2 =	slt.u32 s8, $0xFFFFF086  }
0x1c: {  	p1 =	slt.u32 s9, $0xF7A;
	s5 =	simm.s32 @!p2 $0x0  }
0x1d: {  	s5 =	simm.s32 @p1 $0x1;
	p0 =	seq.s32 s7, s2  }
0x1e: {  	s7 =	smul.u32 @!p0 $0xF7A, s2;
	p2 =	seq.s32 @!p0 s5, $0x0  }
0x1f: {  	s9 =	smul.u32 $0xF7A, s1;
	s8 =	simm.s32 @!p0 $0x1BF5;
	p2 =	por !p2, p0  }
0x20: {  	[sflag:s8] =	ssyncset.s32 @!p0 $0xFFFFF086;
	s6 =	sadd.s32 @!p0 s3, s7;
	s7 =	simm.s32 @!p0 $0x108  }
0x21: {  	s3 =	sadd.s32 s3, s9;
	s6 =	sadd.s32 @!p0 $0x88, s6;
	s7 =	simm.s32 @p2 $0x1082  }
0x22: {  	[simem:s7], [sflag:s8] =	dma.local @!p0 [hbm:s6], $0xF7A  }
0x23: {  	s9 =	sor.u32 $0xD0000000, s2;
	s6 =	simm.s32 $0x108;
	_ =	swait.ge @!p0 [sflag:s8], $0x0  }
0x24: {  	s3 =	sadd.s32 $0x88, s3;
	s6 =	simm.s32 @!p1 $0x1082;
	[sflag:s4] =	ssyncset.s32 $0xFFFFF086  }
0x25: {  	[simem:s6], [sflag:s4] =	dma.local [hbm:s3], $0xF7A  }
0x26: {  	[smem:$0x3F94] =	sst s1;
	(tag) =	ssettag s2;
	_ =	strace s9  }
0x27: {  	s1 =	sld [smem:$0x3FA4]  }
0x28: {  	s2 =	sld [smem:$0x3FA5]  }
0x29: {  	s4 =	sld [smem:$0x3FA7]  }
0x2a: {  	p0 =	seq.s32 s5, $0x0;
	s5 =	sld [smem:$0x3FA8]  }
0x2b: {  	s6 =	sld [smem:$0x3FA9]  }
0x2c: {  	s7 =	sld [smem:$0x3FAA]  }
0x2d: {  	s3 =	simm.s32 $0x108;
	s8 =	sld [smem:$0x3FAB]  }
0x2e: {  	s3 =	simm.s32 @!p0 $0x1082;
	s9 =	sld [smem:$0x3FAC]  }
0x2f: {  	lr =	sadd.s32 s0, s3;
	s0 =	sld [smem:$0x3FA3]  }
0x30: {  	s3 =	sld [smem:$0x3FA6]  }
0x31: {  	[smem:$0x3FAF] =	sst s10  }
0x32: {  	s10 =	sld [smem:$0x3FAD];
	_ =	sdelay $0x3  }
0x33: {  	p0 =	seq.s32 s10, $0x1;
	s10 =	sld [smem:$0x3FAF];
	_ =	sdelay $0x3  }
0x34: {  	[smem:$0x3FAF] =	sst s10  }
0x35: {  	s10 =	sld [smem:$0x3FAE];
	_ =	sdelay $0x3  }
0x36: {  	p1 =	seq.s32 s10, $0x1;
	s10 =	sld [smem:$0x3FAF];
	_ =	sdelay $0x3  }
0x37: {  	[smem:$0x3FAF] =	sst s10  }
0x38: {  	s10 =	sld [smem:$0x3FB0]  }
0x39: {  	_ = 	snop;
	(pc) =	sbr.ind lr, $3  }
0x3a: {  	_ = 	snop  }
0x3b: {  	_ = 	snop  }
0x3c: {  	p2 =	seq.s32 s10, $0x1;
	s10 =	sld [smem:$0x3FAF]  }
0x3d: {  	_ =	shalt  }
0x3e: {  	_ =	shalt  }
0x3f: {  	_ =	shalt  }
0x40: {  	_ =	shalt  }
0x41: {  	_ =	shalt  }
0x42: {  	_ =	shalt  }
0x43: {  	_ =	shalt  }
0x44: {  	_ =	shalt  }
0x45: {  	_ =	shalt  }
0x46: {  	_ =	shalt  }
0x47: {  	_ =	shalt  }
0x48: {  	_ =	shalt  }
0x49: {  	_ =	shalt  }
0x4a: {  	_ =	shalt  }
0x4b: {  	_ =	shalt  }
0x4c: {  	_ =	shalt  }
0x4d: {  	_ =	shalt  }
0x4e: {  	_ =	shalt  }
0x4f: {  	_ =	shalt  }
0x50: {  	_ =	shalt  }
0x51: {  	_ =	shalt  }
0x52: {  	_ =	shalt  }
0x53: {  	_ =	shalt  }
0x54: {  	_ =	shalt  }
0x55: {  	_ =	shalt  }
0x56: {  	_ =	shalt  }
0x57: {  	_ =	shalt  }
0x58: {  	_ =	shalt  }
0x59: {  	_ =	shalt  }
0x5a: {  	_ =	shalt  }
0x5b: {  	_ =	shalt  }
0x5c: {  	_ =	shalt  }
0x5d: {  	_ =	shalt  }
0x5e: {  	_ =	shalt  }
0x5f: {  	_ =	shalt  }
0x60: {  	_ =	shalt  }
0x61: {  	_ =	shalt  }
0x62: {  	_ =	shalt  }
0x63: {  	_ =	shalt  }
0x64: {  	_ =	shalt  }
0x65: {  	_ =	shalt  }
0x66: {  	_ =	shalt  }
0x67: {  	_ =	shalt  }
0x68: {  	_ =	shalt  }
0x69: {  	_ =	shalt  }
0x6a: {  	_ =	shalt  }
0x6b: {  	_ =	shalt  }
0x6c: {  	_ =	shalt  }
0x6d: {  	_ =	shalt  }
0x6e: {  	_ =	shalt  }
0x6f: {  	_ =	shalt  }
0x70: {  	_ =	shalt  }
0x71: {  	_ =	shalt  }
0x72: {  	_ =	shalt  }
0x73: {  	_ =	shalt  }
0x74: {  	_ =	shalt  }
0x75: {  	_ =	shalt  }
0x76: {  	_ =	shalt  }
0x77: {  	_ =	shalt  }
0x78: {  	_ =	shalt  }
0x79: {  	_ =	shalt  }
0x7a: {  	_ =	shalt  }
0x7b: {  	_ =	shalt  }
0x7c: {  	_ =	shalt  }
0x7d: {  	_ =	shalt  }
0x7e: {  	_ =	shalt  }
0x7f: {  	_ =	shalt  }
0x80: {  	_ =	shalt  }
0x81: {  	_ =	shalt  }
0x82: {  	_ =	shalt  }
0x83: {  	_ =	shalt  }
0x84: {  	_ =	shalt  }
0x85: {  	_ =	shalt  }
0x86: {  	_ =	shalt  }
0x87: {  	_ =	shalt  }
.Lfunc_end0:
.L_simem_size_0:
called_computation.3_lowered:
.L_overlay_start_0:
0x88: {  	s2 =	sld [smem:$0x3FD9]  }
0x89: {  	s3 =	sld [smem:$0x3FFE];
	_ =	sdelay $0x1  }
0x8a: {  	s1 =	srdreg.scid  }
0x8b: {  	s0 =	sand.u32 $0x1, s1  }
0x8c: {  	s16 =	sshll.u32 s0, $0xA;
	s2 =	sadd.s32 s3, s2  }
0x8d: {  	s2 =	sadd.s32 s2, s16  }
0x8e: {  	[smem:$0x3FBB] =	sst s2  }
0x8f: {  	_ = 	snop  }
0x90: {  	(tm) =	ssettm $0x1  }
0x91: {  	s17 =	sld [smem:$0x3FFB];
	_ =	sdelay $0x3  }
0x92: {  	_ =	strace s17  }
0x93: {  	s2 =	sld [smem:$0x3FFC];
	_ =	sdelay $0x3  }
0x94: {  	_ =	strace s2  }
0x95: {  	s2 =	sld [smem:$0x3FFD];
	_ =	sdelay $0x3  }
0x96: {  	_ =	strace s2  }
0x97: {  	_ =	strace $0x8FFFFFFF  }
0x98: {  	s18 =	sld [smem:$0x3FDB];
	_ =	sdelay $0x1  }
0x99: {  	s19 =	simm.s32 $_scs_section_size  }
0x9a: {  	s4 =	simm.s32 $_size__tile_overlayer_lowered;
	s5 =	simm.s32 $_tile_overlayer_lowered  }
0x9b: {  	s22 =	simm.s32 $0x1BFF;
	s21 =	sshll.u32 s5, $0x1;
	s2 =	sadd.s32 s19, s18  }
0x9c: {  	s6 =	simm.s32 $0x0;
	s20 =	sshll.u32 s4, $0x1;
	s4 =	sadd.s32 s21, s2  }
0x9d: {  	[timem:s6], [sflag:s22] =	dma.local [hbm:s4], s20  }
0x9e: {  	_ =	swait.ge [sflag:s22], s20  }
0x9f: {  	s3 =	ssub.s32 $0x0, s20;
	[sflag:s22] =	ssyncset.done $0x0  }
0xa0: {  	[sflag:s22] =	ssyncadd.s32 s3;
	_ =	sdelay $0x1  }
0xa1: {  	s23 =	simm.s32 $0x1B8B  }
0xa2: {  	_ =	swait.ge [sflag:s23], $0x1  }
0xa3: {  	[sflag:s23] =	ssyncset.done $0x0  }
0xa4: {  	s25 =	simm.s32 $0x1B8E;
	s24 =	sld [smem:$0x3FFE];
	[sflag:s23] =	ssyncadd.s32 $0xFFFFFFFF  }
0xa5: {  	s26 =	simm.s32 $execute0_lowered;
	[smem:$0x3FD2] =	sst s25  }
0xa6: {  	s4 =	sshll.u32 s26, $0x1;
	_ =	strace $0x8000004F;
	[dreg:$0x1] =	wrdreg $0xFFFFFFFF  }
0xa7: {  	s28 =	simm.s32 $_size_execute0_lowered;
	s2 =	sadd.s32 s2, s4;
	[dreg:$0x0] =	wrdreg $0x0  }
0xa8: {  	s4 =	sshll.u32 s28, $0x1;
	[dreg:$0x2] =	wrdreg s2  }
0xa9: {  	[dreg:$0x3] =	wrdreg s4  }
0xaa: {  	[dreg:$0x4] =	wrdreg $0xC0  }
0xab: {  	_ =	task [dreg:s6], $0x5FFFF  }
0xac: {  	[dreg:$0x1] =	wrdreg $0xFFFFFFFF  }
0xad: {  	[dreg:$0x0] =	wrdreg $0x60  }
0xae: {  	[dreg:$0x2] =	wrdreg s24  }
0xaf: {  	[dreg:$0x3] =	wrdreg $0xB0000  }
0xb0: {  	[dreg:$0x4] =	wrdreg $0x9  }
0xb1: {  	_ =	task.clear_ibuf [dreg:s6], $0x5FFFF;
	_ =	strace $0x9000004F  }
0xb2: {  	s29 =	simm.s32 $0x9;
	_ =	strace $0x80000051  }
0xb3: {  	_ =	swait.ge [sflag:s29], $0x1  }
0xb4: {  	[sflag:s29] =	ssyncadd.s32 $0xFFFFFFFF  }
0xb5: {  	_ =	strace $0x90000051  }
0xb6: {  	_ =	sfence  }
0xb7: {  	s30 =	sld [smem:$0x0];
	_ =	sdelay $0x2  }
0xb8: {  	s31 =	sshll.u32 s1, $0xD;
	s1 =	sshrl.u32 s1, $0x2  }
0xb9: {  	s3 =	sand.u32 $0x4000, s31;
	s1 =	sadd.s32 s1, s30  }
0xba: {  	s0 =	sor.u32 s3, s0;
	s1 =	sshll.u32 s1, $0x11  }
0xbb: {  	s0 =	sor.u32 s1, s0  }
0xbc: {  	s0 =	sadd.s32 $0x8F2B, s0  }
0xbd: {  	[sflag:s0] =	ssyncadd.remote.s32 $0x1  }
0xbe: {  	_ =	sfence.sel $0xFFFF  }
0xbf: {  	[dreg:$0x0] =	wrdreg $0xFFFFFFFF;
	(pc) =	sbr.abs _section_cstart, $3  }
0xc0: {  	[dreg:$0x1] =	wrdreg $0xFFFFFFFF  }
0xc1: {  	_ =	task.clear_ibuf [dreg:s6], $0x2FFFF;
	_ =	strace $0x9FFFFFFF  }
0xc2: {  	(tm) =	ssettm $0x7FFFFFFF  }
0xc3: {  	_ =	shalt  }
tec
execute0_lowered:
.L_overlay_start_1:
0x0: {  	(tag) =	ssettag $0x1  }
0x1: {  	s6 =	rddreg [dreg:$0x0];
	s1 =	srdreg.scid  }
0x2: {  	s0 =	stileid.u32;
	s2 =	rddreg [dreg:$0x1];
	s3 =	simm.s32 $0x0  }
0x3: {  	s22 =	simm.s32 $0x80;
	s23 =	simm.s32 $0x5000;
	s24 =	simm.s32 $0x7000  }
0x4: {  	s25 =	simm.s32 $0x1;
	s26 =	simm.s32 $0x2;
	s28 =	simm.s32 $0x0  }
0x5: {  	s9 =	sand.u32 $0x1, s1;
	s4 =	sshll.u32 s0, $0x1;
	[smem:$0x7FF] =	sst s3  }
0x6: {  	s12 =	smul.u32 $0xA000, s0;
	s17 =	sadd.s32 $0x2FA00, s6;
	s4 =	sor.u32 s9, s4  }
0x7: {  	_ =	strace $0x80000050;
	s8 =	ssub.s32 $0x2, s9;
	s19 =	smul.u32 $0xA0000, s9  }
0x8: {  	s5 =	smul.u32 $0x500, s4;
	s4 =	sadd.s32 $0x1BA00, s6;
	s10 =	sshrl.u32 s8, $0x1  }
0x9: {  	s13 =	sadd.s32 $0x2000, s12;
	s15 =	sadd.s32 $0x4000, s12;
	s16 =	sadd.s32 $0x6000, s12  }
0xa: {  	s20 =	sadd.s32 $0x8000, s12;
	s18 =	ssub.s32 s8, s10;
	s8 =	sadd.s32 s12, s2  }
0xb: {  	s9 =	sadd.s32 s13, s2;
	s10 =	sadd.s32 s15, s2;
	s11 =	sadd.s32 s16, s2  }
0xc: {  	s14 =	sadd.s32 s12, s19;
	s13 =	sadd.s32 s19, s13;
	s12 =	sadd.s32 s20, s2  }
0xd: {  	s15 =	sadd.s32 s19, s15;
	s16 =	sadd.s32 s19, s16;
	s19 =	sadd.s32 s19, s20  }
0xe: {  	s20 =	simm.s32 $0x2800;
	s7 =	sadd.s32 s5, s6;
	s5 =	sadd.s32 $0xC600, s6  }
0xf: {  	s14 =	sshrl.u32 s14, $0x3;
	s21 =	sshrl.u32 s13, $0x3;
	s15 =	sshrl.u32 s15, $0x3  }
0x10: {  	s16 =	sshrl.u32 s16, $0x3;
	s19 =	sshrl.u32 s19, $0x3;
	s18 =	smax.u32 s18, $0x1  }
0x11: {  	s6 =	sadd.s32 $0x11A00, s7;
	s7 =	sadd.s32 $0x2600, s7;
	s13 =	sadd.s32 s17, s14  }
0x12: {  	s14 =	sadd.s32 s17, s21;
	s15 =	sadd.s32 s17, s15;
	s16 =	sadd.s32 s17, s16  }
0x13: {  	s17 =	sadd.s32 s17, s19;
	s19 =	simm.s32 $0x3;
	s21 =	simm.s32 $0x9000  }
.LBB2_1:
0x14: {  	[tilespmem:s3], [sflag:$0x3] =	stream.linear.gather [hbm4b:s6+s3], $0x2800, $0x38;
	[tilespmem:$0x15000] =	vst v63  }
0x15: {  	_ =	swait.ge [sflag:s19], $0x2800  }
0x16: {  	[sflag:s19] =	ssyncset.done $0x0  }
0x17: {  	[sflag:s19] =	ssyncadd.s32 $0xFFFFD800  }
0x18: {  	[tilespmem:s20], [sflag:$0x3] =	stream.linear.gather [hbm4b:s7+s3], $0x2800, $0x38;
	[tilespmem:$0x15000] =	vst v63  }
0x19: {  	_ =	swait.ge [sflag:s19], $0x2800  }
0x1a: {  	[sflag:s19] =	ssyncset.done $0x0  }
0x1b: {  	[sflag:s19] =	ssyncadd.s32 $0xFFFFD800  }
0x1c: {  	[tilespmem:s21], [sflag:$0x3] =	stream.linear.gather [hbm4b:s5+s3], $0x2000, $0x38;
	[tilespmem:$0x15000] =	vst v63  }
0x1d: {  	_ =	swait.ge [sflag:s19], $0x2000  }
0x1e: {  	[sflag:s19] =	ssyncset.done $0x0  }
0x1f: {  	[sflag:s19] =	ssyncadd.s32 $0xFFFFE000  }
0x20: {  	[spmem:s8] =	stream.linear.scatter [tilespmem:s21], [sflag:$0x3], $0x2000, $0x38;
	[tilespmem:$0x15000] =	vst v63  }
0x21: {  	_ =	swait.ge [sflag:s19], $0x2000  }
0x22: {  	[sflag:s19] =	ssyncset.done $0x0  }
0x23: {  	[sflag:s19] =	ssyncadd.s32 $0xFFFFE000  }
0x24: {  	[spmem:s9] =	stream.linear.scatter [tilespmem:s21], [sflag:$0x3], $0x2000, $0x38;
	[tilespmem:$0x15000] =	vst v63  }
0x25: {  	_ =	swait.ge [sflag:s19], $0x2000  }
0x26: {  	[sflag:s19] =	ssyncset.done $0x0  }
0x27: {  	[sflag:s19] =	ssyncadd.s32 $0xFFFFE000  }
0x28: {  	[spmem:s10] =	stream.linear.scatter [tilespmem:s21], [sflag:$0x3], $0x2000, $0x38;
	[tilespmem:$0x15000] =	vst v63  }
0x29: {  	_ =	swait.ge [sflag:s19], $0x2000  }
0x2a: {  	[sflag:s19] =	ssyncset.done $0x0  }
0x2b: {  	[sflag:s19] =	ssyncadd.s32 $0xFFFFE000  }
0x2c: {  	[spmem:s11] =	stream.linear.scatter [tilespmem:s21], [sflag:$0x3], $0x2000, $0x38;
	[tilespmem:$0x15000] =	vst v63  }
0x2d: {  	_ =	swait.ge [sflag:s19], $0x2000  }
0x2e: {  	[sflag:s19] =	ssyncset.done $0x0  }
0x2f: {  	[sflag:s19] =	ssyncadd.s32 $0xFFFFE000  }
0x30: {  	[spmem:s12] =	stream.linear.scatter [tilespmem:s21], [sflag:$0x3], $0x2000, $0x38;
	[tilespmem:$0x15000] =	vst v63  }
0x31: {  	_ =	swait.ge [sflag:s19], $0x2000  }
0x32: {  	[sflag:s19] =	ssyncset.done $0x0  }
0x33: {  	[sflag:s19] =	ssyncadd.s32 $0xFFFFE000  }
0x34: {  	s29 =	simm.s32 $0x0;
	[bflag:$0x0] =	sbarrier.arrive $0xFFFF  }
0x35: {  	[tilespmem:s23], [sflag:$0x1] =	stream.indirect.gather [hbm4b:s4+s22], $0x40, s29, s22, $0xb8;
	[tilespmem:$0x15000] =	vst v63  }
0x36: {  	s29 =	simm.s32 $0x80  }
0x37: {  	[tilespmem:s24], [sflag:$0x1] =	stream.indirect.gather [hbm4b:s4+s22], $0x40, s29, s22, $0xb8;
	[tilespmem:$0x15000] =	vst v63  }
0x38: {  	_ =	swait.ge [sflag:s25], $0x2000  }
0x39: {  	[sflag:s25] =	ssyncset.done $0x0  }
0x3a: {  	s29 =	simm.s32 $0x2800;
	[sflag:s25] =	ssyncadd.s32 $0xFFFFE000  }
0x3b: {  	[spmem:s2] =	stream.indirect.scatter.add.f32 [tilespmem:s23], [sflag:$0x2], $0x40, s29, s22, $0xb8;
	[tilespmem:$0x15000] =	vst v63  }
0x3c: {  	_ =	swait.ge [sflag:s25], $0x2000  }
0x3d: {  	[sflag:s25] =	ssyncset.done $0x0  }
0x3e: {  	s29 =	simm.s32 $0x2880;
	[sflag:s25] =	ssyncadd.s32 $0xFFFFE000  }
0x3f: {  	[spmem:s2] =	stream.indirect.scatter.add.f32 [tilespmem:s24], [sflag:$0x2], $0x40, s29, s22, $0xb8;
	[tilespmem:$0x15000] =	vst v63  }
0x40: {  	_ =	swait.ge [sflag:s26], $0x2000  }
0x41: {  	[sflag:s26] =	ssyncset.done $0x0  }
0x42: {  	[sflag:s26] =	ssyncadd.s32 $0xFFFFE000  }
0x43: {  	_ =	swait.ge [sflag:s26], $0x2000  }
0x44: {  	s30 =	simm.s32 $0x800;
	s29 =	simm.s32 $0x400;
	[sflag:s26] =	ssyncset.done $0x0  }
.LBB2_2:
0x45: {  	s31 =	sshra.s32 s29, $0x2  }
0x46: {  	[sflag:s26] =	ssyncadd.s32 $0xFFFFE000;
	s29 =	smov.u32 s30;
	s1 =	sadd.s32 $0x400, s30  }
0x47: {  	[tilespmem:s23], [sflag:$0x1] =	stream.indirect.gather [hbm4b:s4+s22], $0x40, s31, s22, $0xb8;
	[tilespmem:$0x15000] =	vst v63  }
0x48: {  	p0 =	sne.s32 s30, $0x9C00;
	s30 =	sadd.s32 $0x80, s31  }
0x49: {  	[tilespmem:s24], [sflag:$0x1] =	stream.indirect.gather [hbm4b:s4+s22], $0x40, s30, s22, $0xb8;
	[tilespmem:$0x15000] =	vst v63  }
0x4a: {  	_ =	swait.ge [sflag:s25], $0x2000  }
0x4b: {  	[sflag:s25] =	ssyncset.done $0x0  }
0x4c: {  	s30 =	sadd.s32 $0x2800, s31;
	[sflag:s25] =	ssyncadd.s32 $0xFFFFE000  }
0x4d: {  	[spmem:s2] =	stream.indirect.scatter.add.f32 [tilespmem:s23], [sflag:$0x2], $0x40, s30, s22, $0xb8;
	[tilespmem:$0x15000] =	vst v63  }
0x4e: {  	_ =	swait.ge [sflag:s25], $0x2000  }
0x4f: {  	[sflag:s25] =	ssyncset.done $0x0  }
0x50: {  	s30 =	sadd.s32 $0x2880, s31;
	[sflag:s25] =	ssyncadd.s32 $0xFFFFE000  }
0x51: {  	[spmem:s2] =	stream.indirect.scatter.add.f32 [tilespmem:s24], [sflag:$0x2], $0x40, s30, s22, $0xb8;
	[tilespmem:$0x15000] =	vst v63  }
.Ltmp0:
0x52: {  	_ =	swait.ge [sflag:s26], $0x2000;
	(pc) =	sbr.rel @p0 .LBB2_2-.Ltmp0, $4  }
0x53: {  	[sflag:s26] =	ssyncset.done $0x0  }
0x54: {  	[sflag:s26] =	ssyncadd.s32 $0xFFFFE000  }
0x55: {  	_ =	swait.ge [sflag:s26], $0x2000  }
0x56: {  	s30 =	smov.u32 s1;
	[sflag:s26] =	ssyncset.done $0x0  }
0x57: {  	s1 =	sshra.s32 s29, $0x2;
	[sflag:s26] =	ssyncadd.s32 $0xFFFFE000  }
0x58: {  	[tilespmem:s23], [sflag:$0x1] =	stream.indirect.gather [hbm4b:s4+s22], $0x40, s1, s22, $0xb8;
	[tilespmem:$0x15000] =	vst v63  }
0x59: {  	s29 =	sadd.s32 $0x80, s1  }
0x5a: {  	[tilespmem:s24], [sflag:$0x1] =	stream.indirect.gather [hbm4b:s4+s22], $0x40, s29, s22, $0xb8;
	[tilespmem:$0x15000] =	vst v63  }
0x5b: {  	_ =	swait.ge [sflag:s25], $0x2000  }
0x5c: {  	[sflag:s25] =	ssyncset.done $0x0  }
0x5d: {  	s31 =	sadd.s32 $0x2800, s1;
	[sflag:s25] =	ssyncadd.s32 $0xFFFFE000  }
0x5e: {  	[spmem:s2] =	stream.indirect.scatter.add.f32 [tilespmem:s23], [sflag:$0x2], $0x40, s31, s22, $0xb8;
	[tilespmem:$0x15000] =	vst v63  }
0x5f: {  	_ =	swait.ge [sflag:s25], $0x2000  }
0x60: {  	[sflag:s25] =	ssyncset.done $0x0  }
0x61: {  	s1 =	sadd.s32 $0x2880, s1;
	[sflag:s25] =	ssyncadd.s32 $0xFFFFE000  }
0x62: {  	[spmem:s2] =	stream.indirect.scatter.add.f32 [tilespmem:s24], [sflag:$0x2], $0x40, s1, s22, $0xb8;
	[tilespmem:$0x15000] =	vst v63  }
0x63: {  	_ =	swait.ge [sflag:s26], $0x2000  }
0x64: {  	[sflag:s26] =	ssyncset.done $0x0  }
0x65: {  	[sflag:s26] =	ssyncadd.s32 $0xFFFFE000  }
0x66: {  	_ =	swait.ge [sflag:s26], $0x2000  }
0x67: {  	[sflag:s26] =	ssyncset.done $0x0  }
0x68: {  	s30 =	sshll.u32 s0, $0x6;
	[sflag:s26] =	ssyncadd.s32 $0xFFFFE000  }
0x69: {  	s31 =	sshrl.u32 s8, $0x3;
	s1 =	sor.u32 $0x1C03, s30;
	[bflag:$0x0] =	sbarrier.arrive $0xFFFF  }
0x6a: {  	[hbm:s13], [sflag:s1] =	dma.local [spmem:s31], $0x400  }
0x6b: {  	_ =	swait.ge [sflag:s19], $0x400  }
0x6c: {  	[sflag:s19] =	ssyncset.done $0x0  }
0x6d: {  	s30 =	sshrl.u32 s9, $0x3;
	[sflag:s19] =	ssyncadd.s32 $0xFFFFFC00  }
0x6e: {  	[hbm:s14], [sflag:s1] =	dma.local [spmem:s30], $0x400  }
0x6f: {  	_ =	swait.ge [sflag:s19], $0x400  }
0x70: {  	[sflag:s19] =	ssyncset.done $0x0  }
0x71: {  	s31 =	sshrl.u32 s10, $0x3;
	[sflag:s19] =	ssyncadd.s32 $0xFFFFFC00  }
0x72: {  	[hbm:s15], [sflag:s1] =	dma.local [spmem:s31], $0x400  }
0x73: {  	_ =	swait.ge [sflag:s19], $0x400  }
0x74: {  	[sflag:s19] =	ssyncset.done $0x0  }
0x75: {  	s30 =	sshrl.u32 s11, $0x3;
	[sflag:s19] =	ssyncadd.s32 $0xFFFFFC00  }
0x76: {  	[hbm:s16], [sflag:s1] =	dma.local [spmem:s30], $0x400  }
0x77: {  	s28 =	sadd.s32 $0x1, s28;
	_ =	swait.ge [sflag:s19], $0x400  }
0x78: {  	p0 =	sne.s32 s28, s18;
	[sflag:s19] =	ssyncset.done $0x0  }
.Ltmp1:
0x79: {  	s31 =	sshrl.u32 s12, $0x3;
	[sflag:s19] =	ssyncadd.s32 $0xFFFFFC00;
	(pc) =	sbr.rel @p0 .LBB2_1-.Ltmp1, $4  }
0x7a: {  	[hbm:s17], [sflag:s1] =	dma.local [spmem:s31], $0x400  }
0x7b: {  	_ =	swait.ge [sflag:s19], $0x400  }
0x7c: {  	[sflag:s19] =	ssyncset.done $0x0  }
0x7d: {  	[sflag:s19] =	ssyncadd.s32 $0xFFFFFC00  }
0x7e: {  	_ =	sfence.sel $0x180000  }
0x7f: {  	[bflag:$0x0] =	sbarrier.arrive $0xFFFF  }
0x80: {  	_ =	strace $0x90000050  }
0x81: {  	[bflag:$0x2] =	sbarrier.arrive $0xFFFF  }
0x82: {  	p0 =	sne.s32 s0, $0x0;
	s0 =	rddreg [dreg:$0x2]  }
0x83: {  	s0 =	sadd.s32 @!p0 $0x100000, s0  }
0x84: {  	[sflag:s0] =	ssyncadd.tile.s32 @!p0 $0x1;
	_ =	shalt  }
.Lfunc_end2:
_tile_overlayer_lowered:
.L_overlay_start_2:
0x85: {  	(tag) =	ssettag $0x2  }
0x86: {  	s0 =	rddreg [dreg:$0x0];
	s2 =	stileid.u32  }
0x87: {  	s1 =	rddreg [dreg:$0x1];
	p0 =	sne.s32 s2, $0x0  }
0x88: {  	s3 =	rddreg [dreg:$0x2];
	[bflag:$0x3] =	sbarrier.arrive $0xFFFF;
	s2 =	simm.s32 @!p0 $0x1C03  }
0x89: {  	[timem:s3], [sflag:s2] =	dma.local @!p0 [hbm:s0], s1  }
0x8a: {  	s0 =	simm.s32 @!p0 $0x3  }
0x8b: {  	_ =	swait.ge @!p0 [sflag:s0], s1  }
0x8c: {  	s1 =	ssub.s32 @!p0 $0x0, s1;
	[sflag:s0] =	ssyncset.done @!p0 $0x0  }
0x8d: {  	[sflag:s0] =	ssyncadd.s32 @!p0 s1  }
0x8e: {  	[bflag:$0x3] =	sbarrier.arrive $0xFFFF  }
0x8f: {  	_ =	shalt  }

</sc_bundles>
